<compile_context>
chip_gen: v7x
topology: tpu7x:2x2x1
jax: 0.10.2.dev20260603
libtpu: 0.0.44.dev20260713+nightly
codegen_flags: <defaults>
</compile_context>

<pallas_src>
import functools
import jax
import jax.numpy as jnp
from jax import lax
from jax.experimental import pallas as pl
from jax.experimental.pallas import tpu as pltpu
from jax.experimental.pallas import tpu_sc as plsc

NC, NS, L = 2, 16, 16
NW = NC * NS
N_COL = 2048
D = 8
CH = 16
NCV = N_COL // L
R = 4


def make_sc_kernel(n_rows):
    rpw = n_rows // NW
    nch = rpw // CH
    assert rpw % CH == 0
    mesh = plsc.VectorSubcoreMesh(core_axis_name="c", subcore_axis_name="s")

    @functools.partial(
        pl.kernel,
        out_type=jax.ShapeDtypeStruct((n_rows, N_COL), jnp.float32),
        mesh=mesh,
        scratch_types=[
            pltpu.VMEM((D, N_COL), jnp.float32),
            pltpu.VMEM((rpw * D * L,), jnp.float32),
            pltpu.VMEM((2, CH, N_COL), jnp.float32),
            pltpu.SemaphoreType.DMA,
            pltpu.SemaphoreType.DMA,
            pltpu.SemaphoreType.DMA,
        ],
    )
    def sc_rbf(xrep_hbm, yt_hbm, out_hbm, yt_v, xs_v, ob_v, sem0, sem1, semi):
        wid = lax.axis_index("s") * NC + lax.axis_index("c")
        base = wid * rpw
        pltpu.async_copy(yt_hbm, yt_v, semi).wait()
        pltpu.async_copy(xrep_hbm.at[pl.ds(base * D * L, rpw * D * L)], xs_v, semi).wait()
        sems = [sem0, sem1]
        descs = [None, None]
        for ch in range(nch):
            b = ch % 2
            if descs[b] is not None:
                descs[b].wait()

            def group_body(g, _):
                rr0 = g * R
                r0 = ch * CH + rr0
                xv = [[xs_v[pl.ds(((r0 + i) * D + d) * L, L)]
                       for d in range(D)] for i in range(R)]

                def col_body(c, _c):
                    cs = c * L
                    yv = [yt_v[d, pl.ds(cs, L)] for d in range(D)]
                    for i in range(R):
                        acc = None
                        for d in range(D):
                            t = yv[d] - xv[i][d]
                            t = t * t
                            acc = t if acc is None else acc + t
                        ob_v[b, rr0 + i, pl.ds(cs, L)] = jnp.exp(acc * -0.5)
                    return _c

                return lax.fori_loop(0, NCV, col_body, _)

            lax.fori_loop(0, CH // R, group_body, 0)
            descs[b] = pltpu.async_copy(
                ob_v.at[b], out_hbm.at[pl.ds(base + ch * CH, CH)], sems[b])
        for dsc in descs:
            if dsc is not None:
                dsc.wait()

    return sc_rbf


def sc_kernel(x, y):
    n_rows = x.shape[0]
    yt = y.T
    xrep = jnp.broadcast_to(x[:, :, None], (n_rows, D, L)).reshape(n_rows * D * L)
    return make_sc_kernel(n_rows)(xrep, yt)


def kernel(x, y):
    return sc_kernel(x, y)

# --- scband reference (transcript-rebuilt; emitter-appended) ---
"""Pipeline reference for scband-sympy-kernel-61710090109719 (READ-ONLY COPY).

The authoritative reference and input builder live on the scoring server;
editing this copy changes nothing except your own understanding.
"""

import jax, jax.numpy as jnp
import numpy as np

N_ROW, N_COL, DIM = 2048, 2048, 8


def setup_inputs(seed: int = 0) -> dict:
    key = jax.random.key(seed)
    k1, k2 = jax.random.split(key)
    x = jax.random.normal(k1, (N_ROW, DIM), dtype=jnp.float32)
    y = jax.random.normal(k2, (N_COL, DIM), dtype=jnp.float32)
    return {"x": x, "y": y}


def _sub_module(**arg_dict):
    # Concrete sympy-lambdified sub_module: RBF kernel over 8 symbolic vars.
    # k(x, y) = exp(-0.5 * sum_i (x_i - y_i)^2), applied column-wise to flat pair arrays.
    sq = None
    for i in range(DIM):
        d = arg_dict["x%d" % i] - arg_dict["y%d" % i]
        sq = d * d if sq is None else sq + d * d
    return jnp.exp(-0.5 * sq)


def reference(x, y):
    n_row = x.shape[0]
    n_col = y.shape[0]
    d = x.shape[-1]
    # torch.cartesian_prod(arange(n_row), arange(n_col)).T equivalent
    idx1 = jnp.repeat(jnp.arange(n_row), n_col)
    idx2 = jnp.tile(jnp.arange(n_col), n_row)
    x_ = jnp.take(x, idx1, axis=0)
    y_ = jnp.take(y, idx2, axis=0)
    arg_dict = {"x%d" % i: x_[:, i] for i in range(d)}
    arg_dict = {**arg_dict, **{"y%d" % i: y_[:, i] for i in range(d)}}
    out = _sub_module(**arg_dict)
    return out.reshape(n_row, n_col)

if __name__ == "__main__":
    import jax
    _d = setup_inputs()
    print(jax.jit(kernel)(*tuple(_d.values())))

</pallas_src>

<mosaic_0001>
#map = affine_map<(d0, d1) -> (0)>
#map1 = affine_map<(d0, d1) -> (0, 0)>
module attributes {stable_mosaic.version = 14 : i64} {
  func.func @sc_rbf(%arg0: i32, %arg1: i32, %arg2: memref<262144xf32, #tpu.memory_space<hbm>>, %arg3: memref<8x2048xf32, #tpu.memory_space<hbm>>, %arg4: memref<2048x2048xf32, #tpu.memory_space<hbm>>, %arg5: memref<8x2048xf32, #tpu.memory_space<vmem>>, %arg6: memref<8192xf32, #tpu.memory_space<vmem>>, %arg7: memref<2x16x2048xf32, #tpu.memory_space<vmem>>, %arg8: memref<!tpu.dma_semaphore, #tpu.memory_space<semaphore_mem>>, %arg9: memref<!tpu.dma_semaphore, #tpu.memory_space<semaphore_mem>>, %arg10: memref<!tpu.dma_semaphore, #tpu.memory_space<semaphore_mem>>) attributes {dimension_semantics = [#tpu.dimension_semantics<core_parallel>, #tpu.dimension_semantics<subcore_parallel>], iteration_bounds = array<i64: 2, 16>, scalar_prefetch = 0 : i64, scratch_operands = 6 : i64, tpu.core_type = #tpu.core_type<sc_vector_subcore>, window_params = [{transform_indices = #map}, {transform_indices = #map1}, {transform_indices = #map1}]} {
    %mul3A = arith.constant 2 : i32
    %mul3A_0 = arith.muli %arg1, %mul3A : i32
    %add3A = arith.addi %mul3A_0, %arg0 : i32
    %mul3A_1 = arith.constant 64 : i32
    %mul3A_2 = arith.muli %add3A, %mul3A_1 : i32
    tpu.enqueue_dma source(%arg3 : memref<8x2048xf32, #tpu.memory_space<hbm>>) target(%arg5 : memref<8x2048xf32, #tpu.memory_space<vmem>>) target_semaphore(%arg10 : memref<!tpu.dma_semaphore, #tpu.memory_space<semaphore_mem>>)
    tpu.wait_dma2 semaphore(%arg10 : memref<!tpu.dma_semaphore, #tpu.memory_space<semaphore_mem>>) src(%arg3 : memref<8x2048xf32, #tpu.memory_space<hbm>>) dst(%arg5 : memref<8x2048xf32, #tpu.memory_space<vmem>>)
    %mul3A_3 = arith.constant 8 : i32
    %mul3A_4 = arith.muli %mul3A_2, %mul3A_3 : i32
    %mul3A_5 = arith.constant 16 : i32
    %mul3A_6 = arith.muli %mul3A_4, %mul3A_5 : i32
    %dma_start3A = tpu.memref_slice %arg2[%mul3A_6] : memref<262144xf32, #tpu.memory_space<hbm>> -> memref<8192xf32, #tpu.memory_space<hbm>>
    %dma_start3A_7 = tpu.memref_slice %arg2[%mul3A_6] : memref<262144xf32, #tpu.memory_space<hbm>> -> memref<8192xf32, #tpu.memory_space<hbm>>
    tpu.enqueue_dma source(%dma_start3A_7 : memref<8192xf32, #tpu.memory_space<hbm>>) target(%arg6 : memref<8192xf32, #tpu.memory_space<vmem>>) target_semaphore(%arg10 : memref<!tpu.dma_semaphore, #tpu.memory_space<semaphore_mem>>)
    %dma_wait3A = tpu.memref_slice %arg2[%mul3A_6] : memref<262144xf32, #tpu.memory_space<hbm>> -> memref<8192xf32, #tpu.memory_space<hbm>>
    %dma_wait3A_8 = tpu.memref_slice %arg2[%mul3A_6] : memref<262144xf32, #tpu.memory_space<hbm>> -> memref<8192xf32, #tpu.memory_space<hbm>>
    tpu.wait_dma2 semaphore(%arg10 : memref<!tpu.dma_semaphore, #tpu.memory_space<semaphore_mem>>) src(%dma_wait3A_8 : memref<8192xf32, #tpu.memory_space<hbm>>) dst(%arg6 : memref<8192xf32, #tpu.memory_space<vmem>>)
    %scan3A = arith.constant 0 : i32
    %scan3A_9 = arith.constant 0 : i32
    %scan3A_10 = arith.constant 4 : i32
    %scan3A_11 = arith.addi %scan3A_9, %scan3A_10 : i32
    %scan3A_12 = arith.constant 1 : i32
    scf.for %scan3A_144 = %scan3A_9 to %scan3A_11 step %scan3A_12  : i32 {
      %mul3A_145 = arith.constant 4 : i32
      %mul3A_146 = arith.muli %scan3A_144, %mul3A_145 : i32
      %add3A_147 = arith.constant 0 : i32
      %add3A_148 = arith.addi %add3A_147, %mul3A_146 : i32
      %add3A_149 = arith.constant 0 : i32
      %add3A_150 = arith.addi %add3A_148, %add3A_149 : i32
      %mul3A_151 = arith.constant 8 : i32
      %mul3A_152 = arith.muli %add3A_150, %mul3A_151 : i32
      %add3A_153 = arith.constant 0 : i32
      %add3A_154 = arith.addi %mul3A_152, %add3A_153 : i32
      %mul3A_155 = arith.constant 16 : i32
      %mul3A_156 = arith.muli %add3A_154, %mul3A_155 : i32
      %get3A = arith.index_cast %mul3A_156 : i32 to index
      %get3A_157 = tpu.vector_load %arg6[%get3A] {strides = array<i32>} : memref<8192xf32, #tpu.memory_space<vmem>>, vector<16xf32>,
      %get3A_158 = vector.shape_cast %get3A_157 : vector<16xf32> to vector<16xf32>
      %add3A_159 = arith.constant 0 : i32
      %add3A_160 = arith.addi %add3A_148, %add3A_159 : i32
      %mul3A_161 = arith.constant 8 : i32
      %mul3A_162 = arith.muli %add3A_160, %mul3A_161 : i32
      %add3A_163 = arith.constant 1 : i32
      %add3A_164 = arith.addi %mul3A_162, %add3A_163 : i32
      %mul3A_165 = arith.constant 16 : i32
      %mul3A_166 = arith.muli %add3A_164, %mul3A_165 : i32
      %get3A_167 = arith.index_cast %mul3A_166 : i32 to index
      %get3A_168 = tpu.vector_load %arg6[%get3A_167] {strides = array<i32>} : memref<8192xf32, #tpu.memory_space<vmem>>, vector<16xf32>,
      %get3A_169 = vector.shape_cast %get3A_168 : vector<16xf32> to vector<16xf32>
      %add3A_170 = arith.constant 0 : i32
      %add3A_171 = arith.addi %add3A_148, %add3A_170 : i32
      %mul3A_172 = arith.constant 8 : i32
      %mul3A_173 = arith.muli %add3A_171, %mul3A_172 : i32
      %add3A_174 = arith.constant 2 : i32
      %add3A_175 = arith.addi %mul3A_173, %add3A_174 : i32
      %mul3A_176 = arith.constant 16 : i32
      %mul3A_177 = arith.muli %add3A_175, %mul3A_176 : i32
      %get3A_178 = arith.index_cast %mul3A_177 : i32 to index
      %get3A_179 = tpu.vector_load %arg6[%get3A_178] {strides = array<i32>} : memref<8192xf32, #tpu.memory_space<vmem>>, vector<16xf32>,
      %get3A_180 = vector.shape_cast %get3A_179 : vector<16xf32> to vector<16xf32>
      %add3A_181 = arith.constant 0 : i32
      %add3A_182 = arith.addi %add3A_148, %add3A_181 : i32
      %mul3A_183 = arith.constant 8 : i32
      %mul3A_184 = arith.muli %add3A_182, %mul3A_183 : i32
      %add3A_185 = arith.constant 3 : i32
      %add3A_186 = arith.addi %mul3A_184, %add3A_185 : i32
      %mul3A_187 = arith.constant 16 : i32
      %mul3A_188 = arith.muli %add3A_186, %mul3A_187 : i32
      %get3A_189 = arith.index_cast %mul3A_188 : i32 to index
      %get3A_190 = tpu.vector_load %arg6[%get3A_189] {strides = array<i32>} : memref<8192xf32, #tpu.memory_space<vmem>>, vector<16xf32>,
      %get3A_191 = vector.shape_cast %get3A_190 : vector<16xf32> to vector<16xf32>
      %add3A_192 = arith.constant 0 : i32
      %add3A_193 = arith.addi %add3A_148, %add3A_192 : i32
      %mul3A_194 = arith.constant 8 : i32
      %mul3A_195 = arith.muli %add3A_193, %mul3A_194 : i32
      %add3A_196 = arith.constant 4 : i32
      %add3A_197 = arith.addi %mul3A_195, %add3A_196 : i32
      %mul3A_198 = arith.constant 16 : i32
      %mul3A_199 = arith.muli %add3A_197, %mul3A_198 : i32
      %get3A_200 = arith.index_cast %mul3A_199 : i32 to index
      %get3A_201 = tpu.vector_load %arg6[%get3A_200] {strides = array<i32>} : memref<8192xf32, #tpu.memory_space<vmem>>, vector<16xf32>,
      %get3A_202 = vector.shape_cast %get3A_201 : vector<16xf32> to vector<16xf32>
      %add3A_203 = arith.constant 0 : i32
      %add3A_204 = arith.addi %add3A_148, %add3A_203 : i32
      %mul3A_205 = arith.constant 8 : i32
      %mul3A_206 = arith.muli %add3A_204, %mul3A_205 : i32
      %add3A_207 = arith.constant 5 : i32
      %add3A_208 = arith.addi %mul3A_206, %add3A_207 : i32
      %mul3A_209 = arith.constant 16 : i32
      %mul3A_210 = arith.muli %add3A_208, %mul3A_209 : i32
      %get3A_211 = arith.index_cast %mul3A_210 : i32 to index
      %get3A_212 = tpu.vector_load %arg6[%get3A_211] {strides = array<i32>} : memref<8192xf32, #tpu.memory_space<vmem>>, vector<16xf32>,
      %get3A_213 = vector.shape_cast %get3A_212 : vector<16xf32> to vector<16xf32>
      %add3A_214 = arith.constant 0 : i32
      %add3A_215 = arith.addi %add3A_148, %add3A_214 : i32
      %mul3A_216 = arith.constant 8 : i32
      %mul3A_217 = arith.muli %add3A_215, %mul3A_216 : i32
      %add3A_218 = arith.constant 6 : i32
      %add3A_219 = arith.addi %mul3A_217, %add3A_218 : i32
      %mul3A_220 = arith.constant 16 : i32
      %mul3A_221 = arith.muli %add3A_219, %mul3A_220 : i32
      %get3A_222 = arith.index_cast %mul3A_221 : i32 to index
      %get3A_223 = tpu.vector_load %arg6[%get3A_222] {strides = array<i32>} : memref<8192xf32, #tpu.memory_space<vmem>>, vector<16xf32>,
      %get3A_224 = vector.shape_cast %get3A_223 : vector<16xf32> to vector<16xf32>
      %add3A_225 = arith.constant 0 : i32
      %add3A_226 = arith.addi %add3A_148, %add3A_225 : i32
      %mul3A_227 = arith.constant 8 : i32
      %mul3A_228 = arith.muli %add3A_226, %mul3A_227 : i32
      %add3A_229 = arith.constant 7 : i32
      %add3A_230 = arith.addi %mul3A_228, %add3A_229 : i32
      %mul3A_231 = arith.constant 16 : i32
      %mul3A_232 = arith.muli %add3A_230, %mul3A_231 : i32
      %get3A_233 = arith.index_cast %mul3A_232 : i32 to index
      %get3A_234 = tpu.vector_load %arg6[%get3A_233] {strides = array<i32>} : memref<8192xf32, #tpu.memory_space<vmem>>, vector<16xf32>,
      %get3A_235 = vector.shape_cast %get3A_234 : vector<16xf32> to vector<16xf32>
      %add3A_236 = arith.constant 1 : i32
      %add3A_237 = arith.addi %add3A_148, %add3A_236 : i32
      %mul3A_238 = arith.constant 8 : i32
      %mul3A_239 = arith.muli %add3A_237, %mul3A_238 : i32
      %add3A_240 = arith.constant 0 : i32
      %add3A_241 = arith.addi %mul3A_239, %add3A_240 : i32
      %mul3A_242 = arith.constant 16 : i32
      %mul3A_243 = arith.muli %add3A_241, %mul3A_242 : i32
      %get3A_244 = arith.index_cast %mul3A_243 : i32 to index
      %get3A_245 = tpu.vector_load %arg6[%get3A_244] {strides = array<i32>} : memref<8192xf32, #tpu.memory_space<vmem>>, vector<16xf32>,
      %get3A_246 = vector.shape_cast %get3A_245 : vector<16xf32> to vector<16xf32>
      %add3A_247 = arith.constant 1 : i32
      %add3A_248 = arith.addi %add3A_148, %add3A_247 : i32
      %mul3A_249 = arith.constant 8 : i32
      %mul3A_250 = arith.muli %add3A_248, %mul3A_249 : i32
      %add3A_251 = arith.constant 1 : i32
      %add3A_252 = arith.addi %mul3A_250, %add3A_251 : i32
      %mul3A_253 = arith.constant 16 : i32
      %mul3A_254 = arith.muli %add3A_252, %mul3A_253 : i32
      %get3A_255 = arith.index_cast %mul3A_254 : i32 to index
      %get3A_256 = tpu.vector_load %arg6[%get3A_255] {strides = array<i32>} : memref<8192xf32, #tpu.memory_space<vmem>>, vector<16xf32>,
      %get3A_257 = vector.shape_cast %get3A_256 : vector<16xf32> to vector<16xf32>
      %add3A_258 = arith.constant 1 : i32
      %add3A_259 = arith.addi %add3A_148, %add3A_258 : i32
      %mul3A_260 = arith.constant 8 : i32
      %mul3A_261 = arith.muli %add3A_259, %mul3A_260 : i32
      %add3A_262 = arith.constant 2 : i32
      %add3A_263 = arith.addi %mul3A_261, %add3A_262 : i32
      %mul3A_264 = arith.constant 16 : i32
      %mul3A_265 = arith.muli %add3A_263, %mul3A_264 : i32
      %get3A_266 = arith.index_cast %mul3A_265 : i32 to index
      %get3A_267 = tpu.vector_load %arg6[%get3A_266] {strides = array<i32>} : memref<8192xf32, #tpu.memory_space<vmem>>, vector<16xf32>,
      %get3A_268 = vector.shape_cast %get3A_267 : vector<16xf32> to vector<16xf32>
      %add3A_269 = arith.constant 1 : i32
      %add3A_270 = arith.addi %add3A_148, %add3A_269 : i32
      %mul3A_271 = arith.constant 8 : i32
      %mul3A_272 = arith.muli %add3A_270, %mul3A_271 : i32
      %add3A_273 = arith.constant 3 : i32
      %add3A_274 = arith.addi %mul3A_272, %add3A_273 : i32
      %mul3A_275 = arith.constant 16 : i32
      %mul3A_276 = arith.muli %add3A_274, %mul3A_275 : i32
      %get3A_277 = arith.index_cast %mul3A_276 : i32 to index
      %get3A_278 = tpu.vector_load %arg6[%get3A_277] {strides = array<i32>} : memref<8192xf32, #tpu.memory_space<vmem>>, vector<16xf32>,
      %get3A_279 = vector.shape_cast %get3A_278 : vector<16xf32> to vector<16xf32>
      %add3A_280 = arith.constant 1 : i32
      %add3A_281 = arith.addi %add3A_148, %add3A_280 : i32
      %mul3A_282 = arith.constant 8 : i32
      %mul3A_283 = arith.muli %add3A_281, %mul3A_282 : i32
      %add3A_284 = arith.constant 4 : i32
      %add3A_285 = arith.addi %mul3A_283, %add3A_284 : i32
      %mul3A_286 = arith.constant 16 : i32
      %mul3A_287 = arith.muli %add3A_285, %mul3A_286 : i32
      %get3A_288 = arith.index_cast %mul3A_287 : i32 to index
      %get3A_289 = tpu.vector_load %arg6[%get3A_288] {strides = array<i32>} : memref<8192xf32, #tpu.memory_space<vmem>>, vector<16xf32>,
      %get3A_290 = vector.shape_cast %get3A_289 : vector<16xf32> to vector<16xf32>
      %add3A_291 = arith.constant 1 : i32
      %add3A_292 = arith.addi %add3A_148, %add3A_291 : i32
      %mul3A_293 = arith.constant 8 : i32
      %mul3A_294 = arith.muli %add3A_292, %mul3A_293 : i32
      %add3A_295 = arith.constant 5 : i32
      %add3A_296 = arith.addi %mul3A_294, %add3A_295 : i32
      %mul3A_297 = arith.constant 16 : i32
      %mul3A_298 = arith.muli %add3A_296, %mul3A_297 : i32
      %get3A_299 = arith.index_cast %mul3A_298 : i32 to index
      %get3A_300 = tpu.vector_load %arg6[%get3A_299] {strides = array<i32>} : memref<8192xf32, #tpu.memory_space<vmem>>, vector<16xf32>,
      %get3A_301 = vector.shape_cast %get3A_300 : vector<16xf32> to vector<16xf32>
      %add3A_302 = arith.constant 1 : i32
      %add3A_303 = arith.addi %add3A_148, %add3A_302 : i32
      %mul3A_304 = arith.constant 8 : i32
      %mul3A_305 = arith.muli %add3A_303, %mul3A_304 : i32
      %add3A_306 = arith.constant 6 : i32
      %add3A_307 = arith.addi %mul3A_305, %add3A_306 : i32
      %mul3A_308 = arith.constant 16 : i32
      %mul3A_309 = arith.muli %add3A_307, %mul3A_308 : i32
      %get3A_310 = arith.index_cast %mul3A_309 : i32 to index
      %get3A_311 = tpu.vector_load %arg6[%get3A_310] {strides = array<i32>} : memref<8192xf32, #tpu.memory_space<vmem>>, vector<16xf32>,
      %get3A_312 = vector.shape_cast %get3A_311 : vector<16xf32> to vector<16xf32>
      %add3A_313 = arith.constant 1 : i32
      %add3A_314 = arith.addi %add3A_148, %add3A_313 : i32
      %mul3A_315 = arith.constant 8 : i32
      %mul3A_316 = arith.muli %add3A_314, %mul3A_315 : i32
      %add3A_317 = arith.constant 7 : i32
      %add3A_318 = arith.addi %mul3A_316, %add3A_317 : i32
      %mul3A_319 = arith.constant 16 : i32
      %mul3A_320 = arith.muli %add3A_318, %mul3A_319 : i32
      %get3A_321 = arith.index_cast %mul3A_320 : i32 to index
      %get3A_322 = tpu.vector_load %arg6[%get3A_321] {strides = array<i32>} : memref<8192xf32, #tpu.memory_space<vmem>>, vector<16xf32>,
      %get3A_323 = vector.shape_cast %get3A_322 : vector<16xf32> to vector<16xf32>
      %add3A_324 = arith.constant 2 : i32
      %add3A_325 = arith.addi %add3A_148, %add3A_324 : i32
      %mul3A_326 = arith.constant 8 : i32
      %mul3A_327 = arith.muli %add3A_325, %mul3A_326 : i32
      %add3A_328 = arith.constant 0 : i32
      %add3A_329 = arith.addi %mul3A_327, %add3A_328 : i32
      %mul3A_330 = arith.constant 16 : i32
      %mul3A_331 = arith.muli %add3A_329, %mul3A_330 : i32
      %get3A_332 = arith.index_cast %mul3A_331 : i32 to index
      %get3A_333 = tpu.vector_load %arg6[%get3A_332] {strides = array<i32>} : memref<8192xf32, #tpu.memory_space<vmem>>, vector<16xf32>,
      %get3A_334 = vector.shape_cast %get3A_333 : vector<16xf32> to vector<16xf32>
      %add3A_335 = arith.constant 2 : i32
      %add3A_336 = arith.addi %add3A_148, %add3A_335 : i32
      %mul3A_337 = arith.constant 8 : i32
      %mul3A_338 = arith.muli %add3A_336, %mul3A_337 : i32
      %add3A_339 = arith.constant 1 : i32
      %add3A_340 = arith.addi %mul3A_338, %add3A_339 : i32
      %mul3A_341 = arith.constant 16 : i32
      %mul3A_342 = arith.muli %add3A_340, %mul3A_341 : i32
      %get3A_343 = arith.index_cast %mul3A_342 : i32 to index
      %get3A_344 = tpu.vector_load %arg6[%get3A_343] {strides = array<i32>} : memref<8192xf32, #tpu.memory_space<vmem>>, vector<16xf32>,
      %get3A_345 = vector.shape_cast %get3A_344 : vector<16xf32> to vector<16xf32>
      %add3A_346 = arith.constant 2 : i32
      %add3A_347 = arith.addi %add3A_148, %add3A_346 : i32
      %mul3A_348 = arith.constant 8 : i32
      %mul3A_349 = arith.muli %add3A_347, %mul3A_348 : i32
      %add3A_350 = arith.constant 2 : i32
      %add3A_351 = arith.addi %mul3A_349, %add3A_350 : i32
      %mul3A_352 = arith.constant 16 : i32
      %mul3A_353 = arith.muli %add3A_351, %mul3A_352 : i32
      %get3A_354 = arith.index_cast %mul3A_353 : i32 to index
      %get3A_355 = tpu.vector_load %arg6[%get3A_354] {strides = array<i32>} : memref<8192xf32, #tpu.memory_space<vmem>>, vector<16xf32>,
      %get3A_356 = vector.shape_cast %get3A_355 : vector<16xf32> to vector<16xf32>
      %add3A_357 = arith.constant 2 : i32
      %add3A_358 = arith.addi %add3A_148, %add3A_357 : i32
      %mul3A_359 = arith.constant 8 : i32
      %mul3A_360 = arith.muli %add3A_358, %mul3A_359 : i32
      %add3A_361 = arith.constant 3 : i32
      %add3A_362 = arith.addi %mul3A_360, %add3A_361 : i32
      %mul3A_363 = arith.constant 16 : i32
      %mul3A_364 = arith.muli %add3A_362, %mul3A_363 : i32
      %get3A_365 = arith.index_cast %mul3A_364 : i32 to index
      %get3A_366 = tpu.vector_load %arg6[%get3A_365] {strides = array<i32>} : memref<8192xf32, #tpu.memory_space<vmem>>, vector<16xf32>,
      %get3A_367 = vector.shape_cast %get3A_366 : vector<16xf32> to vector<16xf32>
      %add3A_368 = arith.constant 2 : i32
      %add3A_369 = arith.addi %add3A_148, %add3A_368 : i32
      %mul3A_370 = arith.constant 8 : i32
      %mul3A_371 = arith.muli %add3A_369, %mul3A_370 : i32
      %add3A_372 = arith.constant 4 : i32
      %add3A_373 = arith.addi %mul3A_371, %add3A_372 : i32
      %mul3A_374 = arith.constant 16 : i32
      %mul3A_375 = arith.muli %add3A_373, %mul3A_374 : i32
      %get3A_376 = arith.index_cast %mul3A_375 : i32 to index
      %get3A_377 = tpu.vector_load %arg6[%get3A_376] {strides = array<i32>} : memref<8192xf32, #tpu.memory_space<vmem>>, vector<16xf32>,
      %get3A_378 = vector.shape_cast %get3A_377 : vector<16xf32> to vector<16xf32>
      %add3A_379 = arith.constant 2 : i32
      %add3A_380 = arith.addi %add3A_148, %add3A_379 : i32
      %mul3A_381 = arith.constant 8 : i32
      %mul3A_382 = arith.muli %add3A_380, %mul3A_381 : i32
      %add3A_383 = arith.constant 5 : i32
      %add3A_384 = arith.addi %mul3A_382, %add3A_383 : i32
      %mul3A_385 = arith.constant 16 : i32
      %mul3A_386 = arith.muli %add3A_384, %mul3A_385 : i32
      %get3A_387 = arith.index_cast %mul3A_386 : i32 to index
      %get3A_388 = tpu.vector_load %arg6[%get3A_387] {strides = array<i32>} : memref<8192xf32, #tpu.memory_space<vmem>>, vector<16xf32>,
      %get3A_389 = vector.shape_cast %get3A_388 : vector<16xf32> to vector<16xf32>
      %add3A_390 = arith.constant 2 : i32
      %add3A_391 = arith.addi %add3A_148, %add3A_390 : i32
      %mul3A_392 = arith.constant 8 : i32
      %mul3A_393 = arith.muli %add3A_391, %mul3A_392 : i32
      %add3A_394 = arith.constant 6 : i32
      %add3A_395 = arith.addi %mul3A_393, %add3A_394 : i32
      %mul3A_396 = arith.constant 16 : i32
      %mul3A_397 = arith.muli %add3A_395, %mul3A_396 : i32
      %get3A_398 = arith.index_cast %mul3A_397 : i32 to index
      %get3A_399 = tpu.vector_load %arg6[%get3A_398] {strides = array<i32>} : memref<8192xf32, #tpu.memory_space<vmem>>, vector<16xf32>,
      %get3A_400 = vector.shape_cast %get3A_399 : vector<16xf32> to vector<16xf32>
      %add3A_401 = arith.constant 2 : i32
      %add3A_402 = arith.addi %add3A_148, %add3A_401 : i32
      %mul3A_403 = arith.constant 8 : i32
      %mul3A_404 = arith.muli %add3A_402, %mul3A_403 : i32
      %add3A_405 = arith.constant 7 : i32
      %add3A_406 = arith.addi %mul3A_404, %add3A_405 : i32
      %mul3A_407 = arith.constant 16 : i32
      %mul3A_408 = arith.muli %add3A_406, %mul3A_407 : i32
      %get3A_409 = arith.index_cast %mul3A_408 : i32 to index
      %get3A_410 = tpu.vector_load %arg6[%get3A_409] {strides = array<i32>} : memref<8192xf32, #tpu.memory_space<vmem>>, vector<16xf32>,
      %get3A_411 = vector.shape_cast %get3A_410 : vector<16xf32> to vector<16xf32>
      %add3A_412 = arith.constant 3 : i32
      %add3A_413 = arith.addi %add3A_148, %add3A_412 : i32
      %mul3A_414 = arith.constant 8 : i32
      %mul3A_415 = arith.muli %add3A_413, %mul3A_414 : i32
      %add3A_416 = arith.constant 0 : i32
      %add3A_417 = arith.addi %mul3A_415, %add3A_416 : i32
      %mul3A_418 = arith.constant 16 : i32
      %mul3A_419 = arith.muli %add3A_417, %mul3A_418 : i32
      %get3A_420 = arith.index_cast %mul3A_419 : i32 to index
      %get3A_421 = tpu.vector_load %arg6[%get3A_420] {strides = array<i32>} : memref<8192xf32, #tpu.memory_space<vmem>>, vector<16xf32>,
      %get3A_422 = vector.shape_cast %get3A_421 : vector<16xf32> to vector<16xf32>
      %add3A_423 = arith.constant 3 : i32
      %add3A_424 = arith.addi %add3A_148, %add3A_423 : i32
      %mul3A_425 = arith.constant 8 : i32
      %mul3A_426 = arith.muli %add3A_424, %mul3A_425 : i32
      %add3A_427 = arith.constant 1 : i32
      %add3A_428 = arith.addi %mul3A_426, %add3A_427 : i32
      %mul3A_429 = arith.constant 16 : i32
      %mul3A_430 = arith.muli %add3A_428, %mul3A_429 : i32
      %get3A_431 = arith.index_cast %mul3A_430 : i32 to index
      %get3A_432 = tpu.vector_load %arg6[%get3A_431] {strides = array<i32>} : memref<8192xf32, #tpu.memory_space<vmem>>, vector<16xf32>,
      %get3A_433 = vector.shape_cast %get3A_432 : vector<16xf32> to vector<16xf32>
      %add3A_434 = arith.constant 3 : i32
      %add3A_435 = arith.addi %add3A_148, %add3A_434 : i32
      %mul3A_436 = arith.constant 8 : i32
      %mul3A_437 = arith.muli %add3A_435, %mul3A_436 : i32
      %add3A_438 = arith.constant 2 : i32
      %add3A_439 = arith.addi %mul3A_437, %add3A_438 : i32
      %mul3A_440 = arith.constant 16 : i32
      %mul3A_441 = arith.muli %add3A_439, %mul3A_440 : i32
      %get3A_442 = arith.index_cast %mul3A_441 : i32 to index
      %get3A_443 = tpu.vector_load %arg6[%get3A_442] {strides = array<i32>} : memref<8192xf32, #tpu.memory_space<vmem>>, vector<16xf32>,
      %get3A_444 = vector.shape_cast %get3A_443 : vector<16xf32> to vector<16xf32>
      %add3A_445 = arith.constant 3 : i32
      %add3A_446 = arith.addi %add3A_148, %add3A_445 : i32
      %mul3A_447 = arith.constant 8 : i32
      %mul3A_448 = arith.muli %add3A_446, %mul3A_447 : i32
      %add3A_449 = arith.constant 3 : i32
      %add3A_450 = arith.addi %mul3A_448, %add3A_449 : i32
      %mul3A_451 = arith.constant 16 : i32
      %mul3A_452 = arith.muli %add3A_450, %mul3A_451 : i32
      %get3A_453 = arith.index_cast %mul3A_452 : i32 to index
      %get3A_454 = tpu.vector_load %arg6[%get3A_453] {strides = array<i32>} : memref<8192xf32, #tpu.memory_space<vmem>>, vector<16xf32>,
      %get3A_455 = vector.shape_cast %get3A_454 : vector<16xf32> to vector<16xf32>
      %add3A_456 = arith.constant 3 : i32
      %add3A_457 = arith.addi %add3A_148, %add3A_456 : i32
      %mul3A_458 = arith.constant 8 : i32
      %mul3A_459 = arith.muli %add3A_457, %mul3A_458 : i32
      %add3A_460 = arith.constant 4 : i32
      %add3A_461 = arith.addi %mul3A_459, %add3A_460 : i32
      %mul3A_462 = arith.constant 16 : i32
      %mul3A_463 = arith.muli %add3A_461, %mul3A_462 : i32
      %get3A_464 = arith.index_cast %mul3A_463 : i32 to index
      %get3A_465 = tpu.vector_load %arg6[%get3A_464] {strides = array<i32>} : memref<8192xf32, #tpu.memory_space<vmem>>, vector<16xf32>,
      %get3A_466 = vector.shape_cast %get3A_465 : vector<16xf32> to vector<16xf32>
      %add3A_467 = arith.constant 3 : i32
      %add3A_468 = arith.addi %add3A_148, %add3A_467 : i32
      %mul3A_469 = arith.constant 8 : i32
      %mul3A_470 = arith.muli %add3A_468, %mul3A_469 : i32
      %add3A_471 = arith.constant 5 : i32
      %add3A_472 = arith.addi %mul3A_470, %add3A_471 : i32
      %mul3A_473 = arith.constant 16 : i32
      %mul3A_474 = arith.muli %add3A_472, %mul3A_473 : i32
      %get3A_475 = arith.index_cast %mul3A_474 : i32 to index
      %get3A_476 = tpu.vector_load %arg6[%get3A_475] {strides = array<i32>} : memref<8192xf32, #tpu.memory_space<vmem>>, vector<16xf32>,
      %get3A_477 = vector.shape_cast %get3A_476 : vector<16xf32> to vector<16xf32>
      %add3A_478 = arith.constant 3 : i32
      %add3A_479 = arith.addi %add3A_148, %add3A_478 : i32
      %mul3A_480 = arith.constant 8 : i32
      %mul3A_481 = arith.muli %add3A_479, %mul3A_480 : i32
      %add3A_482 = arith.constant 6 : i32
      %add3A_483 = arith.addi %mul3A_481, %add3A_482 : i32
      %mul3A_484 = arith.constant 16 : i32
      %mul3A_485 = arith.muli %add3A_483, %mul3A_484 : i32
      %get3A_486 = arith.index_cast %mul3A_485 : i32 to index
      %get3A_487 = tpu.vector_load %arg6[%get3A_486] {strides = array<i32>} : memref<8192xf32, #tpu.memory_space<vmem>>, vector<16xf32>,
      %get3A_488 = vector.shape_cast %get3A_487 : vector<16xf32> to vector<16xf32>
      %add3A_489 = arith.constant 3 : i32
      %add3A_490 = arith.addi %add3A_148, %add3A_489 : i32
      %mul3A_491 = arith.constant 8 : i32
      %mul3A_492 = arith.muli %add3A_490, %mul3A_491 : i32
      %add3A_493 = arith.constant 7 : i32
      %add3A_494 = arith.addi %mul3A_492, %add3A_493 : i32
      %mul3A_495 = arith.constant 16 : i32
      %mul3A_496 = arith.muli %add3A_494, %mul3A_495 : i32
      %get3A_497 = arith.index_cast %mul3A_496 : i32 to index
      %get3A_498 = tpu.vector_load %arg6[%get3A_497] {strides = array<i32>} : memref<8192xf32, #tpu.memory_space<vmem>>, vector<16xf32>,
      %get3A_499 = vector.shape_cast %get3A_498 : vector<16xf32> to vector<16xf32>
      %scan3A_500 = arith.constant 0 : i32
      %scan3A_501 = arith.constant 128 : i32
      %scan3A_502 = arith.addi %scan3A_500, %scan3A_501 : i32
      %scan3A_503 = arith.constant 1 : i32
      scf.for %scan3A_505 = %scan3A_500 to %scan3A_502 step %scan3A_503  : i32 {
        %mul3A_506 = arith.constant 16 : i32
        %mul3A_507 = arith.muli %scan3A_505, %mul3A_506 : i32
        %get3A_508 = arith.constant 0 : i32
        %get3A_509 = arith.index_cast %get3A_508 : i32 to index
        %get3A_510 = arith.index_cast %mul3A_507 : i32 to index
        %get3A_511 = tpu.vector_load %arg5[%get3A_509, %get3A_510] {strides = array<i32>} : memref<8x2048xf32, #tpu.memory_space<vmem>>, vector<1x16xf32>,
        %get3A_512 = vector.shape_cast %get3A_511 : vector<1x16xf32> to vector<16xf32>
        %get3A_513 = arith.constant 1 : i32
        %get3A_514 = arith.index_cast %get3A_513 : i32 to index
        %get3A_515 = arith.index_cast %mul3A_507 : i32 to index
        %get3A_516 = tpu.vector_load %arg5[%get3A_514, %get3A_515] {strides = array<i32>} : memref<8x2048xf32, #tpu.memory_space<vmem>>, vector<1x16xf32>,
        %get3A_517 = vector.shape_cast %get3A_516 : vector<1x16xf32> to vector<16xf32>
        %get3A_518 = arith.constant 2 : i32
        %get3A_519 = arith.index_cast %get3A_518 : i32 to index
        %get3A_520 = arith.index_cast %mul3A_507 : i32 to index
        %get3A_521 = tpu.vector_load %arg5[%get3A_519, %get3A_520] {strides = array<i32>} : memref<8x2048xf32, #tpu.memory_space<vmem>>, vector<1x16xf32>,
        %get3A_522 = vector.shape_cast %get3A_521 : vector<1x16xf32> to vector<16xf32>
        %get3A_523 = arith.constant 3 : i32
        %get3A_524 = arith.index_cast %get3A_523 : i32 to index
        %get3A_525 = arith.index_cast %mul3A_507 : i32 to index
        %get3A_526 = tpu.vector_load %arg5[%get3A_524, %get3A_525] {strides = array<i32>} : memref<8x2048xf32, #tpu.memory_space<vmem>>, vector<1x16xf32>,
        %get3A_527 = vector.shape_cast %get3A_526 : vector<1x16xf32> to vector<16xf32>
        %get3A_528 = arith.constant 4 : i32
        %get3A_529 = arith.index_cast %get3A_528 : i32 to index
        %get3A_530 = arith.index_cast %mul3A_507 : i32 to index
        %get3A_531 = tpu.vector_load %arg5[%get3A_529, %get3A_530] {strides = array<i32>} : memref<8x2048xf32, #tpu.memory_space<vmem>>, vector<1x16xf32>,
        %get3A_532 = vector.shape_cast %get3A_531 : vector<1x16xf32> to vector<16xf32>
        %get3A_533 = arith.constant 5 : i32
        %get3A_534 = arith.index_cast %get3A_533 : i32 to index
        %get3A_535 = arith.index_cast %mul3A_507 : i32 to index
        %get3A_536 = tpu.vector_load %arg5[%get3A_534, %get3A_535] {strides = array<i32>} : memref<8x2048xf32, #tpu.memory_space<vmem>>, vector<1x16xf32>,
        %get3A_537 = vector.shape_cast %get3A_536 : vector<1x16xf32> to vector<16xf32>
        %get3A_538 = arith.constant 6 : i32
        %get3A_539 = arith.index_cast %get3A_538 : i32 to index
        %get3A_540 = arith.index_cast %mul3A_507 : i32 to index
        %get3A_541 = tpu.vector_load %arg5[%get3A_539, %get3A_540] {strides = array<i32>} : memref<8x2048xf32, #tpu.memory_space<vmem>>, vector<1x16xf32>,
        %get3A_542 = vector.shape_cast %get3A_541 : vector<1x16xf32> to vector<16xf32>
        %get3A_543 = arith.constant 7 : i32
        %get3A_544 = arith.index_cast %get3A_543 : i32 to index
        %get3A_545 = arith.index_cast %mul3A_507 : i32 to index
        %get3A_546 = tpu.vector_load %arg5[%get3A_544, %get3A_545] {strides = array<i32>} : memref<8x2048xf32, #tpu.memory_space<vmem>>, vector<1x16xf32>,
        %get3A_547 = vector.shape_cast %get3A_546 : vector<1x16xf32> to vector<16xf32>
        %sub3A = arith.subf %get3A_512, %get3A_158 : vector<16xf32>
        %mul3A_548 = arith.mulf %sub3A, %sub3A : vector<16xf32>
        %sub3A_549 = arith.subf %get3A_517, %get3A_169 : vector<16xf32>
        %mul3A_550 = arith.mulf %sub3A_549, %sub3A_549 : vector<16xf32>
        %add3A_551 = arith.addf %mul3A_548, %mul3A_550 : vector<16xf32>
        %sub3A_552 = arith.subf %get3A_522, %get3A_180 : vector<16xf32>
        %mul3A_553 = arith.mulf %sub3A_552, %sub3A_552 : vector<16xf32>
        %add3A_554 = arith.addf %add3A_551, %mul3A_553 : vector<16xf32>
        %sub3A_555 = arith.subf %get3A_527, %get3A_191 : vector<16xf32>
        %mul3A_556 = arith.mulf %sub3A_555, %sub3A_555 : vector<16xf32>
        %add3A_557 = arith.addf %add3A_554, %mul3A_556 : vector<16xf32>
        %sub3A_558 = arith.subf %get3A_532, %get3A_202 : vector<16xf32>
        %mul3A_559 = arith.mulf %sub3A_558, %sub3A_558 : vector<16xf32>
        %add3A_560 = arith.addf %add3A_557, %mul3A_559 : vector<16xf32>
        %sub3A_561 = arith.subf %get3A_537, %get3A_213 : vector<16xf32>
        %mul3A_562 = arith.mulf %sub3A_561, %sub3A_561 : vector<16xf32>
        %add3A_563 = arith.addf %add3A_560, %mul3A_562 : vector<16xf32>
        %sub3A_564 = arith.subf %get3A_542, %get3A_224 : vector<16xf32>
        %mul3A_565 = arith.mulf %sub3A_564, %sub3A_564 : vector<16xf32>
        %add3A_566 = arith.addf %add3A_563, %mul3A_565 : vector<16xf32>
        %sub3A_567 = arith.subf %get3A_547, %get3A_235 : vector<16xf32>
        %mul3A_568 = arith.mulf %sub3A_567, %sub3A_567 : vector<16xf32>
        %add3A_569 = arith.addf %add3A_566, %mul3A_568 : vector<16xf32>
        %mul3A_570 = arith.constant -5.000000e-01 : f32
        %mul3A_571 = vector.broadcast %mul3A_570 : f32 to vector<16xf32>
        %mul3A_572 = arith.mulf %add3A_569, %mul3A_571 : vector<16xf32>
        %exp3A = math.exp %mul3A_572 : vector<16xf32>
        %add3A_573 = arith.constant 0 : i32
        %add3A_574 = arith.addi %mul3A_146, %add3A_573 : i32
        %swap3A = arith.constant 0 : i32
        %swap3A_575 = arith.index_cast %swap3A : i32 to index
        %swap3A_576 = arith.index_cast %add3A_574 : i32 to index
        %swap3A_577 = arith.index_cast %mul3A_507 : i32 to index
        %swap3A_578 = tpu.vector_load %arg7[%swap3A_575, %swap3A_576, %swap3A_577] {strides = array<i32>} : memref<2x16x2048xf32, #tpu.memory_space<vmem>>, vector<1x1x16xf32>,
        %swap3A_579 = vector.shape_cast %swap3A_578 : vector<1x1x16xf32> to vector<16xf32>
        %swap3A_580 = vector.shape_cast %exp3A : vector<16xf32> to vector<1x1x16xf32>
        tpu.vector_store %arg7[%swap3A_575, %swap3A_576, %swap3A_577], %swap3A_580 {strides = array<i32>} : memref<2x16x2048xf32, #tpu.memory_space<vmem>>, vector<1x1x16xf32>,
        %sub3A_581 = arith.subf %get3A_512, %get3A_246 : vector<16xf32>
        %mul3A_582 = arith.mulf %sub3A_581, %sub3A_581 : vector<16xf32>
        %sub3A_583 = arith.subf %get3A_517, %get3A_257 : vector<16xf32>
        %mul3A_584 = arith.mulf %sub3A_583, %sub3A_583 : vector<16xf32>
        %add3A_585 = arith.addf %mul3A_582, %mul3A_584 : vector<16xf32>
        %sub3A_586 = arith.subf %get3A_522, %get3A_268 : vector<16xf32>
        %mul3A_587 = arith.mulf %sub3A_586, %sub3A_586 : vector<16xf32>
        %add3A_588 = arith.addf %add3A_585, %mul3A_587 : vector<16xf32>
        %sub3A_589 = arith.subf %get3A_527, %get3A_279 : vector<16xf32>
        %mul3A_590 = arith.mulf %sub3A_589, %sub3A_589 : vector<16xf32>
        %add3A_591 = arith.addf %add3A_588, %mul3A_590 : vector<16xf32>
        %sub3A_592 = arith.subf %get3A_532, %get3A_290 : vector<16xf32>
        %mul3A_593 = arith.mulf %sub3A_592, %sub3A_592 : vector<16xf32>
        %add3A_594 = arith.addf %add3A_591, %mul3A_593 : vector<16xf32>
        %sub3A_595 = arith.subf %get3A_537, %get3A_301 : vector<16xf32>
        %mul3A_596 = arith.mulf %sub3A_595, %sub3A_595 : vector<16xf32>
        %add3A_597 = arith.addf %add3A_594, %mul3A_596 : vector<16xf32>
        %sub3A_598 = arith.subf %get3A_542, %get3A_312 : vector<16xf32>
        %mul3A_599 = arith.mulf %sub3A_598, %sub3A_598 : vector<16xf32>
        %add3A_600 = arith.addf %add3A_597, %mul3A_599 : vector<16xf32>
        %sub3A_601 = arith.subf %get3A_547, %get3A_323 : vector<16xf32>
        %mul3A_602 = arith.mulf %sub3A_601, %sub3A_601 : vector<16xf32>
        %add3A_603 = arith.addf %add3A_600, %mul3A_602 : vector<16xf32>
        %mul3A_604 = arith.constant -5.000000e-01 : f32
        %mul3A_605 = vector.broadcast %mul3A_604 : f32 to vector<16xf32>
        %mul3A_606 = arith.mulf %add3A_603, %mul3A_605 : vector<16xf32>
        %exp3A_607 = math.exp %mul3A_606 : vector<16xf32>
        %add3A_608 = arith.constant 1 : i32
        %add3A_609 = arith.addi %mul3A_146, %add3A_608 : i32
        %swap3A_610 = arith.constant 0 : i32
        %swap3A_611 = arith.index_cast %swap3A_610 : i32 to index
        %swap3A_612 = arith.index_cast %add3A_609 : i32 to index
        %swap3A_613 = arith.index_cast %mul3A_507 : i32 to index
        %swap3A_614 = tpu.vector_load %arg7[%swap3A_611, %swap3A_612, %swap3A_613] {strides = array<i32>} : memref<2x16x2048xf32, #tpu.memory_space<vmem>>, vector<1x1x16xf32>,
        %swap3A_615 = vector.shape_cast %swap3A_614 : vector<1x1x16xf32> to vector<16xf32>
        %swap3A_616 = vector.shape_cast %exp3A_607 : vector<16xf32> to vector<1x1x16xf32>
        tpu.vector_store %arg7[%swap3A_611, %swap3A_612, %swap3A_613], %swap3A_616 {strides = array<i32>} : memref<2x16x2048xf32, #tpu.memory_space<vmem>>, vector<1x1x16xf32>,
        %sub3A_617 = arith.subf %get3A_512, %get3A_334 : vector<16xf32>
        %mul3A_618 = arith.mulf %sub3A_617, %sub3A_617 : vector<16xf32>
        %sub3A_619 = arith.subf %get3A_517, %get3A_345 : vector<16xf32>
        %mul3A_620 = arith.mulf %sub3A_619, %sub3A_619 : vector<16xf32>
        %add3A_621 = arith.addf %mul3A_618, %mul3A_620 : vector<16xf32>
        %sub3A_622 = arith.subf %get3A_522, %get3A_356 : vector<16xf32>
        %mul3A_623 = arith.mulf %sub3A_622, %sub3A_622 : vector<16xf32>
        %add3A_624 = arith.addf %add3A_621, %mul3A_623 : vector<16xf32>
        %sub3A_625 = arith.subf %get3A_527, %get3A_367 : vector<16xf32>
        %mul3A_626 = arith.mulf %sub3A_625, %sub3A_625 : vector<16xf32>
        %add3A_627 = arith.addf %add3A_624, %mul3A_626 : vector<16xf32>
        %sub3A_628 = arith.subf %get3A_532, %get3A_378 : vector<16xf32>
        %mul3A_629 = arith.mulf %sub3A_628, %sub3A_628 : vector<16xf32>
        %add3A_630 = arith.addf %add3A_627, %mul3A_629 : vector<16xf32>
        %sub3A_631 = arith.subf %get3A_537, %get3A_389 : vector<16xf32>
        %mul3A_632 = arith.mulf %sub3A_631, %sub3A_631 : vector<16xf32>
        %add3A_633 = arith.addf %add3A_630, %mul3A_632 : vector<16xf32>
        %sub3A_634 = arith.subf %get3A_542, %get3A_400 : vector<16xf32>
        %mul3A_635 = arith.mulf %sub3A_634, %sub3A_634 : vector<16xf32>
        %add3A_636 = arith.addf %add3A_633, %mul3A_635 : vector<16xf32>
        %sub3A_637 = arith.subf %get3A_547, %get3A_411 : vector<16xf32>
        %mul3A_638 = arith.mulf %sub3A_637, %sub3A_637 : vector<16xf32>
        %add3A_639 = arith.addf %add3A_636, %mul3A_638 : vector<16xf32>
        %mul3A_640 = arith.constant -5.000000e-01 : f32
        %mul3A_641 = vector.broadcast %mul3A_640 : f32 to vector<16xf32>
        %mul3A_642 = arith.mulf %add3A_639, %mul3A_641 : vector<16xf32>
        %exp3A_643 = math.exp %mul3A_642 : vector<16xf32>
        %add3A_644 = arith.constant 2 : i32
        %add3A_645 = arith.addi %mul3A_146, %add3A_644 : i32
        %swap3A_646 = arith.constant 0 : i32
        %swap3A_647 = arith.index_cast %swap3A_646 : i32 to index
        %swap3A_648 = arith.index_cast %add3A_645 : i32 to index
        %swap3A_649 = arith.index_cast %mul3A_507 : i32 to index
        %swap3A_650 = tpu.vector_load %arg7[%swap3A_647, %swap3A_648, %swap3A_649] {strides = array<i32>} : memref<2x16x2048xf32, #tpu.memory_space<vmem>>, vector<1x1x16xf32>,
        %swap3A_651 = vector.shape_cast %swap3A_650 : vector<1x1x16xf32> to vector<16xf32>
        %swap3A_652 = vector.shape_cast %exp3A_643 : vector<16xf32> to vector<1x1x16xf32>
        tpu.vector_store %arg7[%swap3A_647, %swap3A_648, %swap3A_649], %swap3A_652 {strides = array<i32>} : memref<2x16x2048xf32, #tpu.memory_space<vmem>>, vector<1x1x16xf32>,
        %sub3A_653 = arith.subf %get3A_512, %get3A_422 : vector<16xf32>
        %mul3A_654 = arith.mulf %sub3A_653, %sub3A_653 : vector<16xf32>
        %sub3A_655 = arith.subf %get3A_517, %get3A_433 : vector<16xf32>
        %mul3A_656 = arith.mulf %sub3A_655, %sub3A_655 : vector<16xf32>
        %add3A_657 = arith.addf %mul3A_654, %mul3A_656 : vector<16xf32>
        %sub3A_658 = arith.subf %get3A_522, %get3A_444 : vector<16xf32>
        %mul3A_659 = arith.mulf %sub3A_658, %sub3A_658 : vector<16xf32>
        %add3A_660 = arith.addf %add3A_657, %mul3A_659 : vector<16xf32>
        %sub3A_661 = arith.subf %get3A_527, %get3A_455 : vector<16xf32>
        %mul3A_662 = arith.mulf %sub3A_661, %sub3A_661 : vector<16xf32>
        %add3A_663 = arith.addf %add3A_660, %mul3A_662 : vector<16xf32>
        %sub3A_664 = arith.subf %get3A_532, %get3A_466 : vector<16xf32>
        %mul3A_665 = arith.mulf %sub3A_664, %sub3A_664 : vector<16xf32>
        %add3A_666 = arith.addf %add3A_663, %mul3A_665 : vector<16xf32>
        %sub3A_667 = arith.subf %get3A_537, %get3A_477 : vector<16xf32>
        %mul3A_668 = arith.mulf %sub3A_667, %sub3A_667 : vector<16xf32>
        %add3A_669 = arith.addf %add3A_666, %mul3A_668 : vector<16xf32>
        %sub3A_670 = arith.subf %get3A_542, %get3A_488 : vector<16xf32>
        %mul3A_671 = arith.mulf %sub3A_670, %sub3A_670 : vector<16xf32>
        %add3A_672 = arith.addf %add3A_669, %mul3A_671 : vector<16xf32>
        %sub3A_673 = arith.subf %get3A_547, %get3A_499 : vector<16xf32>
        %mul3A_674 = arith.mulf %sub3A_673, %sub3A_673 : vector<16xf32>
        %add3A_675 = arith.addf %add3A_672, %mul3A_674 : vector<16xf32>
        %mul3A_676 = arith.constant -5.000000e-01 : f32
        %mul3A_677 = vector.broadcast %mul3A_676 : f32 to vector<16xf32>
        %mul3A_678 = arith.mulf %add3A_675, %mul3A_677 : vector<16xf32>
        %exp3A_679 = math.exp %mul3A_678 : vector<16xf32>
        %add3A_680 = arith.constant 3 : i32
        %add3A_681 = arith.addi %mul3A_146, %add3A_680 : i32
        %swap3A_682 = arith.constant 0 : i32
        %swap3A_683 = arith.index_cast %swap3A_682 : i32 to index
        %swap3A_684 = arith.index_cast %add3A_681 : i32 to index
        %swap3A_685 = arith.index_cast %mul3A_507 : i32 to index
        %swap3A_686 = tpu.vector_load %arg7[%swap3A_683, %swap3A_684, %swap3A_685] {strides = array<i32>} : memref<2x16x2048xf32, #tpu.memory_space<vmem>>, vector<1x1x16xf32>,
        %swap3A_687 = vector.shape_cast %swap3A_686 : vector<1x1x16xf32> to vector<16xf32>
        %swap3A_688 = vector.shape_cast %exp3A_679 : vector<16xf32> to vector<1x1x16xf32>
        tpu.vector_store %arg7[%swap3A_683, %swap3A_684, %swap3A_685], %swap3A_688 {strides = array<i32>} : memref<2x16x2048xf32, #tpu.memory_space<vmem>>, vector<1x1x16xf32>,
      }
      %scan3A_504 = arith.constant 128 : i32
    }
    %scan3A_13 = arith.constant 4 : i32
    %add3A_14 = arith.constant 0 : i32
    %add3A_15 = arith.addi %mul3A_2, %add3A_14 : i32
    %dma_start3A_16 = arith.constant 0 : i32
    %dma_start3A_17 = arith.constant 0 : i32
    %dma_start3A_18 = arith.constant 0 : i32
    %dma_start3A_19 = tpu.memref_slice %arg7[%dma_start3A_16, %dma_start3A_17, %dma_start3A_18] : memref<2x16x2048xf32, #tpu.memory_space<vmem>> -> memref<1x16x2048xf32, #tpu.memory_space<vmem>>
    %dma_start3A_20 = tpu.memref_squeeze %dma_start3A_19 : memref<1x16x2048xf32, #tpu.memory_space<vmem>> -> memref<16x2048xf32, #tpu.memory_space<vmem>>
    %dma_start3A_21 = arith.constant 0 : i32
    %dma_start3A_22 = tpu.memref_slice %arg4[%add3A_15, %dma_start3A_21] : memref<2048x2048xf32, #tpu.memory_space<hbm>> -> memref<16x2048xf32, #tpu.memory_space<hbm>>
    %dma_start3A_23 = arith.constant 0 : i32
    %dma_start3A_24 = tpu.memref_slice %arg4[%add3A_15, %dma_start3A_23] : memref<2048x2048xf32, #tpu.memory_space<hbm>> -> memref<16x2048xf32, #tpu.memory_space<hbm>>
    %dma_start3A_25 = arith.constant 0 : i32
    %dma_start3A_26 = arith.constant 0 : i32
    %dma_start3A_27 = tpu.memref_slice %arg7[%dma_start3A_16, %dma_start3A_25, %dma_start3A_26] : memref<2x16x2048xf32, #tpu.memory_space<vmem>> -> memref<1x16x2048xf32, #tpu.memory_space<vmem>>
    %dma_start3A_28 = tpu.memref_squeeze %dma_start3A_27 : memref<1x16x2048xf32, #tpu.memory_space<vmem>> -> memref<16x2048xf32, #tpu.memory_space<vmem>>
    tpu.enqueue_dma source(%dma_start3A_28 : memref<16x2048xf32, #tpu.memory_space<vmem>>) target(%dma_start3A_24 : memref<16x2048xf32, #tpu.memory_space<hbm>>) target_semaphore(%arg8 : memref<!tpu.dma_semaphore, #tpu.memory_space<semaphore_mem>>)
    %scan3A_29 = arith.constant 0 : i32
    %scan3A_30 = arith.constant 0 : i32
    %scan3A_31 = arith.constant 4 : i32
    %scan3A_32 = arith.addi %scan3A_30, %scan3A_31 : i32
    %scan3A_33 = arith.constant 1 : i32
    scf.for %scan3A_144 = %scan3A_30 to %scan3A_32 step %scan3A_33  : i32 {
      %mul3A_145 = arith.constant 4 : i32
      %mul3A_146 = arith.muli %scan3A_144, %mul3A_145 : i32
      %add3A_147 = arith.constant 16 : i32
      %add3A_148 = arith.addi %add3A_147, %mul3A_146 : i32
      %add3A_149 = arith.constant 0 : i32
      %add3A_150 = arith.addi %add3A_148, %add3A_149 : i32
      %mul3A_151 = arith.constant 8 : i32
      %mul3A_152 = arith.muli %add3A_150, %mul3A_151 : i32
      %add3A_153 = arith.constant 0 : i32
      %add3A_154 = arith.addi %mul3A_152, %add3A_153 : i32
      %mul3A_155 = arith.constant 16 : i32
      %mul3A_156 = arith.muli %add3A_154, %mul3A_155 : i32
      %get3A = arith.index_cast %mul3A_156 : i32 to index
      %get3A_157 = tpu.vector_load %arg6[%get3A] {strides = array<i32>} : memref<8192xf32, #tpu.memory_space<vmem>>, vector<16xf32>,
      %get3A_158 = vector.shape_cast %get3A_157 : vector<16xf32> to vector<16xf32>
      %add3A_159 = arith.constant 0 : i32
      %add3A_160 = arith.addi %add3A_148, %add3A_159 : i32
      %mul3A_161 = arith.constant 8 : i32
      %mul3A_162 = arith.muli %add3A_160, %mul3A_161 : i32
      %add3A_163 = arith.constant 1 : i32
      %add3A_164 = arith.addi %mul3A_162, %add3A_163 : i32
      %mul3A_165 = arith.constant 16 : i32
      %mul3A_166 = arith.muli %add3A_164, %mul3A_165 : i32
      %get3A_167 = arith.index_cast %mul3A_166 : i32 to index
      %get3A_168 = tpu.vector_load %arg6[%get3A_167] {strides = array<i32>} : memref<8192xf32, #tpu.memory_space<vmem>>, vector<16xf32>,
      %get3A_169 = vector.shape_cast %get3A_168 : vector<16xf32> to vector<16xf32>
      %add3A_170 = arith.constant 0 : i32
      %add3A_171 = arith.addi %add3A_148, %add3A_170 : i32
      %mul3A_172 = arith.constant 8 : i32
      %mul3A_173 = arith.muli %add3A_171, %mul3A_172 : i32
      %add3A_174 = arith.constant 2 : i32
      %add3A_175 = arith.addi %mul3A_173, %add3A_174 : i32
      %mul3A_176 = arith.constant 16 : i32
      %mul3A_177 = arith.muli %add3A_175, %mul3A_176 : i32
      %get3A_178 = arith.index_cast %mul3A_177 : i32 to index
      %get3A_179 = tpu.vector_load %arg6[%get3A_178] {strides = array<i32>} : memref<8192xf32, #tpu.memory_space<vmem>>, vector<16xf32>,
      %get3A_180 = vector.shape_cast %get3A_179 : vector<16xf32> to vector<16xf32>
      %add3A_181 = arith.constant 0 : i32
      %add3A_182 = arith.addi %add3A_148, %add3A_181 : i32
      %mul3A_183 = arith.constant 8 : i32
      %mul3A_184 = arith.muli %add3A_182, %mul3A_183 : i32
      %add3A_185 = arith.constant 3 : i32
      %add3A_186 = arith.addi %mul3A_184, %add3A_185 : i32
      %mul3A_187 = arith.constant 16 : i32
      %mul3A_188 = arith.muli %add3A_186, %mul3A_187 : i32
      %get3A_189 = arith.index_cast %mul3A_188 : i32 to index
      %get3A_190 = tpu.vector_load %arg6[%get3A_189] {strides = array<i32>} : memref<8192xf32, #tpu.memory_space<vmem>>, vector<16xf32>,
      %get3A_191 = vector.shape_cast %get3A_190 : vector<16xf32> to vector<16xf32>
      %add3A_192 = arith.constant 0 : i32
      %add3A_193 = arith.addi %add3A_148, %add3A_192 : i32
      %mul3A_194 = arith.constant 8 : i32
      %mul3A_195 = arith.muli %add3A_193, %mul3A_194 : i32
      %add3A_196 = arith.constant 4 : i32
      %add3A_197 = arith.addi %mul3A_195, %add3A_196 : i32
      %mul3A_198 = arith.constant 16 : i32
      %mul3A_199 = arith.muli %add3A_197, %mul3A_198 : i32
      %get3A_200 = arith.index_cast %mul3A_199 : i32 to index
      %get3A_201 = tpu.vector_load %arg6[%get3A_200] {strides = array<i32>} : memref<8192xf32, #tpu.memory_space<vmem>>, vector<16xf32>,
      %get3A_202 = vector.shape_cast %get3A_201 : vector<16xf32> to vector<16xf32>
      %add3A_203 = arith.constant 0 : i32
      %add3A_204 = arith.addi %add3A_148, %add3A_203 : i32
      %mul3A_205 = arith.constant 8 : i32
      %mul3A_206 = arith.muli %add3A_204, %mul3A_205 : i32
      %add3A_207 = arith.constant 5 : i32
      %add3A_208 = arith.addi %mul3A_206, %add3A_207 : i32
      %mul3A_209 = arith.constant 16 : i32
      %mul3A_210 = arith.muli %add3A_208, %mul3A_209 : i32
      %get3A_211 = arith.index_cast %mul3A_210 : i32 to index
      %get3A_212 = tpu.vector_load %arg6[%get3A_211] {strides = array<i32>} : memref<8192xf32, #tpu.memory_space<vmem>>, vector<16xf32>,
      %get3A_213 = vector.shape_cast %get3A_212 : vector<16xf32> to vector<16xf32>
      %add3A_214 = arith.constant 0 : i32
      %add3A_215 = arith.addi %add3A_148, %add3A_214 : i32
      %mul3A_216 = arith.constant 8 : i32
      %mul3A_217 = arith.muli %add3A_215, %mul3A_216 : i32
      %add3A_218 = arith.constant 6 : i32
      %add3A_219 = arith.addi %mul3A_217, %add3A_218 : i32
      %mul3A_220 = arith.constant 16 : i32
      %mul3A_221 = arith.muli %add3A_219, %mul3A_220 : i32
      %get3A_222 = arith.index_cast %mul3A_221 : i32 to index
      %get3A_223 = tpu.vector_load %arg6[%get3A_222] {strides = array<i32>} : memref<8192xf32, #tpu.memory_space<vmem>>, vector<16xf32>,
      %get3A_224 = vector.shape_cast %get3A_223 : vector<16xf32> to vector<16xf32>
      %add3A_225 = arith.constant 0 : i32
      %add3A_226 = arith.addi %add3A_148, %add3A_225 : i32
      %mul3A_227 = arith.constant 8 : i32
      %mul3A_228 = arith.muli %add3A_226, %mul3A_227 : i32
      %add3A_229 = arith.constant 7 : i32
      %add3A_230 = arith.addi %mul3A_228, %add3A_229 : i32
      %mul3A_231 = arith.constant 16 : i32
      %mul3A_232 = arith.muli %add3A_230, %mul3A_231 : i32
      %get3A_233 = arith.index_cast %mul3A_232 : i32 to index
      %get3A_234 = tpu.vector_load %arg6[%get3A_233] {strides = array<i32>} : memref<8192xf32, #tpu.memory_space<vmem>>, vector<16xf32>,
      %get3A_235 = vector.shape_cast %get3A_234 : vector<16xf32> to vector<16xf32>
      %add3A_236 = arith.constant 1 : i32
      %add3A_237 = arith.addi %add3A_148, %add3A_236 : i32
      %mul3A_238 = arith.constant 8 : i32
      %mul3A_239 = arith.muli %add3A_237, %mul3A_238 : i32
      %add3A_240 = arith.constant 0 : i32
      %add3A_241 = arith.addi %mul3A_239, %add3A_240 : i32
      %mul3A_242 = arith.constant 16 : i32
      %mul3A_243 = arith.muli %add3A_241, %mul3A_242 : i32
      %get3A_244 = arith.index_cast %mul3A_243 : i32 to index
      %get3A_245 = tpu.vector_load %arg6[%get3A_244] {strides = array<i32>} : memref<8192xf32, #tpu.memory_space<vmem>>, vector<16xf32>,
      %get3A_246 = vector.shape_cast %get3A_245 : vector<16xf32> to vector<16xf32>
      %add3A_247 = arith.constant 1 : i32
      %add3A_248 = arith.addi %add3A_148, %add3A_247 : i32
      %mul3A_249 = arith.constant 8 : i32
      %mul3A_250 = arith.muli %add3A_248, %mul3A_249 : i32
      %add3A_251 = arith.constant 1 : i32
      %add3A_252 = arith.addi %mul3A_250, %add3A_251 : i32
      %mul3A_253 = arith.constant 16 : i32
      %mul3A_254 = arith.muli %add3A_252, %mul3A_253 : i32
      %get3A_255 = arith.index_cast %mul3A_254 : i32 to index
      %get3A_256 = tpu.vector_load %arg6[%get3A_255] {strides = array<i32>} : memref<8192xf32, #tpu.memory_space<vmem>>, vector<16xf32>,
      %get3A_257 = vector.shape_cast %get3A_256 : vector<16xf32> to vector<16xf32>
      %add3A_258 = arith.constant 1 : i32
      %add3A_259 = arith.addi %add3A_148, %add3A_258 : i32
      %mul3A_260 = arith.constant 8 : i32
      %mul3A_261 = arith.muli %add3A_259, %mul3A_260 : i32
      %add3A_262 = arith.constant 2 : i32
      %add3A_263 = arith.addi %mul3A_261, %add3A_262 : i32
      %mul3A_264 = arith.constant 16 : i32
      %mul3A_265 = arith.muli %add3A_263, %mul3A_264 : i32
      %get3A_266 = arith.index_cast %mul3A_265 : i32 to index
      %get3A_267 = tpu.vector_load %arg6[%get3A_266] {strides = array<i32>} : memref<8192xf32, #tpu.memory_space<vmem>>, vector<16xf32>,
      %get3A_268 = vector.shape_cast %get3A_267 : vector<16xf32> to vector<16xf32>
      %add3A_269 = arith.constant 1 : i32
      %add3A_270 = arith.addi %add3A_148, %add3A_269 : i32
      %mul3A_271 = arith.constant 8 : i32
      %mul3A_272 = arith.muli %add3A_270, %mul3A_271 : i32
      %add3A_273 = arith.constant 3 : i32
      %add3A_274 = arith.addi %mul3A_272, %add3A_273 : i32
      %mul3A_275 = arith.constant 16 : i32
      %mul3A_276 = arith.muli %add3A_274, %mul3A_275 : i32
      %get3A_277 = arith.index_cast %mul3A_276 : i32 to index
      %get3A_278 = tpu.vector_load %arg6[%get3A_277] {strides = array<i32>} : memref<8192xf32, #tpu.memory_space<vmem>>, vector<16xf32>,
      %get3A_279 = vector.shape_cast %get3A_278 : vector<16xf32> to vector<16xf32>
      %add3A_280 = arith.constant 1 : i32
      %add3A_281 = arith.addi %add3A_148, %add3A_280 : i32
      %mul3A_282 = arith.constant 8 : i32
      %mul3A_283 = arith.muli %add3A_281, %mul3A_282 : i32
      %add3A_284 = arith.constant 4 : i32
      %add3A_285 = arith.addi %mul3A_283, %add3A_284 : i32
      %mul3A_286 = arith.constant 16 : i32
      %mul3A_287 = arith.muli %add3A_285, %mul3A_286 : i32
      %get3A_288 = arith.index_cast %mul3A_287 : i32 to index
      %get3A_289 = tpu.vector_load %arg6[%get3A_288] {strides = array<i32>} : memref<8192xf32, #tpu.memory_space<vmem>>, vector<16xf32>,
      %get3A_290 = vector.shape_cast %get3A_289 : vector<16xf32> to vector<16xf32>
      %add3A_291 = arith.constant 1 : i32
      %add3A_292 = arith.addi %add3A_148, %add3A_291 : i32
      %mul3A_293 = arith.constant 8 : i32
      %mul3A_294 = arith.muli %add3A_292, %mul3A_293 : i32
      %add3A_295 = arith.constant 5 : i32
      %add3A_296 = arith.addi %mul3A_294, %add3A_295 : i32
      %mul3A_297 = arith.constant 16 : i32
      %mul3A_298 = arith.muli %add3A_296, %mul3A_297 : i32
      %get3A_299 = arith.index_cast %mul3A_298 : i32 to index
      %get3A_300 = tpu.vector_load %arg6[%get3A_299] {strides = array<i32>} : memref<8192xf32, #tpu.memory_space<vmem>>, vector<16xf32>,
      %get3A_301 = vector.shape_cast %get3A_300 : vector<16xf32> to vector<16xf32>
      %add3A_302 = arith.constant 1 : i32
      %add3A_303 = arith.addi %add3A_148, %add3A_302 : i32
      %mul3A_304 = arith.constant 8 : i32
      %mul3A_305 = arith.muli %add3A_303, %mul3A_304 : i32
      %add3A_306 = arith.constant 6 : i32
      %add3A_307 = arith.addi %mul3A_305, %add3A_306 : i32
      %mul3A_308 = arith.constant 16 : i32
      %mul3A_309 = arith.muli %add3A_307, %mul3A_308 : i32
      %get3A_310 = arith.index_cast %mul3A_309 : i32 to index
      %get3A_311 = tpu.vector_load %arg6[%get3A_310] {strides = array<i32>} : memref<8192xf32, #tpu.memory_space<vmem>>, vector<16xf32>,
      %get3A_312 = vector.shape_cast %get3A_311 : vector<16xf32> to vector<16xf32>
      %add3A_313 = arith.constant 1 : i32
      %add3A_314 = arith.addi %add3A_148, %add3A_313 : i32
      %mul3A_315 = arith.constant 8 : i32
      %mul3A_316 = arith.muli %add3A_314, %mul3A_315 : i32
      %add3A_317 = arith.constant 7 : i32
      %add3A_318 = arith.addi %mul3A_316, %add3A_317 : i32
      %mul3A_319 = arith.constant 16 : i32
      %mul3A_320 = arith.muli %add3A_318, %mul3A_319 : i32
      %get3A_321 = arith.index_cast %mul3A_320 : i32 to index
      %get3A_322 = tpu.vector_load %arg6[%get3A_321] {strides = array<i32>} : memref<8192xf32, #tpu.memory_space<vmem>>, vector<16xf32>,
      %get3A_323 = vector.shape_cast %get3A_322 : vector<16xf32> to vector<16xf32>
      %add3A_324 = arith.constant 2 : i32
      %add3A_325 = arith.addi %add3A_148, %add3A_324 : i32
      %mul3A_326 = arith.constant 8 : i32
      %mul3A_327 = arith.muli %add3A_325, %mul3A_326 : i32
      %add3A_328 = arith.constant 0 : i32
      %add3A_329 = arith.addi %mul3A_327, %add3A_328 : i32
      %mul3A_330 = arith.constant 16 : i32
      %mul3A_331 = arith.muli %add3A_329, %mul3A_330 : i32
      %get3A_332 = arith.index_cast %mul3A_331 : i32 to index
      %get3A_333 = tpu.vector_load %arg6[%get3A_332] {strides = array<i32>} : memref<8192xf32, #tpu.memory_space<vmem>>, vector<16xf32>,
      %get3A_334 = vector.shape_cast %get3A_333 : vector<16xf32> to vector<16xf32>
      %add3A_335 = arith.constant 2 : i32
      %add3A_336 = arith.addi %add3A_148, %add3A_335 : i32
      %mul3A_337 = arith.constant 8 : i32
      %mul3A_338 = arith.muli %add3A_336, %mul3A_337 : i32
      %add3A_339 = arith.constant 1 : i32
      %add3A_340 = arith.addi %mul3A_338, %add3A_339 : i32
      %mul3A_341 = arith.constant 16 : i32
      %mul3A_342 = arith.muli %add3A_340, %mul3A_341 : i32
      %get3A_343 = arith.index_cast %mul3A_342 : i32 to index
      %get3A_344 = tpu.vector_load %arg6[%get3A_343] {strides = array<i32>} : memref<8192xf32, #tpu.memory_space<vmem>>, vector<16xf32>,
      %get3A_345 = vector.shape_cast %get3A_344 : vector<16xf32> to vector<16xf32>
      %add3A_346 = arith.constant 2 : i32
      %add3A_347 = arith.addi %add3A_148, %add3A_346 : i32
      %mul3A_348 = arith.constant 8 : i32
      %mul3A_349 = arith.muli %add3A_347, %mul3A_348 : i32
      %add3A_350 = arith.constant 2 : i32
      %add3A_351 = arith.addi %mul3A_349, %add3A_350 : i32
      %mul3A_352 = arith.constant 16 : i32
      %mul3A_353 = arith.muli %add3A_351, %mul3A_352 : i32
      %get3A_354 = arith.index_cast %mul3A_353 : i32 to index
      %get3A_355 = tpu.vector_load %arg6[%get3A_354] {strides = array<i32>} : memref<8192xf32, #tpu.memory_space<vmem>>, vector<16xf32>,
      %get3A_356 = vector.shape_cast %get3A_355 : vector<16xf32> to vector<16xf32>
      %add3A_357 = arith.constant 2 : i32
      %add3A_358 = arith.addi %add3A_148, %add3A_357 : i32
      %mul3A_359 = arith.constant 8 : i32
      %mul3A_360 = arith.muli %add3A_358, %mul3A_359 : i32
      %add3A_361 = arith.constant 3 : i32
      %add3A_362 = arith.addi %mul3A_360, %add3A_361 : i32
      %mul3A_363 = arith.constant 16 : i32
      %mul3A_364 = arith.muli %add3A_362, %mul3A_363 : i32
      %get3A_365 = arith.index_cast %mul3A_364 : i32 to index
      %get3A_366 = tpu.vector_load %arg6[%get3A_365] {strides = array<i32>} : memref<8192xf32, #tpu.memory_space<vmem>>, vector<16xf32>,
      %get3A_367 = vector.shape_cast %get3A_366 : vector<16xf32> to vector<16xf32>
      %add3A_368 = arith.constant 2 : i32
      %add3A_369 = arith.addi %add3A_148, %add3A_368 : i32
      %mul3A_370 = arith.constant 8 : i32
      %mul3A_371 = arith.muli %add3A_369, %mul3A_370 : i32
      %add3A_372 = arith.constant 4 : i32
      %add3A_373 = arith.addi %mul3A_371, %add3A_372 : i32
      %mul3A_374 = arith.constant 16 : i32
      %mul3A_375 = arith.muli %add3A_373, %mul3A_374 : i32
      %get3A_376 = arith.index_cast %mul3A_375 : i32 to index
      %get3A_377 = tpu.vector_load %arg6[%get3A_376] {strides = array<i32>} : memref<8192xf32, #tpu.memory_space<vmem>>, vector<16xf32>,
      %get3A_378 = vector.shape_cast %get3A_377 : vector<16xf32> to vector<16xf32>
      %add3A_379 = arith.constant 2 : i32
      %add3A_380 = arith.addi %add3A_148, %add3A_379 : i32
      %mul3A_381 = arith.constant 8 : i32
      %mul3A_382 = arith.muli %add3A_380, %mul3A_381 : i32
      %add3A_383 = arith.constant 5 : i32
      %add3A_384 = arith.addi %mul3A_382, %add3A_383 : i32
      %mul3A_385 = arith.constant 16 : i32
      %mul3A_386 = arith.muli %add3A_384, %mul3A_385 : i32
      %get3A_387 = arith.index_cast %mul3A_386 : i32 to index
      %get3A_388 = tpu.vector_load %arg6[%get3A_387] {strides = array<i32>} : memref<8192xf32, #tpu.memory_space<vmem>>, vector<16xf32>,
      %get3A_389 = vector.shape_cast %get3A_388 : vector<16xf32> to vector<16xf32>
      %add3A_390 = arith.constant 2 : i32
      %add3A_391 = arith.addi %add3A_148, %add3A_390 : i32
      %mul3A_392 = arith.constant 8 : i32
      %mul3A_393 = arith.muli %add3A_391, %mul3A_392 : i32
      %add3A_394 = arith.constant 6 : i32
      %add3A_395 = arith.addi %mul3A_393, %add3A_394 : i32
      %mul3A_396 = arith.constant 16 : i32
      %mul3A_397 = arith.muli %add3A_395, %mul3A_396 : i32
      %get3A_398 = arith.index_cast %mul3A_397 : i32 to index
      %get3A_399 = tpu.vector_load %arg6[%get3A_398] {strides = array<i32>} : memref<8192xf32, #tpu.memory_space<vmem>>, vector<16xf32>,
      %get3A_400 = vector.shape_cast %get3A_399 : vector<16xf32> to vector<16xf32>
      %add3A_401 = arith.constant 2 : i32
      %add3A_402 = arith.addi %add3A_148, %add3A_401 : i32
      %mul3A_403 = arith.constant 8 : i32
      %mul3A_404 = arith.muli %add3A_402, %mul3A_403 : i32
      %add3A_405 = arith.constant 7 : i32
      %add3A_406 = arith.addi %mul3A_404, %add3A_405 : i32
      %mul3A_407 = arith.constant 16 : i32
      %mul3A_408 = arith.muli %add3A_406, %mul3A_407 : i32
      %get3A_409 = arith.index_cast %mul3A_408 : i32 to index
      %get3A_410 = tpu.vector_load %arg6[%get3A_409] {strides = array<i32>} : memref<8192xf32, #tpu.memory_space<vmem>>, vector<16xf32>,
      %get3A_411 = vector.shape_cast %get3A_410 : vector<16xf32> to vector<16xf32>
      %add3A_412 = arith.constant 3 : i32
      %add3A_413 = arith.addi %add3A_148, %add3A_412 : i32
      %mul3A_414 = arith.constant 8 : i32
      %mul3A_415 = arith.muli %add3A_413, %mul3A_414 : i32
      %add3A_416 = arith.constant 0 : i32
      %add3A_417 = arith.addi %mul3A_415, %add3A_416 : i32
      %mul3A_418 = arith.constant 16 : i32
      %mul3A_419 = arith.muli %add3A_417, %mul3A_418 : i32
      %get3A_420 = arith.index_cast %mul3A_419 : i32 to index
      %get3A_421 = tpu.vector_load %arg6[%get3A_420] {strides = array<i32>} : memref<8192xf32, #tpu.memory_space<vmem>>, vector<16xf32>,
      %get3A_422 = vector.shape_cast %get3A_421 : vector<16xf32> to vector<16xf32>
      %add3A_423 = arith.constant 3 : i32
      %add3A_424 = arith.addi %add3A_148, %add3A_423 : i32
      %mul3A_425 = arith.constant 8 : i32
      %mul3A_426 = arith.muli %add3A_424, %mul3A_425 : i32
      %add3A_427 = arith.constant 1 : i32
      %add3A_428 = arith.addi %mul3A_426, %add3A_427 : i32
      %mul3A_429 = arith.constant 16 : i32
      %mul3A_430 = arith.muli %add3A_428, %mul3A_429 : i32
      %get3A_431 = arith.index_cast %mul3A_430 : i32 to index
      %get3A_432 = tpu.vector_load %arg6[%get3A_431] {strides = array<i32>} : memref<8192xf32, #tpu.memory_space<vmem>>, vector<16xf32>,
      %get3A_433 = vector.shape_cast %get3A_432 : vector<16xf32> to vector<16xf32>
      %add3A_434 = arith.constant 3 : i32
      %add3A_435 = arith.addi %add3A_148, %add3A_434 : i32
      %mul3A_436 = arith.constant 8 : i32
      %mul3A_437 = arith.muli %add3A_435, %mul3A_436 : i32
      %add3A_438 = arith.constant 2 : i32
      %add3A_439 = arith.addi %mul3A_437, %add3A_438 : i32
      %mul3A_440 = arith.constant 16 : i32
      %mul3A_441 = arith.muli %add3A_439, %mul3A_440 : i32
      %get3A_442 = arith.index_cast %mul3A_441 : i32 to index
      %get3A_443 = tpu.vector_load %arg6[%get3A_442] {strides = array<i32>} : memref<8192xf32, #tpu.memory_space<vmem>>, vector<16xf32>,
      %get3A_444 = vector.shape_cast %get3A_443 : vector<16xf32> to vector<16xf32>
      %add3A_445 = arith.constant 3 : i32
      %add3A_446 = arith.addi %add3A_148, %add3A_445 : i32
      %mul3A_447 = arith.constant 8 : i32
      %mul3A_448 = arith.muli %add3A_446, %mul3A_447 : i32
      %add3A_449 = arith.constant 3 : i32
      %add3A_450 = arith.addi %mul3A_448, %add3A_449 : i32
      %mul3A_451 = arith.constant 16 : i32
      %mul3A_452 = arith.muli %add3A_450, %mul3A_451 : i32
      %get3A_453 = arith.index_cast %mul3A_452 : i32 to index
      %get3A_454 = tpu.vector_load %arg6[%get3A_453] {strides = array<i32>} : memref<8192xf32, #tpu.memory_space<vmem>>, vector<16xf32>,
      %get3A_455 = vector.shape_cast %get3A_454 : vector<16xf32> to vector<16xf32>
      %add3A_456 = arith.constant 3 : i32
      %add3A_457 = arith.addi %add3A_148, %add3A_456 : i32
      %mul3A_458 = arith.constant 8 : i32
      %mul3A_459 = arith.muli %add3A_457, %mul3A_458 : i32
      %add3A_460 = arith.constant 4 : i32
      %add3A_461 = arith.addi %mul3A_459, %add3A_460 : i32
      %mul3A_462 = arith.constant 16 : i32
      %mul3A_463 = arith.muli %add3A_461, %mul3A_462 : i32
      %get3A_464 = arith.index_cast %mul3A_463 : i32 to index
      %get3A_465 = tpu.vector_load %arg6[%get3A_464] {strides = array<i32>} : memref<8192xf32, #tpu.memory_space<vmem>>, vector<16xf32>,
      %get3A_466 = vector.shape_cast %get3A_465 : vector<16xf32> to vector<16xf32>
      %add3A_467 = arith.constant 3 : i32
      %add3A_468 = arith.addi %add3A_148, %add3A_467 : i32
      %mul3A_469 = arith.constant 8 : i32
      %mul3A_470 = arith.muli %add3A_468, %mul3A_469 : i32
      %add3A_471 = arith.constant 5 : i32
      %add3A_472 = arith.addi %mul3A_470, %add3A_471 : i32
      %mul3A_473 = arith.constant 16 : i32
      %mul3A_474 = arith.muli %add3A_472, %mul3A_473 : i32
      %get3A_475 = arith.index_cast %mul3A_474 : i32 to index
      %get3A_476 = tpu.vector_load %arg6[%get3A_475] {strides = array<i32>} : memref<8192xf32, #tpu.memory_space<vmem>>, vector<16xf32>,
      %get3A_477 = vector.shape_cast %get3A_476 : vector<16xf32> to vector<16xf32>
      %add3A_478 = arith.constant 3 : i32
      %add3A_479 = arith.addi %add3A_148, %add3A_478 : i32
      %mul3A_480 = arith.constant 8 : i32
      %mul3A_481 = arith.muli %add3A_479, %mul3A_480 : i32
      %add3A_482 = arith.constant 6 : i32
      %add3A_483 = arith.addi %mul3A_481, %add3A_482 : i32
      %mul3A_484 = arith.constant 16 : i32
      %mul3A_485 = arith.muli %add3A_483, %mul3A_484 : i32
      %get3A_486 = arith.index_cast %mul3A_485 : i32 to index
      %get3A_487 = tpu.vector_load %arg6[%get3A_486] {strides = array<i32>} : memref<8192xf32, #tpu.memory_space<vmem>>, vector<16xf32>,
      %get3A_488 = vector.shape_cast %get3A_487 : vector<16xf32> to vector<16xf32>
      %add3A_489 = arith.constant 3 : i32
      %add3A_490 = arith.addi %add3A_148, %add3A_489 : i32
      %mul3A_491 = arith.constant 8 : i32
      %mul3A_492 = arith.muli %add3A_490, %mul3A_491 : i32
      %add3A_493 = arith.constant 7 : i32
      %add3A_494 = arith.addi %mul3A_492, %add3A_493 : i32
      %mul3A_495 = arith.constant 16 : i32
      %mul3A_496 = arith.muli %add3A_494, %mul3A_495 : i32
      %get3A_497 = arith.index_cast %mul3A_496 : i32 to index
      %get3A_498 = tpu.vector_load %arg6[%get3A_497] {strides = array<i32>} : memref<8192xf32, #tpu.memory_space<vmem>>, vector<16xf32>,
      %get3A_499 = vector.shape_cast %get3A_498 : vector<16xf32> to vector<16xf32>
      %scan3A_500 = arith.constant 0 : i32
      %scan3A_501 = arith.constant 128 : i32
      %scan3A_502 = arith.addi %scan3A_500, %scan3A_501 : i32
      %scan3A_503 = arith.constant 1 : i32
      scf.for %scan3A_505 = %scan3A_500 to %scan3A_502 step %scan3A_503  : i32 {
        %mul3A_506 = arith.constant 16 : i32
        %mul3A_507 = arith.muli %scan3A_505, %mul3A_506 : i32
        %get3A_508 = arith.constant 0 : i32
        %get3A_509 = arith.index_cast %get3A_508 : i32 to index
        %get3A_510 = arith.index_cast %mul3A_507 : i32 to index
        %get3A_511 = tpu.vector_load %arg5[%get3A_509, %get3A_510] {strides = array<i32>} : memref<8x2048xf32, #tpu.memory_space<vmem>>, vector<1x16xf32>,
        %get3A_512 = vector.shape_cast %get3A_511 : vector<1x16xf32> to vector<16xf32>
        %get3A_513 = arith.constant 1 : i32
        %get3A_514 = arith.index_cast %get3A_513 : i32 to index
        %get3A_515 = arith.index_cast %mul3A_507 : i32 to index
        %get3A_516 = tpu.vector_load %arg5[%get3A_514, %get3A_515] {strides = array<i32>} : memref<8x2048xf32, #tpu.memory_space<vmem>>, vector<1x16xf32>,
        %get3A_517 = vector.shape_cast %get3A_516 : vector<1x16xf32> to vector<16xf32>
        %get3A_518 = arith.constant 2 : i32
        %get3A_519 = arith.index_cast %get3A_518 : i32 to index
        %get3A_520 = arith.index_cast %mul3A_507 : i32 to index
        %get3A_521 = tpu.vector_load %arg5[%get3A_519, %get3A_520] {strides = array<i32>} : memref<8x2048xf32, #tpu.memory_space<vmem>>, vector<1x16xf32>,
        %get3A_522 = vector.shape_cast %get3A_521 : vector<1x16xf32> to vector<16xf32>
        %get3A_523 = arith.constant 3 : i32
        %get3A_524 = arith.index_cast %get3A_523 : i32 to index
        %get3A_525 = arith.index_cast %mul3A_507 : i32 to index
        %get3A_526 = tpu.vector_load %arg5[%get3A_524, %get3A_525] {strides = array<i32>} : memref<8x2048xf32, #tpu.memory_space<vmem>>, vector<1x16xf32>,
        %get3A_527 = vector.shape_cast %get3A_526 : vector<1x16xf32> to vector<16xf32>
        %get3A_528 = arith.constant 4 : i32
        %get3A_529 = arith.index_cast %get3A_528 : i32 to index
        %get3A_530 = arith.index_cast %mul3A_507 : i32 to index
        %get3A_531 = tpu.vector_load %arg5[%get3A_529, %get3A_530] {strides = array<i32>} : memref<8x2048xf32, #tpu.memory_space<vmem>>, vector<1x16xf32>,
        %get3A_532 = vector.shape_cast %get3A_531 : vector<1x16xf32> to vector<16xf32>
        %get3A_533 = arith.constant 5 : i32
        %get3A_534 = arith.index_cast %get3A_533 : i32 to index
        %get3A_535 = arith.index_cast %mul3A_507 : i32 to index
        %get3A_536 = tpu.vector_load %arg5[%get3A_534, %get3A_535] {strides = array<i32>} : memref<8x2048xf32, #tpu.memory_space<vmem>>, vector<1x16xf32>,
        %get3A_537 = vector.shape_cast %get3A_536 : vector<1x16xf32> to vector<16xf32>
        %get3A_538 = arith.constant 6 : i32
        %get3A_539 = arith.index_cast %get3A_538 : i32 to index
        %get3A_540 = arith.index_cast %mul3A_507 : i32 to index
        %get3A_541 = tpu.vector_load %arg5[%get3A_539, %get3A_540] {strides = array<i32>} : memref<8x2048xf32, #tpu.memory_space<vmem>>, vector<1x16xf32>,
        %get3A_542 = vector.shape_cast %get3A_541 : vector<1x16xf32> to vector<16xf32>
        %get3A_543 = arith.constant 7 : i32
        %get3A_544 = arith.index_cast %get3A_543 : i32 to index
        %get3A_545 = arith.index_cast %mul3A_507 : i32 to index
        %get3A_546 = tpu.vector_load %arg5[%get3A_544, %get3A_545] {strides = array<i32>} : memref<8x2048xf32, #tpu.memory_space<vmem>>, vector<1x16xf32>,
        %get3A_547 = vector.shape_cast %get3A_546 : vector<1x16xf32> to vector<16xf32>
        %sub3A = arith.subf %get3A_512, %get3A_158 : vector<16xf32>
        %mul3A_548 = arith.mulf %sub3A, %sub3A : vector<16xf32>
        %sub3A_549 = arith.subf %get3A_517, %get3A_169 : vector<16xf32>
        %mul3A_550 = arith.mulf %sub3A_549, %sub3A_549 : vector<16xf32>
        %add3A_551 = arith.addf %mul3A_548, %mul3A_550 : vector<16xf32>
        %sub3A_552 = arith.subf %get3A_522, %get3A_180 : vector<16xf32>
        %mul3A_553 = arith.mulf %sub3A_552, %sub3A_552 : vector<16xf32>
        %add3A_554 = arith.addf %add3A_551, %mul3A_553 : vector<16xf32>
        %sub3A_555 = arith.subf %get3A_527, %get3A_191 : vector<16xf32>
        %mul3A_556 = arith.mulf %sub3A_555, %sub3A_555 : vector<16xf32>
        %add3A_557 = arith.addf %add3A_554, %mul3A_556 : vector<16xf32>
        %sub3A_558 = arith.subf %get3A_532, %get3A_202 : vector<16xf32>
        %mul3A_559 = arith.mulf %sub3A_558, %sub3A_558 : vector<16xf32>
        %add3A_560 = arith.addf %add3A_557, %mul3A_559 : vector<16xf32>
        %sub3A_561 = arith.subf %get3A_537, %get3A_213 : vector<16xf32>
        %mul3A_562 = arith.mulf %sub3A_561, %sub3A_561 : vector<16xf32>
        %add3A_563 = arith.addf %add3A_560, %mul3A_562 : vector<16xf32>
        %sub3A_564 = arith.subf %get3A_542, %get3A_224 : vector<16xf32>
        %mul3A_565 = arith.mulf %sub3A_564, %sub3A_564 : vector<16xf32>
        %add3A_566 = arith.addf %add3A_563, %mul3A_565 : vector<16xf32>
        %sub3A_567 = arith.subf %get3A_547, %get3A_235 : vector<16xf32>
        %mul3A_568 = arith.mulf %sub3A_567, %sub3A_567 : vector<16xf32>
        %add3A_569 = arith.addf %add3A_566, %mul3A_568 : vector<16xf32>
        %mul3A_570 = arith.constant -5.000000e-01 : f32
        %mul3A_571 = vector.broadcast %mul3A_570 : f32 to vector<16xf32>
        %mul3A_572 = arith.mulf %add3A_569, %mul3A_571 : vector<16xf32>
        %exp3A = math.exp %mul3A_572 : vector<16xf32>
        %add3A_573 = arith.constant 0 : i32
        %add3A_574 = arith.addi %mul3A_146, %add3A_573 : i32
        %swap3A = arith.constant 1 : i32
        %swap3A_575 = arith.index_cast %swap3A : i32 to index
        %swap3A_576 = arith.index_cast %add3A_574 : i32 to index
        %swap3A_577 = arith.index_cast %mul3A_507 : i32 to index
        %swap3A_578 = tpu.vector_load %arg7[%swap3A_575, %swap3A_576, %swap3A_577] {strides = array<i32>} : memref<2x16x2048xf32, #tpu.memory_space<vmem>>, vector<1x1x16xf32>,
        %swap3A_579 = vector.shape_cast %swap3A_578 : vector<1x1x16xf32> to vector<16xf32>
        %swap3A_580 = vector.shape_cast %exp3A : vector<16xf32> to vector<1x1x16xf32>
        tpu.vector_store %arg7[%swap3A_575, %swap3A_576, %swap3A_577], %swap3A_580 {strides = array<i32>} : memref<2x16x2048xf32, #tpu.memory_space<vmem>>, vector<1x1x16xf32>,
        %sub3A_581 = arith.subf %get3A_512, %get3A_246 : vector<16xf32>
        %mul3A_582 = arith.mulf %sub3A_581, %sub3A_581 : vector<16xf32>
        %sub3A_583 = arith.subf %get3A_517, %get3A_257 : vector<16xf32>
        %mul3A_584 = arith.mulf %sub3A_583, %sub3A_583 : vector<16xf32>
        %add3A_585 = arith.addf %mul3A_582, %mul3A_584 : vector<16xf32>
        %sub3A_586 = arith.subf %get3A_522, %get3A_268 : vector<16xf32>
        %mul3A_587 = arith.mulf %sub3A_586, %sub3A_586 : vector<16xf32>
        %add3A_588 = arith.addf %add3A_585, %mul3A_587 : vector<16xf32>
        %sub3A_589 = arith.subf %get3A_527, %get3A_279 : vector<16xf32>
        %mul3A_590 = arith.mulf %sub3A_589, %sub3A_589 : vector<16xf32>
        %add3A_591 = arith.addf %add3A_588, %mul3A_590 : vector<16xf32>
        %sub3A_592 = arith.subf %get3A_532, %get3A_290 : vector<16xf32>
        %mul3A_593 = arith.mulf %sub3A_592, %sub3A_592 : vector<16xf32>
        %add3A_594 = arith.addf %add3A_591, %mul3A_593 : vector<16xf32>
        %sub3A_595 = arith.subf %get3A_537, %get3A_301 : vector<16xf32>
        %mul3A_596 = arith.mulf %sub3A_595, %sub3A_595 : vector<16xf32>
        %add3A_597 = arith.addf %add3A_594, %mul3A_596 : vector<16xf32>
        %sub3A_598 = arith.subf %get3A_542, %get3A_312 : vector<16xf32>
        %mul3A_599 = arith.mulf %sub3A_598, %sub3A_598 : vector<16xf32>
        %add3A_600 = arith.addf %add3A_597, %mul3A_599 : vector<16xf32>
        %sub3A_601 = arith.subf %get3A_547, %get3A_323 : vector<16xf32>
        %mul3A_602 = arith.mulf %sub3A_601, %sub3A_601 : vector<16xf32>
        %add3A_603 = arith.addf %add3A_600, %mul3A_602 : vector<16xf32>
        %mul3A_604 = arith.constant -5.000000e-01 : f32
        %mul3A_605 = vector.broadcast %mul3A_604 : f32 to vector<16xf32>
        %mul3A_606 = arith.mulf %add3A_603, %mul3A_605 : vector<16xf32>
        %exp3A_607 = math.exp %mul3A_606 : vector<16xf32>
        %add3A_608 = arith.constant 1 : i32
        %add3A_609 = arith.addi %mul3A_146, %add3A_608 : i32
        %swap3A_610 = arith.constant 1 : i32
        %swap3A_611 = arith.index_cast %swap3A_610 : i32 to index
        %swap3A_612 = arith.index_cast %add3A_609 : i32 to index
        %swap3A_613 = arith.index_cast %mul3A_507 : i32 to index
        %swap3A_614 = tpu.vector_load %arg7[%swap3A_611, %swap3A_612, %swap3A_613] {strides = array<i32>} : memref<2x16x2048xf32, #tpu.memory_space<vmem>>, vector<1x1x16xf32>,
        %swap3A_615 = vector.shape_cast %swap3A_614 : vector<1x1x16xf32> to vector<16xf32>
        %swap3A_616 = vector.shape_cast %exp3A_607 : vector<16xf32> to vector<1x1x16xf32>
        tpu.vector_store %arg7[%swap3A_611, %swap3A_612, %swap3A_613], %swap3A_616 {strides = array<i32>} : memref<2x16x2048xf32, #tpu.memory_space<vmem>>, vector<1x1x16xf32>,
        %sub3A_617 = arith.subf %get3A_512, %get3A_334 : vector<16xf32>
        %mul3A_618 = arith.mulf %sub3A_617, %sub3A_617 : vector<16xf32>
        %sub3A_619 = arith.subf %get3A_517, %get3A_345 : vector<16xf32>
        %mul3A_620 = arith.mulf %sub3A_619, %sub3A_619 : vector<16xf32>
        %add3A_621 = arith.addf %mul3A_618, %mul3A_620 : vector<16xf32>
        %sub3A_622 = arith.subf %get3A_522, %get3A_356 : vector<16xf32>
        %mul3A_623 = arith.mulf %sub3A_622, %sub3A_622 : vector<16xf32>
        %add3A_624 = arith.addf %add3A_621, %mul3A_623 : vector<16xf32>
        %sub3A_625 = arith.subf %get3A_527, %get3A_367 : vector<16xf32>
        %mul3A_626 = arith.mulf %sub3A_625, %sub3A_625 : vector<16xf32>
        %add3A_627 = arith.addf %add3A_624, %mul3A_626 : vector<16xf32>
        %sub3A_628 = arith.subf %get3A_532, %get3A_378 : vector<16xf32>
        %mul3A_629 = arith.mulf %sub3A_628, %sub3A_628 : vector<16xf32>
        %add3A_630 = arith.addf %add3A_627, %mul3A_629 : vector<16xf32>
        %sub3A_631 = arith.subf %get3A_537, %get3A_389 : vector<16xf32>
        %mul3A_632 = arith.mulf %sub3A_631, %sub3A_631 : vector<16xf32>
        %add3A_633 = arith.addf %add3A_630, %mul3A_632 : vector<16xf32>
        %sub3A_634 = arith.subf %get3A_542, %get3A_400 : vector<16xf32>
        %mul3A_635 = arith.mulf %sub3A_634, %sub3A_634 : vector<16xf32>
        %add3A_636 = arith.addf %add3A_633, %mul3A_635 : vector<16xf32>
        %sub3A_637 = arith.subf %get3A_547, %get3A_411 : vector<16xf32>
        %mul3A_638 = arith.mulf %sub3A_637, %sub3A_637 : vector<16xf32>
        %add3A_639 = arith.addf %add3A_636, %mul3A_638 : vector<16xf32>
        %mul3A_640 = arith.constant -5.000000e-01 : f32
        %mul3A_641 = vector.broadcast %mul3A_640 : f32 to vector<16xf32>
        %mul3A_642 = arith.mulf %add3A_639, %mul3A_641 : vector<16xf32>
        %exp3A_643 = math.exp %mul3A_642 : vector<16xf32>
        %add3A_644 = arith.constant 2 : i32
        %add3A_645 = arith.addi %mul3A_146, %add3A_644 : i32
        %swap3A_646 = arith.constant 1 : i32
        %swap3A_647 = arith.index_cast %swap3A_646 : i32 to index
        %swap3A_648 = arith.index_cast %add3A_645 : i32 to index
        %swap3A_649 = arith.index_cast %mul3A_507 : i32 to index
        %swap3A_650 = tpu.vector_load %arg7[%swap3A_647, %swap3A_648, %swap3A_649] {strides = array<i32>} : memref<2x16x2048xf32, #tpu.memory_space<vmem>>, vector<1x1x16xf32>,
        %swap3A_651 = vector.shape_cast %swap3A_650 : vector<1x1x16xf32> to vector<16xf32>
        %swap3A_652 = vector.shape_cast %exp3A_643 : vector<16xf32> to vector<1x1x16xf32>
        tpu.vector_store %arg7[%swap3A_647, %swap3A_648, %swap3A_649], %swap3A_652 {strides = array<i32>} : memref<2x16x2048xf32, #tpu.memory_space<vmem>>, vector<1x1x16xf32>,
        %sub3A_653 = arith.subf %get3A_512, %get3A_422 : vector<16xf32>
        %mul3A_654 = arith.mulf %sub3A_653, %sub3A_653 : vector<16xf32>
        %sub3A_655 = arith.subf %get3A_517, %get3A_433 : vector<16xf32>
        %mul3A_656 = arith.mulf %sub3A_655, %sub3A_655 : vector<16xf32>
        %add3A_657 = arith.addf %mul3A_654, %mul3A_656 : vector<16xf32>
        %sub3A_658 = arith.subf %get3A_522, %get3A_444 : vector<16xf32>
        %mul3A_659 = arith.mulf %sub3A_658, %sub3A_658 : vector<16xf32>
        %add3A_660 = arith.addf %add3A_657, %mul3A_659 : vector<16xf32>
        %sub3A_661 = arith.subf %get3A_527, %get3A_455 : vector<16xf32>
        %mul3A_662 = arith.mulf %sub3A_661, %sub3A_661 : vector<16xf32>
        %add3A_663 = arith.addf %add3A_660, %mul3A_662 : vector<16xf32>
        %sub3A_664 = arith.subf %get3A_532, %get3A_466 : vector<16xf32>
        %mul3A_665 = arith.mulf %sub3A_664, %sub3A_664 : vector<16xf32>
        %add3A_666 = arith.addf %add3A_663, %mul3A_665 : vector<16xf32>
        %sub3A_667 = arith.subf %get3A_537, %get3A_477 : vector<16xf32>
        %mul3A_668 = arith.mulf %sub3A_667, %sub3A_667 : vector<16xf32>
        %add3A_669 = arith.addf %add3A_666, %mul3A_668 : vector<16xf32>
        %sub3A_670 = arith.subf %get3A_542, %get3A_488 : vector<16xf32>
        %mul3A_671 = arith.mulf %sub3A_670, %sub3A_670 : vector<16xf32>
        %add3A_672 = arith.addf %add3A_669, %mul3A_671 : vector<16xf32>
        %sub3A_673 = arith.subf %get3A_547, %get3A_499 : vector<16xf32>
        %mul3A_674 = arith.mulf %sub3A_673, %sub3A_673 : vector<16xf32>
        %add3A_675 = arith.addf %add3A_672, %mul3A_674 : vector<16xf32>
        %mul3A_676 = arith.constant -5.000000e-01 : f32
        %mul3A_677 = vector.broadcast %mul3A_676 : f32 to vector<16xf32>
        %mul3A_678 = arith.mulf %add3A_675, %mul3A_677 : vector<16xf32>
        %exp3A_679 = math.exp %mul3A_678 : vector<16xf32>
        %add3A_680 = arith.constant 3 : i32
        %add3A_681 = arith.addi %mul3A_146, %add3A_680 : i32
        %swap3A_682 = arith.constant 1 : i32
        %swap3A_683 = arith.index_cast %swap3A_682 : i32 to index
        %swap3A_684 = arith.index_cast %add3A_681 : i32 to index
        %swap3A_685 = arith.index_cast %mul3A_507 : i32 to index
        %swap3A_686 = tpu.vector_load %arg7[%swap3A_683, %swap3A_684, %swap3A_685] {strides = array<i32>} : memref<2x16x2048xf32, #tpu.memory_space<vmem>>, vector<1x1x16xf32>,
        %swap3A_687 = vector.shape_cast %swap3A_686 : vector<1x1x16xf32> to vector<16xf32>
        %swap3A_688 = vector.shape_cast %exp3A_679 : vector<16xf32> to vector<1x1x16xf32>
        tpu.vector_store %arg7[%swap3A_683, %swap3A_684, %swap3A_685], %swap3A_688 {strides = array<i32>} : memref<2x16x2048xf32, #tpu.memory_space<vmem>>, vector<1x1x16xf32>,
      }
      %scan3A_504 = arith.constant 128 : i32
    }
    %scan3A_34 = arith.constant 4 : i32
    %add3A_35 = arith.constant 16 : i32
    %add3A_36 = arith.addi %mul3A_2, %add3A_35 : i32
    %dma_start3A_37 = arith.constant 1 : i32
    %dma_start3A_38 = arith.constant 0 : i32
    %dma_start3A_39 = arith.constant 0 : i32
    %dma_start3A_40 = tpu.memref_slice %arg7[%dma_start3A_37, %dma_start3A_38, %dma_start3A_39] : memref<2x16x2048xf32, #tpu.memory_space<vmem>> -> memref<1x16x2048xf32, #tpu.memory_space<vmem>>
    %dma_start3A_41 = tpu.memref_squeeze %dma_start3A_40 : memref<1x16x2048xf32, #tpu.memory_space<vmem>> -> memref<16x2048xf32, #tpu.memory_space<vmem>>
    %dma_start3A_42 = arith.constant 0 : i32
    %dma_start3A_43 = tpu.memref_slice %arg4[%add3A_36, %dma_start3A_42] : memref<2048x2048xf32, #tpu.memory_space<hbm>> -> memref<16x2048xf32, #tpu.memory_space<hbm>>
    %dma_start3A_44 = arith.constant 0 : i32
    %dma_start3A_45 = tpu.memref_slice %arg4[%add3A_36, %dma_start3A_44] : memref<2048x2048xf32, #tpu.memory_space<hbm>> -> memref<16x2048xf32, #tpu.memory_space<hbm>>
    %dma_start3A_46 = arith.constant 0 : i32
    %dma_start3A_47 = arith.constant 0 : i32
    %dma_start3A_48 = tpu.memref_slice %arg7[%dma_start3A_37, %dma_start3A_46, %dma_start3A_47] : memref<2x16x2048xf32, #tpu.memory_space<vmem>> -> memref<1x16x2048xf32, #tpu.memory_space<vmem>>
    %dma_start3A_49 = tpu.memref_squeeze %dma_start3A_48 : memref<1x16x2048xf32, #tpu.memory_space<vmem>> -> memref<16x2048xf32, #tpu.memory_space<vmem>>
    tpu.enqueue_dma source(%dma_start3A_49 : memref<16x2048xf32, #tpu.memory_space<vmem>>) target(%dma_start3A_45 : memref<16x2048xf32, #tpu.memory_space<hbm>>) target_semaphore(%arg9 : memref<!tpu.dma_semaphore, #tpu.memory_space<semaphore_mem>>)
    %dma_wait3A_50 = arith.constant 0 : i32
    %dma_wait3A_51 = arith.constant 0 : i32
    %dma_wait3A_52 = arith.constant 0 : i32
    %dma_wait3A_53 = tpu.memref_slice %arg7[%dma_wait3A_50, %dma_wait3A_51, %dma_wait3A_52] : memref<2x16x2048xf32, #tpu.memory_space<vmem>> -> memref<1x16x2048xf32, #tpu.memory_space<vmem>>
    %dma_wait3A_54 = tpu.memref_squeeze %dma_wait3A_53 : memref<1x16x2048xf32, #tpu.memory_space<vmem>> -> memref<16x2048xf32, #tpu.memory_space<vmem>>
    %dma_wait3A_55 = arith.constant 0 : i32
    %dma_wait3A_56 = tpu.memref_slice %arg4[%add3A_15, %dma_wait3A_55] : memref<2048x2048xf32, #tpu.memory_space<hbm>> -> memref<16x2048xf32, #tpu.memory_space<hbm>>
    %dma_wait3A_57 = arith.constant 0 : i32
    %dma_wait3A_58 = tpu.memref_slice %arg4[%add3A_15, %dma_wait3A_57] : memref<2048x2048xf32, #tpu.memory_space<hbm>> -> memref<16x2048xf32, #tpu.memory_space<hbm>>
    %dma_wait3A_59 = arith.constant 0 : i32
    %dma_wait3A_60 = arith.constant 0 : i32
    %dma_wait3A_61 = tpu.memref_slice %arg7[%dma_wait3A_50, %dma_wait3A_59, %dma_wait3A_60] : memref<2x16x2048xf32, #tpu.memory_space<vmem>> -> memref<1x16x2048xf32, #tpu.memory_space<vmem>>
    %dma_wait3A_62 = tpu.memref_squeeze %dma_wait3A_61 : memref<1x16x2048xf32, #tpu.memory_space<vmem>> -> memref<16x2048xf32, #tpu.memory_space<vmem>>
    tpu.wait_dma2 semaphore(%arg8 : memref<!tpu.dma_semaphore, #tpu.memory_space<semaphore_mem>>) src(%dma_wait3A_62 : memref<16x2048xf32, #tpu.memory_space<vmem>>) dst(%dma_wait3A_58 : memref<16x2048xf32, #tpu.memory_space<hbm>>)
    %scan3A_63 = arith.constant 0 : i32
    %scan3A_64 = arith.constant 0 : i32
    %scan3A_65 = arith.constant 4 : i32
    %scan3A_66 = arith.addi %scan3A_64, %scan3A_65 : i32
    %scan3A_67 = arith.constant 1 : i32
    scf.for %scan3A_144 = %scan3A_64 to %scan3A_66 step %scan3A_67  : i32 {
      %mul3A_145 = arith.constant 4 : i32
      %mul3A_146 = arith.muli %scan3A_144, %mul3A_145 : i32
      %add3A_147 = arith.constant 32 : i32
      %add3A_148 = arith.addi %add3A_147, %mul3A_146 : i32
      %add3A_149 = arith.constant 0 : i32
      %add3A_150 = arith.addi %add3A_148, %add3A_149 : i32
      %mul3A_151 = arith.constant 8 : i32
      %mul3A_152 = arith.muli %add3A_150, %mul3A_151 : i32
      %add3A_153 = arith.constant 0 : i32
      %add3A_154 = arith.addi %mul3A_152, %add3A_153 : i32
      %mul3A_155 = arith.constant 16 : i32
      %mul3A_156 = arith.muli %add3A_154, %mul3A_155 : i32
      %get3A = arith.index_cast %mul3A_156 : i32 to index
      %get3A_157 = tpu.vector_load %arg6[%get3A] {strides = array<i32>} : memref<8192xf32, #tpu.memory_space<vmem>>, vector<16xf32>,
      %get3A_158 = vector.shape_cast %get3A_157 : vector<16xf32> to vector<16xf32>
      %add3A_159 = arith.constant 0 : i32
      %add3A_160 = arith.addi %add3A_148, %add3A_159 : i32
      %mul3A_161 = arith.constant 8 : i32
      %mul3A_162 = arith.muli %add3A_160, %mul3A_161 : i32
      %add3A_163 = arith.constant 1 : i32
      %add3A_164 = arith.addi %mul3A_162, %add3A_163 : i32
      %mul3A_165 = arith.constant 16 : i32
      %mul3A_166 = arith.muli %add3A_164, %mul3A_165 : i32
      %get3A_167 = arith.index_cast %mul3A_166 : i32 to index
      %get3A_168 = tpu.vector_load %arg6[%get3A_167] {strides = array<i32>} : memref<8192xf32, #tpu.memory_space<vmem>>, vector<16xf32>,
      %get3A_169 = vector.shape_cast %get3A_168 : vector<16xf32> to vector<16xf32>
      %add3A_170 = arith.constant 0 : i32
      %add3A_171 = arith.addi %add3A_148, %add3A_170 : i32
      %mul3A_172 = arith.constant 8 : i32
      %mul3A_173 = arith.muli %add3A_171, %mul3A_172 : i32
      %add3A_174 = arith.constant 2 : i32
      %add3A_175 = arith.addi %mul3A_173, %add3A_174 : i32
      %mul3A_176 = arith.constant 16 : i32
      %mul3A_177 = arith.muli %add3A_175, %mul3A_176 : i32
      %get3A_178 = arith.index_cast %mul3A_177 : i32 to index
      %get3A_179 = tpu.vector_load %arg6[%get3A_178] {strides = array<i32>} : memref<8192xf32, #tpu.memory_space<vmem>>, vector<16xf32>,
      %get3A_180 = vector.shape_cast %get3A_179 : vector<16xf32> to vector<16xf32>
      %add3A_181 = arith.constant 0 : i32
      %add3A_182 = arith.addi %add3A_148, %add3A_181 : i32
      %mul3A_183 = arith.constant 8 : i32
      %mul3A_184 = arith.muli %add3A_182, %mul3A_183 : i32
      %add3A_185 = arith.constant 3 : i32
      %add3A_186 = arith.addi %mul3A_184, %add3A_185 : i32
      %mul3A_187 = arith.constant 16 : i32
      %mul3A_188 = arith.muli %add3A_186, %mul3A_187 : i32
      %get3A_189 = arith.index_cast %mul3A_188 : i32 to index
      %get3A_190 = tpu.vector_load %arg6[%get3A_189] {strides = array<i32>} : memref<8192xf32, #tpu.memory_space<vmem>>, vector<16xf32>,
      %get3A_191 = vector.shape_cast %get3A_190 : vector<16xf32> to vector<16xf32>
      %add3A_192 = arith.constant 0 : i32
      %add3A_193 = arith.addi %add3A_148, %add3A_192 : i32
      %mul3A_194 = arith.constant 8 : i32
      %mul3A_195 = arith.muli %add3A_193, %mul3A_194 : i32
      %add3A_196 = arith.constant 4 : i32
      %add3A_197 = arith.addi %mul3A_195, %add3A_196 : i32
      %mul3A_198 = arith.constant 16 : i32
      %mul3A_199 = arith.muli %add3A_197, %mul3A_198 : i32
      %get3A_200 = arith.index_cast %mul3A_199 : i32 to index
      %get3A_201 = tpu.vector_load %arg6[%get3A_200] {strides = array<i32>} : memref<8192xf32, #tpu.memory_space<vmem>>, vector<16xf32>,
      %get3A_202 = vector.shape_cast %get3A_201 : vector<16xf32> to vector<16xf32>
      %add3A_203 = arith.constant 0 : i32
      %add3A_204 = arith.addi %add3A_148, %add3A_203 : i32
      %mul3A_205 = arith.constant 8 : i32
      %mul3A_206 = arith.muli %add3A_204, %mul3A_205 : i32
      %add3A_207 = arith.constant 5 : i32
      %add3A_208 = arith.addi %mul3A_206, %add3A_207 : i32
      %mul3A_209 = arith.constant 16 : i32
      %mul3A_210 = arith.muli %add3A_208, %mul3A_209 : i32
      %get3A_211 = arith.index_cast %mul3A_210 : i32 to index
      %get3A_212 = tpu.vector_load %arg6[%get3A_211] {strides = array<i32>} : memref<8192xf32, #tpu.memory_space<vmem>>, vector<16xf32>,
      %get3A_213 = vector.shape_cast %get3A_212 : vector<16xf32> to vector<16xf32>
      %add3A_214 = arith.constant 0 : i32
      %add3A_215 = arith.addi %add3A_148, %add3A_214 : i32
      %mul3A_216 = arith.constant 8 : i32
      %mul3A_217 = arith.muli %add3A_215, %mul3A_216 : i32
      %add3A_218 = arith.constant 6 : i32
      %add3A_219 = arith.addi %mul3A_217, %add3A_218 : i32
      %mul3A_220 = arith.constant 16 : i32
      %mul3A_221 = arith.muli %add3A_219, %mul3A_220 : i32
      %get3A_222 = arith.index_cast %mul3A_221 : i32 to index
      %get3A_223 = tpu.vector_load %arg6[%get3A_222] {strides = array<i32>} : memref<8192xf32, #tpu.memory_space<vmem>>, vector<16xf32>,
      %get3A_224 = vector.shape_cast %get3A_223 : vector<16xf32> to vector<16xf32>
      %add3A_225 = arith.constant 0 : i32
      %add3A_226 = arith.addi %add3A_148, %add3A_225 : i32
      %mul3A_227 = arith.constant 8 : i32
      %mul3A_228 = arith.muli %add3A_226, %mul3A_227 : i32
      %add3A_229 = arith.constant 7 : i32
      %add3A_230 = arith.addi %mul3A_228, %add3A_229 : i32
      %mul3A_231 = arith.constant 16 : i32
      %mul3A_232 = arith.muli %add3A_230, %mul3A_231 : i32
      %get3A_233 = arith.index_cast %mul3A_232 : i32 to index
      %get3A_234 = tpu.vector_load %arg6[%get3A_233] {strides = array<i32>} : memref<8192xf32, #tpu.memory_space<vmem>>, vector<16xf32>,
      %get3A_235 = vector.shape_cast %get3A_234 : vector<16xf32> to vector<16xf32>
      %add3A_236 = arith.constant 1 : i32
      %add3A_237 = arith.addi %add3A_148, %add3A_236 : i32
      %mul3A_238 = arith.constant 8 : i32
      %mul3A_239 = arith.muli %add3A_237, %mul3A_238 : i32
      %add3A_240 = arith.constant 0 : i32
      %add3A_241 = arith.addi %mul3A_239, %add3A_240 : i32
      %mul3A_242 = arith.constant 16 : i32
      %mul3A_243 = arith.muli %add3A_241, %mul3A_242 : i32
      %get3A_244 = arith.index_cast %mul3A_243 : i32 to index
      %get3A_245 = tpu.vector_load %arg6[%get3A_244] {strides = array<i32>} : memref<8192xf32, #tpu.memory_space<vmem>>, vector<16xf32>,
      %get3A_246 = vector.shape_cast %get3A_245 : vector<16xf32> to vector<16xf32>
      %add3A_247 = arith.constant 1 : i32
      %add3A_248 = arith.addi %add3A_148, %add3A_247 : i32
      %mul3A_249 = arith.constant 8 : i32
      %mul3A_250 = arith.muli %add3A_248, %mul3A_249 : i32
      %add3A_251 = arith.constant 1 : i32
      %add3A_252 = arith.addi %mul3A_250, %add3A_251 : i32
      %mul3A_253 = arith.constant 16 : i32
      %mul3A_254 = arith.muli %add3A_252, %mul3A_253 : i32
      %get3A_255 = arith.index_cast %mul3A_254 : i32 to index
      %get3A_256 = tpu.vector_load %arg6[%get3A_255] {strides = array<i32>} : memref<8192xf32, #tpu.memory_space<vmem>>, vector<16xf32>,
      %get3A_257 = vector.shape_cast %get3A_256 : vector<16xf32> to vector<16xf32>
      %add3A_258 = arith.constant 1 : i32
      %add3A_259 = arith.addi %add3A_148, %add3A_258 : i32
      %mul3A_260 = arith.constant 8 : i32
      %mul3A_261 = arith.muli %add3A_259, %mul3A_260 : i32
      %add3A_262 = arith.constant 2 : i32
      %add3A_263 = arith.addi %mul3A_261, %add3A_262 : i32
      %mul3A_264 = arith.constant 16 : i32
      %mul3A_265 = arith.muli %add3A_263, %mul3A_264 : i32
      %get3A_266 = arith.index_cast %mul3A_265 : i32 to index
      %get3A_267 = tpu.vector_load %arg6[%get3A_266] {strides = array<i32>} : memref<8192xf32, #tpu.memory_space<vmem>>, vector<16xf32>,
      %get3A_268 = vector.shape_cast %get3A_267 : vector<16xf32> to vector<16xf32>
      %add3A_269 = arith.constant 1 : i32
      %add3A_270 = arith.addi %add3A_148, %add3A_269 : i32
      %mul3A_271 = arith.constant 8 : i32
      %mul3A_272 = arith.muli %add3A_270, %mul3A_271 : i32
      %add3A_273 = arith.constant 3 : i32
      %add3A_274 = arith.addi %mul3A_272, %add3A_273 : i32
      %mul3A_275 = arith.constant 16 : i32
      %mul3A_276 = arith.muli %add3A_274, %mul3A_275 : i32
      %get3A_277 = arith.index_cast %mul3A_276 : i32 to index
      %get3A_278 = tpu.vector_load %arg6[%get3A_277] {strides = array<i32>} : memref<8192xf32, #tpu.memory_space<vmem>>, vector<16xf32>,
      %get3A_279 = vector.shape_cast %get3A_278 : vector<16xf32> to vector<16xf32>
      %add3A_280 = arith.constant 1 : i32
      %add3A_281 = arith.addi %add3A_148, %add3A_280 : i32
      %mul3A_282 = arith.constant 8 : i32
      %mul3A_283 = arith.muli %add3A_281, %mul3A_282 : i32
      %add3A_284 = arith.constant 4 : i32
      %add3A_285 = arith.addi %mul3A_283, %add3A_284 : i32
      %mul3A_286 = arith.constant 16 : i32
      %mul3A_287 = arith.muli %add3A_285, %mul3A_286 : i32
      %get3A_288 = arith.index_cast %mul3A_287 : i32 to index
      %get3A_289 = tpu.vector_load %arg6[%get3A_288] {strides = array<i32>} : memref<8192xf32, #tpu.memory_space<vmem>>, vector<16xf32>,
      %get3A_290 = vector.shape_cast %get3A_289 : vector<16xf32> to vector<16xf32>
      %add3A_291 = arith.constant 1 : i32
      %add3A_292 = arith.addi %add3A_148, %add3A_291 : i32
      %mul3A_293 = arith.constant 8 : i32
      %mul3A_294 = arith.muli %add3A_292, %mul3A_293 : i32
      %add3A_295 = arith.constant 5 : i32
      %add3A_296 = arith.addi %mul3A_294, %add3A_295 : i32
      %mul3A_297 = arith.constant 16 : i32
      %mul3A_298 = arith.muli %add3A_296, %mul3A_297 : i32
      %get3A_299 = arith.index_cast %mul3A_298 : i32 to index
      %get3A_300 = tpu.vector_load %arg6[%get3A_299] {strides = array<i32>} : memref<8192xf32, #tpu.memory_space<vmem>>, vector<16xf32>,
      %get3A_301 = vector.shape_cast %get3A_300 : vector<16xf32> to vector<16xf32>
      %add3A_302 = arith.constant 1 : i32
      %add3A_303 = arith.addi %add3A_148, %add3A_302 : i32
      %mul3A_304 = arith.constant 8 : i32
      %mul3A_305 = arith.muli %add3A_303, %mul3A_304 : i32
      %add3A_306 = arith.constant 6 : i32
      %add3A_307 = arith.addi %mul3A_305, %add3A_306 : i32
      %mul3A_308 = arith.constant 16 : i32
      %mul3A_309 = arith.muli %add3A_307, %mul3A_308 : i32
      %get3A_310 = arith.index_cast %mul3A_309 : i32 to index
      %get3A_311 = tpu.vector_load %arg6[%get3A_310] {strides = array<i32>} : memref<8192xf32, #tpu.memory_space<vmem>>, vector<16xf32>,
      %get3A_312 = vector.shape_cast %get3A_311 : vector<16xf32> to vector<16xf32>
      %add3A_313 = arith.constant 1 : i32
      %add3A_314 = arith.addi %add3A_148, %add3A_313 : i32
      %mul3A_315 = arith.constant 8 : i32
      %mul3A_316 = arith.muli %add3A_314, %mul3A_315 : i32
      %add3A_317 = arith.constant 7 : i32
      %add3A_318 = arith.addi %mul3A_316, %add3A_317 : i32
      %mul3A_319 = arith.constant 16 : i32
      %mul3A_320 = arith.muli %add3A_318, %mul3A_319 : i32
      %get3A_321 = arith.index_cast %mul3A_320 : i32 to index
      %get3A_322 = tpu.vector_load %arg6[%get3A_321] {strides = array<i32>} : memref<8192xf32, #tpu.memory_space<vmem>>, vector<16xf32>,
      %get3A_323 = vector.shape_cast %get3A_322 : vector<16xf32> to vector<16xf32>
      %add3A_324 = arith.constant 2 : i32
      %add3A_325 = arith.addi %add3A_148, %add3A_324 : i32
      %mul3A_326 = arith.constant 8 : i32
      %mul3A_327 = arith.muli %add3A_325, %mul3A_326 : i32
      %add3A_328 = arith.constant 0 : i32
      %add3A_329 = arith.addi %mul3A_327, %add3A_328 : i32
      %mul3A_330 = arith.constant 16 : i32
      %mul3A_331 = arith.muli %add3A_329, %mul3A_330 : i32
      %get3A_332 = arith.index_cast %mul3A_331 : i32 to index
      %get3A_333 = tpu.vector_load %arg6[%get3A_332] {strides = array<i32>} : memref<8192xf32, #tpu.memory_space<vmem>>, vector<16xf32>,
      %get3A_334 = vector.shape_cast %get3A_333 : vector<16xf32> to vector<16xf32>
      %add3A_335 = arith.constant 2 : i32
      %add3A_336 = arith.addi %add3A_148, %add3A_335 : i32
      %mul3A_337 = arith.constant 8 : i32
      %mul3A_338 = arith.muli %add3A_336, %mul3A_337 : i32
      %add3A_339 = arith.constant 1 : i32
      %add3A_340 = arith.addi %mul3A_338, %add3A_339 : i32
      %mul3A_341 = arith.constant 16 : i32
      %mul3A_342 = arith.muli %add3A_340, %mul3A_341 : i32
      %get3A_343 = arith.index_cast %mul3A_342 : i32 to index
      %get3A_344 = tpu.vector_load %arg6[%get3A_343] {strides = array<i32>} : memref<8192xf32, #tpu.memory_space<vmem>>, vector<16xf32>,
      %get3A_345 = vector.shape_cast %get3A_344 : vector<16xf32> to vector<16xf32>
      %add3A_346 = arith.constant 2 : i32
      %add3A_347 = arith.addi %add3A_148, %add3A_346 : i32
      %mul3A_348 = arith.constant 8 : i32
      %mul3A_349 = arith.muli %add3A_347, %mul3A_348 : i32
      %add3A_350 = arith.constant 2 : i32
      %add3A_351 = arith.addi %mul3A_349, %add3A_350 : i32
      %mul3A_352 = arith.constant 16 : i32
      %mul3A_353 = arith.muli %add3A_351, %mul3A_352 : i32
      %get3A_354 = arith.index_cast %mul3A_353 : i32 to index
      %get3A_355 = tpu.vector_load %arg6[%get3A_354] {strides = array<i32>} : memref<8192xf32, #tpu.memory_space<vmem>>, vector<16xf32>,
      %get3A_356 = vector.shape_cast %get3A_355 : vector<16xf32> to vector<16xf32>
      %add3A_357 = arith.constant 2 : i32
      %add3A_358 = arith.addi %add3A_148, %add3A_357 : i32
      %mul3A_359 = arith.constant 8 : i32
      %mul3A_360 = arith.muli %add3A_358, %mul3A_359 : i32
      %add3A_361 = arith.constant 3 : i32
      %add3A_362 = arith.addi %mul3A_360, %add3A_361 : i32
      %mul3A_363 = arith.constant 16 : i32
      %mul3A_364 = arith.muli %add3A_362, %mul3A_363 : i32
      %get3A_365 = arith.index_cast %mul3A_364 : i32 to index
      %get3A_366 = tpu.vector_load %arg6[%get3A_365] {strides = array<i32>} : memref<8192xf32, #tpu.memory_space<vmem>>, vector<16xf32>,
      %get3A_367 = vector.shape_cast %get3A_366 : vector<16xf32> to vector<16xf32>
      %add3A_368 = arith.constant 2 : i32
      %add3A_369 = arith.addi %add3A_148, %add3A_368 : i32
      %mul3A_370 = arith.constant 8 : i32
      %mul3A_371 = arith.muli %add3A_369, %mul3A_370 : i32
      %add3A_372 = arith.constant 4 : i32
      %add3A_373 = arith.addi %mul3A_371, %add3A_372 : i32
      %mul3A_374 = arith.constant 16 : i32
      %mul3A_375 = arith.muli %add3A_373, %mul3A_374 : i32
      %get3A_376 = arith.index_cast %mul3A_375 : i32 to index
      %get3A_377 = tpu.vector_load %arg6[%get3A_376] {strides = array<i32>} : memref<8192xf32, #tpu.memory_space<vmem>>, vector<16xf32>,
      %get3A_378 = vector.shape_cast %get3A_377 : vector<16xf32> to vector<16xf32>
      %add3A_379 = arith.constant 2 : i32
      %add3A_380 = arith.addi %add3A_148, %add3A_379 : i32
      %mul3A_381 = arith.constant 8 : i32
      %mul3A_382 = arith.muli %add3A_380, %mul3A_381 : i32
      %add3A_383 = arith.constant 5 : i32
      %add3A_384 = arith.addi %mul3A_382, %add3A_383 : i32
      %mul3A_385 = arith.constant 16 : i32
      %mul3A_386 = arith.muli %add3A_384, %mul3A_385 : i32
      %get3A_387 = arith.index_cast %mul3A_386 : i32 to index
      %get3A_388 = tpu.vector_load %arg6[%get3A_387] {strides = array<i32>} : memref<8192xf32, #tpu.memory_space<vmem>>, vector<16xf32>,
      %get3A_389 = vector.shape_cast %get3A_388 : vector<16xf32> to vector<16xf32>
      %add3A_390 = arith.constant 2 : i32
      %add3A_391 = arith.addi %add3A_148, %add3A_390 : i32
      %mul3A_392 = arith.constant 8 : i32
      %mul3A_393 = arith.muli %add3A_391, %mul3A_392 : i32
      %add3A_394 = arith.constant 6 : i32
      %add3A_395 = arith.addi %mul3A_393, %add3A_394 : i32
      %mul3A_396 = arith.constant 16 : i32
      %mul3A_397 = arith.muli %add3A_395, %mul3A_396 : i32
      %get3A_398 = arith.index_cast %mul3A_397 : i32 to index
      %get3A_399 = tpu.vector_load %arg6[%get3A_398] {strides = array<i32>} : memref<8192xf32, #tpu.memory_space<vmem>>, vector<16xf32>,
      %get3A_400 = vector.shape_cast %get3A_399 : vector<16xf32> to vector<16xf32>
      %add3A_401 = arith.constant 2 : i32
      %add3A_402 = arith.addi %add3A_148, %add3A_401 : i32
      %mul3A_403 = arith.constant 8 : i32
      %mul3A_404 = arith.muli %add3A_402, %mul3A_403 : i32
      %add3A_405 = arith.constant 7 : i32
      %add3A_406 = arith.addi %mul3A_404, %add3A_405 : i32
      %mul3A_407 = arith.constant 16 : i32
      %mul3A_408 = arith.muli %add3A_406, %mul3A_407 : i32
      %get3A_409 = arith.index_cast %mul3A_408 : i32 to index
      %get3A_410 = tpu.vector_load %arg6[%get3A_409] {strides = array<i32>} : memref<8192xf32, #tpu.memory_space<vmem>>, vector<16xf32>,
      %get3A_411 = vector.shape_cast %get3A_410 : vector<16xf32> to vector<16xf32>
      %add3A_412 = arith.constant 3 : i32
      %add3A_413 = arith.addi %add3A_148, %add3A_412 : i32
      %mul3A_414 = arith.constant 8 : i32
      %mul3A_415 = arith.muli %add3A_413, %mul3A_414 : i32
      %add3A_416 = arith.constant 0 : i32
      %add3A_417 = arith.addi %mul3A_415, %add3A_416 : i32
      %mul3A_418 = arith.constant 16 : i32
      %mul3A_419 = arith.muli %add3A_417, %mul3A_418 : i32
      %get3A_420 = arith.index_cast %mul3A_419 : i32 to index
      %get3A_421 = tpu.vector_load %arg6[%get3A_420] {strides = array<i32>} : memref<8192xf32, #tpu.memory_space<vmem>>, vector<16xf32>,
      %get3A_422 = vector.shape_cast %get3A_421 : vector<16xf32> to vector<16xf32>
      %add3A_423 = arith.constant 3 : i32
      %add3A_424 = arith.addi %add3A_148, %add3A_423 : i32
      %mul3A_425 = arith.constant 8 : i32
      %mul3A_426 = arith.muli %add3A_424, %mul3A_425 : i32
      %add3A_427 = arith.constant 1 : i32
      %add3A_428 = arith.addi %mul3A_426, %add3A_427 : i32
      %mul3A_429 = arith.constant 16 : i32
      %mul3A_430 = arith.muli %add3A_428, %mul3A_429 : i32
      %get3A_431 = arith.index_cast %mul3A_430 : i32 to index
      %get3A_432 = tpu.vector_load %arg6[%get3A_431] {strides = array<i32>} : memref<8192xf32, #tpu.memory_space<vmem>>, vector<16xf32>,
      %get3A_433 = vector.shape_cast %get3A_432 : vector<16xf32> to vector<16xf32>
      %add3A_434 = arith.constant 3 : i32
      %add3A_435 = arith.addi %add3A_148, %add3A_434 : i32
      %mul3A_436 = arith.constant 8 : i32
      %mul3A_437 = arith.muli %add3A_435, %mul3A_436 : i32
      %add3A_438 = arith.constant 2 : i32
      %add3A_439 = arith.addi %mul3A_437, %add3A_438 : i32
      %mul3A_440 = arith.constant 16 : i32
      %mul3A_441 = arith.muli %add3A_439, %mul3A_440 : i32
      %get3A_442 = arith.index_cast %mul3A_441 : i32 to index
      %get3A_443 = tpu.vector_load %arg6[%get3A_442] {strides = array<i32>} : memref<8192xf32, #tpu.memory_space<vmem>>, vector<16xf32>,
      %get3A_444 = vector.shape_cast %get3A_443 : vector<16xf32> to vector<16xf32>
      %add3A_445 = arith.constant 3 : i32
      %add3A_446 = arith.addi %add3A_148, %add3A_445 : i32
      %mul3A_447 = arith.constant 8 : i32
      %mul3A_448 = arith.muli %add3A_446, %mul3A_447 : i32
      %add3A_449 = arith.constant 3 : i32
      %add3A_450 = arith.addi %mul3A_448, %add3A_449 : i32
      %mul3A_451 = arith.constant 16 : i32
      %mul3A_452 = arith.muli %add3A_450, %mul3A_451 : i32
      %get3A_453 = arith.index_cast %mul3A_452 : i32 to index
      %get3A_454 = tpu.vector_load %arg6[%get3A_453] {strides = array<i32>} : memref<8192xf32, #tpu.memory_space<vmem>>, vector<16xf32>,
      %get3A_455 = vector.shape_cast %get3A_454 : vector<16xf32> to vector<16xf32>
      %add3A_456 = arith.constant 3 : i32
      %add3A_457 = arith.addi %add3A_148, %add3A_456 : i32
      %mul3A_458 = arith.constant 8 : i32
      %mul3A_459 = arith.muli %add3A_457, %mul3A_458 : i32
      %add3A_460 = arith.constant 4 : i32
      %add3A_461 = arith.addi %mul3A_459, %add3A_460 : i32
      %mul3A_462 = arith.constant 16 : i32
      %mul3A_463 = arith.muli %add3A_461, %mul3A_462 : i32
      %get3A_464 = arith.index_cast %mul3A_463 : i32 to index
      %get3A_465 = tpu.vector_load %arg6[%get3A_464] {strides = array<i32>} : memref<8192xf32, #tpu.memory_space<vmem>>, vector<16xf32>,
      %get3A_466 = vector.shape_cast %get3A_465 : vector<16xf32> to vector<16xf32>
      %add3A_467 = arith.constant 3 : i32
      %add3A_468 = arith.addi %add3A_148, %add3A_467 : i32
      %mul3A_469 = arith.constant 8 : i32
      %mul3A_470 = arith.muli %add3A_468, %mul3A_469 : i32
      %add3A_471 = arith.constant 5 : i32
      %add3A_472 = arith.addi %mul3A_470, %add3A_471 : i32
      %mul3A_473 = arith.constant 16 : i32
      %mul3A_474 = arith.muli %add3A_472, %mul3A_473 : i32
      %get3A_475 = arith.index_cast %mul3A_474 : i32 to index
      %get3A_476 = tpu.vector_load %arg6[%get3A_475] {strides = array<i32>} : memref<8192xf32, #tpu.memory_space<vmem>>, vector<16xf32>,
      %get3A_477 = vector.shape_cast %get3A_476 : vector<16xf32> to vector<16xf32>
      %add3A_478 = arith.constant 3 : i32
      %add3A_479 = arith.addi %add3A_148, %add3A_478 : i32
      %mul3A_480 = arith.constant 8 : i32
      %mul3A_481 = arith.muli %add3A_479, %mul3A_480 : i32
      %add3A_482 = arith.constant 6 : i32
      %add3A_483 = arith.addi %mul3A_481, %add3A_482 : i32
      %mul3A_484 = arith.constant 16 : i32
      %mul3A_485 = arith.muli %add3A_483, %mul3A_484 : i32
      %get3A_486 = arith.index_cast %mul3A_485 : i32 to index
      %get3A_487 = tpu.vector_load %arg6[%get3A_486] {strides = array<i32>} : memref<8192xf32, #tpu.memory_space<vmem>>, vector<16xf32>,
      %get3A_488 = vector.shape_cast %get3A_487 : vector<16xf32> to vector<16xf32>
      %add3A_489 = arith.constant 3 : i32
      %add3A_490 = arith.addi %add3A_148, %add3A_489 : i32
      %mul3A_491 = arith.constant 8 : i32
      %mul3A_492 = arith.muli %add3A_490, %mul3A_491 : i32
      %add3A_493 = arith.constant 7 : i32
      %add3A_494 = arith.addi %mul3A_492, %add3A_493 : i32
      %mul3A_495 = arith.constant 16 : i32
      %mul3A_496 = arith.muli %add3A_494, %mul3A_495 : i32
      %get3A_497 = arith.index_cast %mul3A_496 : i32 to index
      %get3A_498 = tpu.vector_load %arg6[%get3A_497] {strides = array<i32>} : memref<8192xf32, #tpu.memory_space<vmem>>, vector<16xf32>,
      %get3A_499 = vector.shape_cast %get3A_498 : vector<16xf32> to vector<16xf32>
      %scan3A_500 = arith.constant 0 : i32
      %scan3A_501 = arith.constant 128 : i32
      %scan3A_502 = arith.addi %scan3A_500, %scan3A_501 : i32
      %scan3A_503 = arith.constant 1 : i32
      scf.for %scan3A_505 = %scan3A_500 to %scan3A_502 step %scan3A_503  : i32 {
        %mul3A_506 = arith.constant 16 : i32
        %mul3A_507 = arith.muli %scan3A_505, %mul3A_506 : i32
        %get3A_508 = arith.constant 0 : i32
        %get3A_509 = arith.index_cast %get3A_508 : i32 to index
        %get3A_510 = arith.index_cast %mul3A_507 : i32 to index
        %get3A_511 = tpu.vector_load %arg5[%get3A_509, %get3A_510] {strides = array<i32>} : memref<8x2048xf32, #tpu.memory_space<vmem>>, vector<1x16xf32>,
        %get3A_512 = vector.shape_cast %get3A_511 : vector<1x16xf32> to vector<16xf32>
        %get3A_513 = arith.constant 1 : i32
        %get3A_514 = arith.index_cast %get3A_513 : i32 to index
        %get3A_515 = arith.index_cast %mul3A_507 : i32 to index
        %get3A_516 = tpu.vector_load %arg5[%get3A_514, %get3A_515] {strides = array<i32>} : memref<8x2048xf32, #tpu.memory_space<vmem>>, vector<1x16xf32>,
        %get3A_517 = vector.shape_cast %get3A_516 : vector<1x16xf32> to vector<16xf32>
        %get3A_518 = arith.constant 2 : i32
        %get3A_519 = arith.index_cast %get3A_518 : i32 to index
        %get3A_520 = arith.index_cast %mul3A_507 : i32 to index
        %get3A_521 = tpu.vector_load %arg5[%get3A_519, %get3A_520] {strides = array<i32>} : memref<8x2048xf32, #tpu.memory_space<vmem>>, vector<1x16xf32>,
        %get3A_522 = vector.shape_cast %get3A_521 : vector<1x16xf32> to vector<16xf32>
        %get3A_523 = arith.constant 3 : i32
        %get3A_524 = arith.index_cast %get3A_523 : i32 to index
        %get3A_525 = arith.index_cast %mul3A_507 : i32 to index
        %get3A_526 = tpu.vector_load %arg5[%get3A_524, %get3A_525] {strides = array<i32>} : memref<8x2048xf32, #tpu.memory_space<vmem>>, vector<1x16xf32>,
        %get3A_527 = vector.shape_cast %get3A_526 : vector<1x16xf32> to vector<16xf32>
        %get3A_528 = arith.constant 4 : i32
        %get3A_529 = arith.index_cast %get3A_528 : i32 to index
        %get3A_530 = arith.index_cast %mul3A_507 : i32 to index
        %get3A_531 = tpu.vector_load %arg5[%get3A_529, %get3A_530] {strides = array<i32>} : memref<8x2048xf32, #tpu.memory_space<vmem>>, vector<1x16xf32>,
        %get3A_532 = vector.shape_cast %get3A_531 : vector<1x16xf32> to vector<16xf32>
        %get3A_533 = arith.constant 5 : i32
        %get3A_534 = arith.index_cast %get3A_533 : i32 to index
        %get3A_535 = arith.index_cast %mul3A_507 : i32 to index
        %get3A_536 = tpu.vector_load %arg5[%get3A_534, %get3A_535] {strides = array<i32>} : memref<8x2048xf32, #tpu.memory_space<vmem>>, vector<1x16xf32>,
        %get3A_537 = vector.shape_cast %get3A_536 : vector<1x16xf32> to vector<16xf32>
        %get3A_538 = arith.constant 6 : i32
        %get3A_539 = arith.index_cast %get3A_538 : i32 to index
        %get3A_540 = arith.index_cast %mul3A_507 : i32 to index
        %get3A_541 = tpu.vector_load %arg5[%get3A_539, %get3A_540] {strides = array<i32>} : memref<8x2048xf32, #tpu.memory_space<vmem>>, vector<1x16xf32>,
        %get3A_542 = vector.shape_cast %get3A_541 : vector<1x16xf32> to vector<16xf32>
        %get3A_543 = arith.constant 7 : i32
        %get3A_544 = arith.index_cast %get3A_543 : i32 to index
        %get3A_545 = arith.index_cast %mul3A_507 : i32 to index
        %get3A_546 = tpu.vector_load %arg5[%get3A_544, %get3A_545] {strides = array<i32>} : memref<8x2048xf32, #tpu.memory_space<vmem>>, vector<1x16xf32>,
        %get3A_547 = vector.shape_cast %get3A_546 : vector<1x16xf32> to vector<16xf32>
        %sub3A = arith.subf %get3A_512, %get3A_158 : vector<16xf32>
        %mul3A_548 = arith.mulf %sub3A, %sub3A : vector<16xf32>
        %sub3A_549 = arith.subf %get3A_517, %get3A_169 : vector<16xf32>
        %mul3A_550 = arith.mulf %sub3A_549, %sub3A_549 : vector<16xf32>
        %add3A_551 = arith.addf %mul3A_548, %mul3A_550 : vector<16xf32>
        %sub3A_552 = arith.subf %get3A_522, %get3A_180 : vector<16xf32>
        %mul3A_553 = arith.mulf %sub3A_552, %sub3A_552 : vector<16xf32>
        %add3A_554 = arith.addf %add3A_551, %mul3A_553 : vector<16xf32>
        %sub3A_555 = arith.subf %get3A_527, %get3A_191 : vector<16xf32>
        %mul3A_556 = arith.mulf %sub3A_555, %sub3A_555 : vector<16xf32>
        %add3A_557 = arith.addf %add3A_554, %mul3A_556 : vector<16xf32>
        %sub3A_558 = arith.subf %get3A_532, %get3A_202 : vector<16xf32>
        %mul3A_559 = arith.mulf %sub3A_558, %sub3A_558 : vector<16xf32>
        %add3A_560 = arith.addf %add3A_557, %mul3A_559 : vector<16xf32>
        %sub3A_561 = arith.subf %get3A_537, %get3A_213 : vector<16xf32>
        %mul3A_562 = arith.mulf %sub3A_561, %sub3A_561 : vector<16xf32>
        %add3A_563 = arith.addf %add3A_560, %mul3A_562 : vector<16xf32>
        %sub3A_564 = arith.subf %get3A_542, %get3A_224 : vector<16xf32>
        %mul3A_565 = arith.mulf %sub3A_564, %sub3A_564 : vector<16xf32>
        %add3A_566 = arith.addf %add3A_563, %mul3A_565 : vector<16xf32>
        %sub3A_567 = arith.subf %get3A_547, %get3A_235 : vector<16xf32>
        %mul3A_568 = arith.mulf %sub3A_567, %sub3A_567 : vector<16xf32>
        %add3A_569 = arith.addf %add3A_566, %mul3A_568 : vector<16xf32>
        %mul3A_570 = arith.constant -5.000000e-01 : f32
        %mul3A_571 = vector.broadcast %mul3A_570 : f32 to vector<16xf32>
        %mul3A_572 = arith.mulf %add3A_569, %mul3A_571 : vector<16xf32>
        %exp3A = math.exp %mul3A_572 : vector<16xf32>
        %add3A_573 = arith.constant 0 : i32
        %add3A_574 = arith.addi %mul3A_146, %add3A_573 : i32
        %swap3A = arith.constant 0 : i32
        %swap3A_575 = arith.index_cast %swap3A : i32 to index
        %swap3A_576 = arith.index_cast %add3A_574 : i32 to index
        %swap3A_577 = arith.index_cast %mul3A_507 : i32 to index
        %swap3A_578 = tpu.vector_load %arg7[%swap3A_575, %swap3A_576, %swap3A_577] {strides = array<i32>} : memref<2x16x2048xf32, #tpu.memory_space<vmem>>, vector<1x1x16xf32>,
        %swap3A_579 = vector.shape_cast %swap3A_578 : vector<1x1x16xf32> to vector<16xf32>
        %swap3A_580 = vector.shape_cast %exp3A : vector<16xf32> to vector<1x1x16xf32>
        tpu.vector_store %arg7[%swap3A_575, %swap3A_576, %swap3A_577], %swap3A_580 {strides = array<i32>} : memref<2x16x2048xf32, #tpu.memory_space<vmem>>, vector<1x1x16xf32>,
        %sub3A_581 = arith.subf %get3A_512, %get3A_246 : vector<16xf32>
        %mul3A_582 = arith.mulf %sub3A_581, %sub3A_581 : vector<16xf32>
        %sub3A_583 = arith.subf %get3A_517, %get3A_257 : vector<16xf32>
        %mul3A_584 = arith.mulf %sub3A_583, %sub3A_583 : vector<16xf32>
        %add3A_585 = arith.addf %mul3A_582, %mul3A_584 : vector<16xf32>
        %sub3A_586 = arith.subf %get3A_522, %get3A_268 : vector<16xf32>
        %mul3A_587 = arith.mulf %sub3A_586, %sub3A_586 : vector<16xf32>
        %add3A_588 = arith.addf %add3A_585, %mul3A_587 : vector<16xf32>
        %sub3A_589 = arith.subf %get3A_527, %get3A_279 : vector<16xf32>
        %mul3A_590 = arith.mulf %sub3A_589, %sub3A_589 : vector<16xf32>
        %add3A_591 = arith.addf %add3A_588, %mul3A_590 : vector<16xf32>
        %sub3A_592 = arith.subf %get3A_532, %get3A_290 : vector<16xf32>
        %mul3A_593 = arith.mulf %sub3A_592, %sub3A_592 : vector<16xf32>
        %add3A_594 = arith.addf %add3A_591, %mul3A_593 : vector<16xf32>
        %sub3A_595 = arith.subf %get3A_537, %get3A_301 : vector<16xf32>
        %mul3A_596 = arith.mulf %sub3A_595, %sub3A_595 : vector<16xf32>
        %add3A_597 = arith.addf %add3A_594, %mul3A_596 : vector<16xf32>
        %sub3A_598 = arith.subf %get3A_542, %get3A_312 : vector<16xf32>
        %mul3A_599 = arith.mulf %sub3A_598, %sub3A_598 : vector<16xf32>
        %add3A_600 = arith.addf %add3A_597, %mul3A_599 : vector<16xf32>
        %sub3A_601 = arith.subf %get3A_547, %get3A_323 : vector<16xf32>
        %mul3A_602 = arith.mulf %sub3A_601, %sub3A_601 : vector<16xf32>
        %add3A_603 = arith.addf %add3A_600, %mul3A_602 : vector<16xf32>
        %mul3A_604 = arith.constant -5.000000e-01 : f32
        %mul3A_605 = vector.broadcast %mul3A_604 : f32 to vector<16xf32>
        %mul3A_606 = arith.mulf %add3A_603, %mul3A_605 : vector<16xf32>
        %exp3A_607 = math.exp %mul3A_606 : vector<16xf32>
        %add3A_608 = arith.constant 1 : i32
        %add3A_609 = arith.addi %mul3A_146, %add3A_608 : i32
        %swap3A_610 = arith.constant 0 : i32
        %swap3A_611 = arith.index_cast %swap3A_610 : i32 to index
        %swap3A_612 = arith.index_cast %add3A_609 : i32 to index
        %swap3A_613 = arith.index_cast %mul3A_507 : i32 to index
        %swap3A_614 = tpu.vector_load %arg7[%swap3A_611, %swap3A_612, %swap3A_613] {strides = array<i32>} : memref<2x16x2048xf32, #tpu.memory_space<vmem>>, vector<1x1x16xf32>,
        %swap3A_615 = vector.shape_cast %swap3A_614 : vector<1x1x16xf32> to vector<16xf32>
        %swap3A_616 = vector.shape_cast %exp3A_607 : vector<16xf32> to vector<1x1x16xf32>
        tpu.vector_store %arg7[%swap3A_611, %swap3A_612, %swap3A_613], %swap3A_616 {strides = array<i32>} : memref<2x16x2048xf32, #tpu.memory_space<vmem>>, vector<1x1x16xf32>,
        %sub3A_617 = arith.subf %get3A_512, %get3A_334 : vector<16xf32>
        %mul3A_618 = arith.mulf %sub3A_617, %sub3A_617 : vector<16xf32>
        %sub3A_619 = arith.subf %get3A_517, %get3A_345 : vector<16xf32>
        %mul3A_620 = arith.mulf %sub3A_619, %sub3A_619 : vector<16xf32>
        %add3A_621 = arith.addf %mul3A_618, %mul3A_620 : vector<16xf32>
        %sub3A_622 = arith.subf %get3A_522, %get3A_356 : vector<16xf32>
        %mul3A_623 = arith.mulf %sub3A_622, %sub3A_622 : vector<16xf32>
        %add3A_624 = arith.addf %add3A_621, %mul3A_623 : vector<16xf32>
        %sub3A_625 = arith.subf %get3A_527, %get3A_367 : vector<16xf32>
        %mul3A_626 = arith.mulf %sub3A_625, %sub3A_625 : vector<16xf32>
        %add3A_627 = arith.addf %add3A_624, %mul3A_626 : vector<16xf32>
        %sub3A_628 = arith.subf %get3A_532, %get3A_378 : vector<16xf32>
        %mul3A_629 = arith.mulf %sub3A_628, %sub3A_628 : vector<16xf32>
        %add3A_630 = arith.addf %add3A_627, %mul3A_629 : vector<16xf32>
        %sub3A_631 = arith.subf %get3A_537, %get3A_389 : vector<16xf32>
        %mul3A_632 = arith.mulf %sub3A_631, %sub3A_631 : vector<16xf32>
        %add3A_633 = arith.addf %add3A_630, %mul3A_632 : vector<16xf32>
        %sub3A_634 = arith.subf %get3A_542, %get3A_400 : vector<16xf32>
        %mul3A_635 = arith.mulf %sub3A_634, %sub3A_634 : vector<16xf32>
        %add3A_636 = arith.addf %add3A_633, %mul3A_635 : vector<16xf32>
        %sub3A_637 = arith.subf %get3A_547, %get3A_411 : vector<16xf32>
        %mul3A_638 = arith.mulf %sub3A_637, %sub3A_637 : vector<16xf32>
        %add3A_639 = arith.addf %add3A_636, %mul3A_638 : vector<16xf32>
        %mul3A_640 = arith.constant -5.000000e-01 : f32
        %mul3A_641 = vector.broadcast %mul3A_640 : f32 to vector<16xf32>
        %mul3A_642 = arith.mulf %add3A_639, %mul3A_641 : vector<16xf32>
        %exp3A_643 = math.exp %mul3A_642 : vector<16xf32>
        %add3A_644 = arith.constant 2 : i32
        %add3A_645 = arith.addi %mul3A_146, %add3A_644 : i32
        %swap3A_646 = arith.constant 0 : i32
        %swap3A_647 = arith.index_cast %swap3A_646 : i32 to index
        %swap3A_648 = arith.index_cast %add3A_645 : i32 to index
        %swap3A_649 = arith.index_cast %mul3A_507 : i32 to index
        %swap3A_650 = tpu.vector_load %arg7[%swap3A_647, %swap3A_648, %swap3A_649] {strides = array<i32>} : memref<2x16x2048xf32, #tpu.memory_space<vmem>>, vector<1x1x16xf32>,
        %swap3A_651 = vector.shape_cast %swap3A_650 : vector<1x1x16xf32> to vector<16xf32>
        %swap3A_652 = vector.shape_cast %exp3A_643 : vector<16xf32> to vector<1x1x16xf32>
        tpu.vector_store %arg7[%swap3A_647, %swap3A_648, %swap3A_649], %swap3A_652 {strides = array<i32>} : memref<2x16x2048xf32, #tpu.memory_space<vmem>>, vector<1x1x16xf32>,
        %sub3A_653 = arith.subf %get3A_512, %get3A_422 : vector<16xf32>
        %mul3A_654 = arith.mulf %sub3A_653, %sub3A_653 : vector<16xf32>
        %sub3A_655 = arith.subf %get3A_517, %get3A_433 : vector<16xf32>
        %mul3A_656 = arith.mulf %sub3A_655, %sub3A_655 : vector<16xf32>
        %add3A_657 = arith.addf %mul3A_654, %mul3A_656 : vector<16xf32>
        %sub3A_658 = arith.subf %get3A_522, %get3A_444 : vector<16xf32>
        %mul3A_659 = arith.mulf %sub3A_658, %sub3A_658 : vector<16xf32>
        %add3A_660 = arith.addf %add3A_657, %mul3A_659 : vector<16xf32>
        %sub3A_661 = arith.subf %get3A_527, %get3A_455 : vector<16xf32>
        %mul3A_662 = arith.mulf %sub3A_661, %sub3A_661 : vector<16xf32>
        %add3A_663 = arith.addf %add3A_660, %mul3A_662 : vector<16xf32>
        %sub3A_664 = arith.subf %get3A_532, %get3A_466 : vector<16xf32>
        %mul3A_665 = arith.mulf %sub3A_664, %sub3A_664 : vector<16xf32>
        %add3A_666 = arith.addf %add3A_663, %mul3A_665 : vector<16xf32>
        %sub3A_667 = arith.subf %get3A_537, %get3A_477 : vector<16xf32>
        %mul3A_668 = arith.mulf %sub3A_667, %sub3A_667 : vector<16xf32>
        %add3A_669 = arith.addf %add3A_666, %mul3A_668 : vector<16xf32>
        %sub3A_670 = arith.subf %get3A_542, %get3A_488 : vector<16xf32>
        %mul3A_671 = arith.mulf %sub3A_670, %sub3A_670 : vector<16xf32>
        %add3A_672 = arith.addf %add3A_669, %mul3A_671 : vector<16xf32>
        %sub3A_673 = arith.subf %get3A_547, %get3A_499 : vector<16xf32>
        %mul3A_674 = arith.mulf %sub3A_673, %sub3A_673 : vector<16xf32>
        %add3A_675 = arith.addf %add3A_672, %mul3A_674 : vector<16xf32>
        %mul3A_676 = arith.constant -5.000000e-01 : f32
        %mul3A_677 = vector.broadcast %mul3A_676 : f32 to vector<16xf32>
        %mul3A_678 = arith.mulf %add3A_675, %mul3A_677 : vector<16xf32>
        %exp3A_679 = math.exp %mul3A_678 : vector<16xf32>
        %add3A_680 = arith.constant 3 : i32
        %add3A_681 = arith.addi %mul3A_146, %add3A_680 : i32
        %swap3A_682 = arith.constant 0 : i32
        %swap3A_683 = arith.index_cast %swap3A_682 : i32 to index
        %swap3A_684 = arith.index_cast %add3A_681 : i32 to index
        %swap3A_685 = arith.index_cast %mul3A_507 : i32 to index
        %swap3A_686 = tpu.vector_load %arg7[%swap3A_683, %swap3A_684, %swap3A_685] {strides = array<i32>} : memref<2x16x2048xf32, #tpu.memory_space<vmem>>, vector<1x1x16xf32>,
        %swap3A_687 = vector.shape_cast %swap3A_686 : vector<1x1x16xf32> to vector<16xf32>
        %swap3A_688 = vector.shape_cast %exp3A_679 : vector<16xf32> to vector<1x1x16xf32>
        tpu.vector_store %arg7[%swap3A_683, %swap3A_684, %swap3A_685], %swap3A_688 {strides = array<i32>} : memref<2x16x2048xf32, #tpu.memory_space<vmem>>, vector<1x1x16xf32>,
      }
      %scan3A_504 = arith.constant 128 : i32
    }
    %scan3A_68 = arith.constant 4 : i32
    %add3A_69 = arith.constant 32 : i32
    %add3A_70 = arith.addi %mul3A_2, %add3A_69 : i32
    %dma_start3A_71 = arith.constant 0 : i32
    %dma_start3A_72 = arith.constant 0 : i32
    %dma_start3A_73 = arith.constant 0 : i32
    %dma_start3A_74 = tpu.memref_slice %arg7[%dma_start3A_71, %dma_start3A_72, %dma_start3A_73] : memref<2x16x2048xf32, #tpu.memory_space<vmem>> -> memref<1x16x2048xf32, #tpu.memory_space<vmem>>
    %dma_start3A_75 = tpu.memref_squeeze %dma_start3A_74 : memref<1x16x2048xf32, #tpu.memory_space<vmem>> -> memref<16x2048xf32, #tpu.memory_space<vmem>>
    %dma_start3A_76 = arith.constant 0 : i32
    %dma_start3A_77 = tpu.memref_slice %arg4[%add3A_70, %dma_start3A_76] : memref<2048x2048xf32, #tpu.memory_space<hbm>> -> memref<16x2048xf32, #tpu.memory_space<hbm>>
    %dma_start3A_78 = arith.constant 0 : i32
    %dma_start3A_79 = tpu.memref_slice %arg4[%add3A_70, %dma_start3A_78] : memref<2048x2048xf32, #tpu.memory_space<hbm>> -> memref<16x2048xf32, #tpu.memory_space<hbm>>
    %dma_start3A_80 = arith.constant 0 : i32
    %dma_start3A_81 = arith.constant 0 : i32
    %dma_start3A_82 = tpu.memref_slice %arg7[%dma_start3A_71, %dma_start3A_80, %dma_start3A_81] : memref<2x16x2048xf32, #tpu.memory_space<vmem>> -> memref<1x16x2048xf32, #tpu.memory_space<vmem>>
    %dma_start3A_83 = tpu.memref_squeeze %dma_start3A_82 : memref<1x16x2048xf32, #tpu.memory_space<vmem>> -> memref<16x2048xf32, #tpu.memory_space<vmem>>
    tpu.enqueue_dma source(%dma_start3A_83 : memref<16x2048xf32, #tpu.memory_space<vmem>>) target(%dma_start3A_79 : memref<16x2048xf32, #tpu.memory_space<hbm>>) target_semaphore(%arg8 : memref<!tpu.dma_semaphore, #tpu.memory_space<semaphore_mem>>)
    %dma_wait3A_84 = arith.constant 1 : i32
    %dma_wait3A_85 = arith.constant 0 : i32
    %dma_wait3A_86 = arith.constant 0 : i32
    %dma_wait3A_87 = tpu.memref_slice %arg7[%dma_wait3A_84, %dma_wait3A_85, %dma_wait3A_86] : memref<2x16x2048xf32, #tpu.memory_space<vmem>> -> memref<1x16x2048xf32, #tpu.memory_space<vmem>>
    %dma_wait3A_88 = tpu.memref_squeeze %dma_wait3A_87 : memref<1x16x2048xf32, #tpu.memory_space<vmem>> -> memref<16x2048xf32, #tpu.memory_space<vmem>>
    %dma_wait3A_89 = arith.constant 0 : i32
    %dma_wait3A_90 = tpu.memref_slice %arg4[%add3A_36, %dma_wait3A_89] : memref<2048x2048xf32, #tpu.memory_space<hbm>> -> memref<16x2048xf32, #tpu.memory_space<hbm>>
    %dma_wait3A_91 = arith.constant 0 : i32
    %dma_wait3A_92 = tpu.memref_slice %arg4[%add3A_36, %dma_wait3A_91] : memref<2048x2048xf32, #tpu.memory_space<hbm>> -> memref<16x2048xf32, #tpu.memory_space<hbm>>
    %dma_wait3A_93 = arith.constant 0 : i32
    %dma_wait3A_94 = arith.constant 0 : i32
    %dma_wait3A_95 = tpu.memref_slice %arg7[%dma_wait3A_84, %dma_wait3A_93, %dma_wait3A_94] : memref<2x16x2048xf32, #tpu.memory_space<vmem>> -> memref<1x16x2048xf32, #tpu.memory_space<vmem>>
    %dma_wait3A_96 = tpu.memref_squeeze %dma_wait3A_95 : memref<1x16x2048xf32, #tpu.memory_space<vmem>> -> memref<16x2048xf32, #tpu.memory_space<vmem>>
    tpu.wait_dma2 semaphore(%arg9 : memref<!tpu.dma_semaphore, #tpu.memory_space<semaphore_mem>>) src(%dma_wait3A_96 : memref<16x2048xf32, #tpu.memory_space<vmem>>) dst(%dma_wait3A_92 : memref<16x2048xf32, #tpu.memory_space<hbm>>)
    %scan3A_97 = arith.constant 0 : i32
    %scan3A_98 = arith.constant 0 : i32
    %scan3A_99 = arith.constant 4 : i32
    %scan3A_100 = arith.addi %scan3A_98, %scan3A_99 : i32
    %scan3A_101 = arith.constant 1 : i32
    scf.for %scan3A_144 = %scan3A_98 to %scan3A_100 step %scan3A_101  : i32 {
      %mul3A_145 = arith.constant 4 : i32
      %mul3A_146 = arith.muli %scan3A_144, %mul3A_145 : i32
      %add3A_147 = arith.constant 48 : i32
      %add3A_148 = arith.addi %add3A_147, %mul3A_146 : i32
      %add3A_149 = arith.constant 0 : i32
      %add3A_150 = arith.addi %add3A_148, %add3A_149 : i32
      %mul3A_151 = arith.constant 8 : i32
      %mul3A_152 = arith.muli %add3A_150, %mul3A_151 : i32
      %add3A_153 = arith.constant 0 : i32
      %add3A_154 = arith.addi %mul3A_152, %add3A_153 : i32
      %mul3A_155 = arith.constant 16 : i32
      %mul3A_156 = arith.muli %add3A_154, %mul3A_155 : i32
      %get3A = arith.index_cast %mul3A_156 : i32 to index
      %get3A_157 = tpu.vector_load %arg6[%get3A] {strides = array<i32>} : memref<8192xf32, #tpu.memory_space<vmem>>, vector<16xf32>,
      %get3A_158 = vector.shape_cast %get3A_157 : vector<16xf32> to vector<16xf32>
      %add3A_159 = arith.constant 0 : i32
      %add3A_160 = arith.addi %add3A_148, %add3A_159 : i32
      %mul3A_161 = arith.constant 8 : i32
      %mul3A_162 = arith.muli %add3A_160, %mul3A_161 : i32
      %add3A_163 = arith.constant 1 : i32
      %add3A_164 = arith.addi %mul3A_162, %add3A_163 : i32
      %mul3A_165 = arith.constant 16 : i32
      %mul3A_166 = arith.muli %add3A_164, %mul3A_165 : i32
      %get3A_167 = arith.index_cast %mul3A_166 : i32 to index
      %get3A_168 = tpu.vector_load %arg6[%get3A_167] {strides = array<i32>} : memref<8192xf32, #tpu.memory_space<vmem>>, vector<16xf32>,
      %get3A_169 = vector.shape_cast %get3A_168 : vector<16xf32> to vector<16xf32>
      %add3A_170 = arith.constant 0 : i32
      %add3A_171 = arith.addi %add3A_148, %add3A_170 : i32
      %mul3A_172 = arith.constant 8 : i32
      %mul3A_173 = arith.muli %add3A_171, %mul3A_172 : i32
      %add3A_174 = arith.constant 2 : i32
      %add3A_175 = arith.addi %mul3A_173, %add3A_174 : i32
      %mul3A_176 = arith.constant 16 : i32
      %mul3A_177 = arith.muli %add3A_175, %mul3A_176 : i32
      %get3A_178 = arith.index_cast %mul3A_177 : i32 to index
      %get3A_179 = tpu.vector_load %arg6[%get3A_178] {strides = array<i32>} : memref<8192xf32, #tpu.memory_space<vmem>>, vector<16xf32>,
      %get3A_180 = vector.shape_cast %get3A_179 : vector<16xf32> to vector<16xf32>
      %add3A_181 = arith.constant 0 : i32
      %add3A_182 = arith.addi %add3A_148, %add3A_181 : i32
      %mul3A_183 = arith.constant 8 : i32
      %mul3A_184 = arith.muli %add3A_182, %mul3A_183 : i32
      %add3A_185 = arith.constant 3 : i32
      %add3A_186 = arith.addi %mul3A_184, %add3A_185 : i32
      %mul3A_187 = arith.constant 16 : i32
      %mul3A_188 = arith.muli %add3A_186, %mul3A_187 : i32
      %get3A_189 = arith.index_cast %mul3A_188 : i32 to index
      %get3A_190 = tpu.vector_load %arg6[%get3A_189] {strides = array<i32>} : memref<8192xf32, #tpu.memory_space<vmem>>, vector<16xf32>,
      %get3A_191 = vector.shape_cast %get3A_190 : vector<16xf32> to vector<16xf32>
      %add3A_192 = arith.constant 0 : i32
      %add3A_193 = arith.addi %add3A_148, %add3A_192 : i32
      %mul3A_194 = arith.constant 8 : i32
      %mul3A_195 = arith.muli %add3A_193, %mul3A_194 : i32
      %add3A_196 = arith.constant 4 : i32
      %add3A_197 = arith.addi %mul3A_195, %add3A_196 : i32
      %mul3A_198 = arith.constant 16 : i32
      %mul3A_199 = arith.muli %add3A_197, %mul3A_198 : i32
      %get3A_200 = arith.index_cast %mul3A_199 : i32 to index
      %get3A_201 = tpu.vector_load %arg6[%get3A_200] {strides = array<i32>} : memref<8192xf32, #tpu.memory_space<vmem>>, vector<16xf32>,
      %get3A_202 = vector.shape_cast %get3A_201 : vector<16xf32> to vector<16xf32>
      %add3A_203 = arith.constant 0 : i32
      %add3A_204 = arith.addi %add3A_148, %add3A_203 : i32
      %mul3A_205 = arith.constant 8 : i32
      %mul3A_206 = arith.muli %add3A_204, %mul3A_205 : i32
      %add3A_207 = arith.constant 5 : i32
      %add3A_208 = arith.addi %mul3A_206, %add3A_207 : i32
      %mul3A_209 = arith.constant 16 : i32
      %mul3A_210 = arith.muli %add3A_208, %mul3A_209 : i32
      %get3A_211 = arith.index_cast %mul3A_210 : i32 to index
      %get3A_212 = tpu.vector_load %arg6[%get3A_211] {strides = array<i32>} : memref<8192xf32, #tpu.memory_space<vmem>>, vector<16xf32>,
      %get3A_213 = vector.shape_cast %get3A_212 : vector<16xf32> to vector<16xf32>
      %add3A_214 = arith.constant 0 : i32
      %add3A_215 = arith.addi %add3A_148, %add3A_214 : i32
      %mul3A_216 = arith.constant 8 : i32
      %mul3A_217 = arith.muli %add3A_215, %mul3A_216 : i32
      %add3A_218 = arith.constant 6 : i32
      %add3A_219 = arith.addi %mul3A_217, %add3A_218 : i32
      %mul3A_220 = arith.constant 16 : i32
      %mul3A_221 = arith.muli %add3A_219, %mul3A_220 : i32
      %get3A_222 = arith.index_cast %mul3A_221 : i32 to index
      %get3A_223 = tpu.vector_load %arg6[%get3A_222] {strides = array<i32>} : memref<8192xf32, #tpu.memory_space<vmem>>, vector<16xf32>,
      %get3A_224 = vector.shape_cast %get3A_223 : vector<16xf32> to vector<16xf32>
      %add3A_225 = arith.constant 0 : i32
      %add3A_226 = arith.addi %add3A_148, %add3A_225 : i32
      %mul3A_227 = arith.constant 8 : i32
      %mul3A_228 = arith.muli %add3A_226, %mul3A_227 : i32
      %add3A_229 = arith.constant 7 : i32
      %add3A_230 = arith.addi %mul3A_228, %add3A_229 : i32
      %mul3A_231 = arith.constant 16 : i32
      %mul3A_232 = arith.muli %add3A_230, %mul3A_231 : i32
      %get3A_233 = arith.index_cast %mul3A_232 : i32 to index
      %get3A_234 = tpu.vector_load %arg6[%get3A_233] {strides = array<i32>} : memref<8192xf32, #tpu.memory_space<vmem>>, vector<16xf32>,
      %get3A_235 = vector.shape_cast %get3A_234 : vector<16xf32> to vector<16xf32>
      %add3A_236 = arith.constant 1 : i32
      %add3A_237 = arith.addi %add3A_148, %add3A_236 : i32
      %mul3A_238 = arith.constant 8 : i32
      %mul3A_239 = arith.muli %add3A_237, %mul3A_238 : i32
      %add3A_240 = arith.constant 0 : i32
      %add3A_241 = arith.addi %mul3A_239, %add3A_240 : i32
      %mul3A_242 = arith.constant 16 : i32
      %mul3A_243 = arith.muli %add3A_241, %mul3A_242 : i32
      %get3A_244 = arith.index_cast %mul3A_243 : i32 to index
      %get3A_245 = tpu.vector_load %arg6[%get3A_244] {strides = array<i32>} : memref<8192xf32, #tpu.memory_space<vmem>>, vector<16xf32>,
      %get3A_246 = vector.shape_cast %get3A_245 : vector<16xf32> to vector<16xf32>
      %add3A_247 = arith.constant 1 : i32
      %add3A_248 = arith.addi %add3A_148, %add3A_247 : i32
      %mul3A_249 = arith.constant 8 : i32
      %mul3A_250 = arith.muli %add3A_248, %mul3A_249 : i32
      %add3A_251 = arith.constant 1 : i32
      %add3A_252 = arith.addi %mul3A_250, %add3A_251 : i32
      %mul3A_253 = arith.constant 16 : i32
      %mul3A_254 = arith.muli %add3A_252, %mul3A_253 : i32
      %get3A_255 = arith.index_cast %mul3A_254 : i32 to index
      %get3A_256 = tpu.vector_load %arg6[%get3A_255] {strides = array<i32>} : memref<8192xf32, #tpu.memory_space<vmem>>, vector<16xf32>,
      %get3A_257 = vector.shape_cast %get3A_256 : vector<16xf32> to vector<16xf32>
      %add3A_258 = arith.constant 1 : i32
      %add3A_259 = arith.addi %add3A_148, %add3A_258 : i32
      %mul3A_260 = arith.constant 8 : i32
      %mul3A_261 = arith.muli %add3A_259, %mul3A_260 : i32
      %add3A_262 = arith.constant 2 : i32
      %add3A_263 = arith.addi %mul3A_261, %add3A_262 : i32
      %mul3A_264 = arith.constant 16 : i32
      %mul3A_265 = arith.muli %add3A_263, %mul3A_264 : i32
      %get3A_266 = arith.index_cast %mul3A_265 : i32 to index
      %get3A_267 = tpu.vector_load %arg6[%get3A_266] {strides = array<i32>} : memref<8192xf32, #tpu.memory_space<vmem>>, vector<16xf32>,
      %get3A_268 = vector.shape_cast %get3A_267 : vector<16xf32> to vector<16xf32>
      %add3A_269 = arith.constant 1 : i32
      %add3A_270 = arith.addi %add3A_148, %add3A_269 : i32
      %mul3A_271 = arith.constant 8 : i32
      %mul3A_272 = arith.muli %add3A_270, %mul3A_271 : i32
      %add3A_273 = arith.constant 3 : i32
      %add3A_274 = arith.addi %mul3A_272, %add3A_273 : i32
      %mul3A_275 = arith.constant 16 : i32
      %mul3A_276 = arith.muli %add3A_274, %mul3A_275 : i32
      %get3A_277 = arith.index_cast %mul3A_276 : i32 to index
      %get3A_278 = tpu.vector_load %arg6[%get3A_277] {strides = array<i32>} : memref<8192xf32, #tpu.memory_space<vmem>>, vector<16xf32>,
      %get3A_279 = vector.shape_cast %get3A_278 : vector<16xf32> to vector<16xf32>
      %add3A_280 = arith.constant 1 : i32
      %add3A_281 = arith.addi %add3A_148, %add3A_280 : i32
      %mul3A_282 = arith.constant 8 : i32
      %mul3A_283 = arith.muli %add3A_281, %mul3A_282 : i32
      %add3A_284 = arith.constant 4 : i32
      %add3A_285 = arith.addi %mul3A_283, %add3A_284 : i32
      %mul3A_286 = arith.constant 16 : i32
      %mul3A_287 = arith.muli %add3A_285, %mul3A_286 : i32
      %get3A_288 = arith.index_cast %mul3A_287 : i32 to index
      %get3A_289 = tpu.vector_load %arg6[%get3A_288] {strides = array<i32>} : memref<8192xf32, #tpu.memory_space<vmem>>, vector<16xf32>,
      %get3A_290 = vector.shape_cast %get3A_289 : vector<16xf32> to vector<16xf32>
      %add3A_291 = arith.constant 1 : i32
      %add3A_292 = arith.addi %add3A_148, %add3A_291 : i32
      %mul3A_293 = arith.constant 8 : i32
      %mul3A_294 = arith.muli %add3A_292, %mul3A_293 : i32
      %add3A_295 = arith.constant 5 : i32
      %add3A_296 = arith.addi %mul3A_294, %add3A_295 : i32
      %mul3A_297 = arith.constant 16 : i32
      %mul3A_298 = arith.muli %add3A_296, %mul3A_297 : i32
      %get3A_299 = arith.index_cast %mul3A_298 : i32 to index
      %get3A_300 = tpu.vector_load %arg6[%get3A_299] {strides = array<i32>} : memref<8192xf32, #tpu.memory_space<vmem>>, vector<16xf32>,
      %get3A_301 = vector.shape_cast %get3A_300 : vector<16xf32> to vector<16xf32>
      %add3A_302 = arith.constant 1 : i32
      %add3A_303 = arith.addi %add3A_148, %add3A_302 : i32
      %mul3A_304 = arith.constant 8 : i32
      %mul3A_305 = arith.muli %add3A_303, %mul3A_304 : i32
      %add3A_306 = arith.constant 6 : i32
      %add3A_307 = arith.addi %mul3A_305, %add3A_306 : i32
      %mul3A_308 = arith.constant 16 : i32
      %mul3A_309 = arith.muli %add3A_307, %mul3A_308 : i32
      %get3A_310 = arith.index_cast %mul3A_309 : i32 to index
      %get3A_311 = tpu.vector_load %arg6[%get3A_310] {strides = array<i32>} : memref<8192xf32, #tpu.memory_space<vmem>>, vector<16xf32>,
      %get3A_312 = vector.shape_cast %get3A_311 : vector<16xf32> to vector<16xf32>
      %add3A_313 = arith.constant 1 : i32
      %add3A_314 = arith.addi %add3A_148, %add3A_313 : i32
      %mul3A_315 = arith.constant 8 : i32
      %mul3A_316 = arith.muli %add3A_314, %mul3A_315 : i32
      %add3A_317 = arith.constant 7 : i32
      %add3A_318 = arith.addi %mul3A_316, %add3A_317 : i32
      %mul3A_319 = arith.constant 16 : i32
      %mul3A_320 = arith.muli %add3A_318, %mul3A_319 : i32
      %get3A_321 = arith.index_cast %mul3A_320 : i32 to index
      %get3A_322 = tpu.vector_load %arg6[%get3A_321] {strides = array<i32>} : memref<8192xf32, #tpu.memory_space<vmem>>, vector<16xf32>,
      %get3A_323 = vector.shape_cast %get3A_322 : vector<16xf32> to vector<16xf32>
      %add3A_324 = arith.constant 2 : i32
      %add3A_325 = arith.addi %add3A_148, %add3A_324 : i32
      %mul3A_326 = arith.constant 8 : i32
      %mul3A_327 = arith.muli %add3A_325, %mul3A_326 : i32
      %add3A_328 = arith.constant 0 : i32
      %add3A_329 = arith.addi %mul3A_327, %add3A_328 : i32
      %mul3A_330 = arith.constant 16 : i32
      %mul3A_331 = arith.muli %add3A_329, %mul3A_330 : i32
      %get3A_332 = arith.index_cast %mul3A_331 : i32 to index
      %get3A_333 = tpu.vector_load %arg6[%get3A_332] {strides = array<i32>} : memref<8192xf32, #tpu.memory_space<vmem>>, vector<16xf32>,
      %get3A_334 = vector.shape_cast %get3A_333 : vector<16xf32> to vector<16xf32>
      %add3A_335 = arith.constant 2 : i32
      %add3A_336 = arith.addi %add3A_148, %add3A_335 : i32
      %mul3A_337 = arith.constant 8 : i32
      %mul3A_338 = arith.muli %add3A_336, %mul3A_337 : i32
      %add3A_339 = arith.constant 1 : i32
      %add3A_340 = arith.addi %mul3A_338, %add3A_339 : i32
      %mul3A_341 = arith.constant 16 : i32
      %mul3A_342 = arith.muli %add3A_340, %mul3A_341 : i32
      %get3A_343 = arith.index_cast %mul3A_342 : i32 to index
      %get3A_344 = tpu.vector_load %arg6[%get3A_343] {strides = array<i32>} : memref<8192xf32, #tpu.memory_space<vmem>>, vector<16xf32>,
      %get3A_345 = vector.shape_cast %get3A_344 : vector<16xf32> to vector<16xf32>
      %add3A_346 = arith.constant 2 : i32
      %add3A_347 = arith.addi %add3A_148, %add3A_346 : i32
      %mul3A_348 = arith.constant 8 : i32
      %mul3A_349 = arith.muli %add3A_347, %mul3A_348 : i32
      %add3A_350 = arith.constant 2 : i32
      %add3A_351 = arith.addi %mul3A_349, %add3A_350 : i32
      %mul3A_352 = arith.constant 16 : i32
      %mul3A_353 = arith.muli %add3A_351, %mul3A_352 : i32
      %get3A_354 = arith.index_cast %mul3A_353 : i32 to index
      %get3A_355 = tpu.vector_load %arg6[%get3A_354] {strides = array<i32>} : memref<8192xf32, #tpu.memory_space<vmem>>, vector<16xf32>,
      %get3A_356 = vector.shape_cast %get3A_355 : vector<16xf32> to vector<16xf32>
      %add3A_357 = arith.constant 2 : i32
      %add3A_358 = arith.addi %add3A_148, %add3A_357 : i32
      %mul3A_359 = arith.constant 8 : i32
      %mul3A_360 = arith.muli %add3A_358, %mul3A_359 : i32
      %add3A_361 = arith.constant 3 : i32
      %add3A_362 = arith.addi %mul3A_360, %add3A_361 : i32
      %mul3A_363 = arith.constant 16 : i32
      %mul3A_364 = arith.muli %add3A_362, %mul3A_363 : i32
      %get3A_365 = arith.index_cast %mul3A_364 : i32 to index
      %get3A_366 = tpu.vector_load %arg6[%get3A_365] {strides = array<i32>} : memref<8192xf32, #tpu.memory_space<vmem>>, vector<16xf32>,
      %get3A_367 = vector.shape_cast %get3A_366 : vector<16xf32> to vector<16xf32>
      %add3A_368 = arith.constant 2 : i32
      %add3A_369 = arith.addi %add3A_148, %add3A_368 : i32
      %mul3A_370 = arith.constant 8 : i32
      %mul3A_371 = arith.muli %add3A_369, %mul3A_370 : i32
      %add3A_372 = arith.constant 4 : i32
      %add3A_373 = arith.addi %mul3A_371, %add3A_372 : i32
      %mul3A_374 = arith.constant 16 : i32
      %mul3A_375 = arith.muli %add3A_373, %mul3A_374 : i32
      %get3A_376 = arith.index_cast %mul3A_375 : i32 to index
      %get3A_377 = tpu.vector_load %arg6[%get3A_376] {strides = array<i32>} : memref<8192xf32, #tpu.memory_space<vmem>>, vector<16xf32>,
      %get3A_378 = vector.shape_cast %get3A_377 : vector<16xf32> to vector<16xf32>
      %add3A_379 = arith.constant 2 : i32
      %add3A_380 = arith.addi %add3A_148, %add3A_379 : i32
      %mul3A_381 = arith.constant 8 : i32
      %mul3A_382 = arith.muli %add3A_380, %mul3A_381 : i32
      %add3A_383 = arith.constant 5 : i32
      %add3A_384 = arith.addi %mul3A_382, %add3A_383 : i32
      %mul3A_385 = arith.constant 16 : i32
      %mul3A_386 = arith.muli %add3A_384, %mul3A_385 : i32
      %get3A_387 = arith.index_cast %mul3A_386 : i32 to index
      %get3A_388 = tpu.vector_load %arg6[%get3A_387] {strides = array<i32>} : memref<8192xf32, #tpu.memory_space<vmem>>, vector<16xf32>,
      %get3A_389 = vector.shape_cast %get3A_388 : vector<16xf32> to vector<16xf32>
      %add3A_390 = arith.constant 2 : i32
      %add3A_391 = arith.addi %add3A_148, %add3A_390 : i32
      %mul3A_392 = arith.constant 8 : i32
      %mul3A_393 = arith.muli %add3A_391, %mul3A_392 : i32
      %add3A_394 = arith.constant 6 : i32
      %add3A_395 = arith.addi %mul3A_393, %add3A_394 : i32
      %mul3A_396 = arith.constant 16 : i32
      %mul3A_397 = arith.muli %add3A_395, %mul3A_396 : i32
      %get3A_398 = arith.index_cast %mul3A_397 : i32 to index
      %get3A_399 = tpu.vector_load %arg6[%get3A_398] {strides = array<i32>} : memref<8192xf32, #tpu.memory_space<vmem>>, vector<16xf32>,
      %get3A_400 = vector.shape_cast %get3A_399 : vector<16xf32> to vector<16xf32>
      %add3A_401 = arith.constant 2 : i32
      %add3A_402 = arith.addi %add3A_148, %add3A_401 : i32
      %mul3A_403 = arith.constant 8 : i32
      %mul3A_404 = arith.muli %add3A_402, %mul3A_403 : i32
      %add3A_405 = arith.constant 7 : i32
      %add3A_406 = arith.addi %mul3A_404, %add3A_405 : i32
      %mul3A_407 = arith.constant 16 : i32
      %mul3A_408 = arith.muli %add3A_406, %mul3A_407 : i32
      %get3A_409 = arith.index_cast %mul3A_408 : i32 to index
      %get3A_410 = tpu.vector_load %arg6[%get3A_409] {strides = array<i32>} : memref<8192xf32, #tpu.memory_space<vmem>>, vector<16xf32>,
      %get3A_411 = vector.shape_cast %get3A_410 : vector<16xf32> to vector<16xf32>
      %add3A_412 = arith.constant 3 : i32
      %add3A_413 = arith.addi %add3A_148, %add3A_412 : i32
      %mul3A_414 = arith.constant 8 : i32
      %mul3A_415 = arith.muli %add3A_413, %mul3A_414 : i32
      %add3A_416 = arith.constant 0 : i32
      %add3A_417 = arith.addi %mul3A_415, %add3A_416 : i32
      %mul3A_418 = arith.constant 16 : i32
      %mul3A_419 = arith.muli %add3A_417, %mul3A_418 : i32
      %get3A_420 = arith.index_cast %mul3A_419 : i32 to index
      %get3A_421 = tpu.vector_load %arg6[%get3A_420] {strides = array<i32>} : memref<8192xf32, #tpu.memory_space<vmem>>, vector<16xf32>,
      %get3A_422 = vector.shape_cast %get3A_421 : vector<16xf32> to vector<16xf32>
      %add3A_423 = arith.constant 3 : i32
      %add3A_424 = arith.addi %add3A_148, %add3A_423 : i32
      %mul3A_425 = arith.constant 8 : i32
      %mul3A_426 = arith.muli %add3A_424, %mul3A_425 : i32
      %add3A_427 = arith.constant 1 : i32
      %add3A_428 = arith.addi %mul3A_426, %add3A_427 : i32
      %mul3A_429 = arith.constant 16 : i32
      %mul3A_430 = arith.muli %add3A_428, %mul3A_429 : i32
      %get3A_431 = arith.index_cast %mul3A_430 : i32 to index
      %get3A_432 = tpu.vector_load %arg6[%get3A_431] {strides = array<i32>} : memref<8192xf32, #tpu.memory_space<vmem>>, vector<16xf32>,
      %get3A_433 = vector.shape_cast %get3A_432 : vector<16xf32> to vector<16xf32>
      %add3A_434 = arith.constant 3 : i32
      %add3A_435 = arith.addi %add3A_148, %add3A_434 : i32
      %mul3A_436 = arith.constant 8 : i32
      %mul3A_437 = arith.muli %add3A_435, %mul3A_436 : i32
      %add3A_438 = arith.constant 2 : i32
      %add3A_439 = arith.addi %mul3A_437, %add3A_438 : i32
      %mul3A_440 = arith.constant 16 : i32
      %mul3A_441 = arith.muli %add3A_439, %mul3A_440 : i32
      %get3A_442 = arith.index_cast %mul3A_441 : i32 to index
      %get3A_443 = tpu.vector_load %arg6[%get3A_442] {strides = array<i32>} : memref<8192xf32, #tpu.memory_space<vmem>>, vector<16xf32>,
      %get3A_444 = vector.shape_cast %get3A_443 : vector<16xf32> to vector<16xf32>
      %add3A_445 = arith.constant 3 : i32
      %add3A_446 = arith.addi %add3A_148, %add3A_445 : i32
      %mul3A_447 = arith.constant 8 : i32
      %mul3A_448 = arith.muli %add3A_446, %mul3A_447 : i32
      %add3A_449 = arith.constant 3 : i32
      %add3A_450 = arith.addi %mul3A_448, %add3A_449 : i32
      %mul3A_451 = arith.constant 16 : i32
      %mul3A_452 = arith.muli %add3A_450, %mul3A_451 : i32
      %get3A_453 = arith.index_cast %mul3A_452 : i32 to index
      %get3A_454 = tpu.vector_load %arg6[%get3A_453] {strides = array<i32>} : memref<8192xf32, #tpu.memory_space<vmem>>, vector<16xf32>,
      %get3A_455 = vector.shape_cast %get3A_454 : vector<16xf32> to vector<16xf32>
      %add3A_456 = arith.constant 3 : i32
      %add3A_457 = arith.addi %add3A_148, %add3A_456 : i32
      %mul3A_458 = arith.constant 8 : i32
      %mul3A_459 = arith.muli %add3A_457, %mul3A_458 : i32
      %add3A_460 = arith.constant 4 : i32
      %add3A_461 = arith.addi %mul3A_459, %add3A_460 : i32
      %mul3A_462 = arith.constant 16 : i32
      %mul3A_463 = arith.muli %add3A_461, %mul3A_462 : i32
      %get3A_464 = arith.index_cast %mul3A_463 : i32 to index
      %get3A_465 = tpu.vector_load %arg6[%get3A_464] {strides = array<i32>} : memref<8192xf32, #tpu.memory_space<vmem>>, vector<16xf32>,
      %get3A_466 = vector.shape_cast %get3A_465 : vector<16xf32> to vector<16xf32>
      %add3A_467 = arith.constant 3 : i32
      %add3A_468 = arith.addi %add3A_148, %add3A_467 : i32
      %mul3A_469 = arith.constant 8 : i32
      %mul3A_470 = arith.muli %add3A_468, %mul3A_469 : i32
      %add3A_471 = arith.constant 5 : i32
      %add3A_472 = arith.addi %mul3A_470, %add3A_471 : i32
      %mul3A_473 = arith.constant 16 : i32
      %mul3A_474 = arith.muli %add3A_472, %mul3A_473 : i32
      %get3A_475 = arith.index_cast %mul3A_474 : i32 to index
      %get3A_476 = tpu.vector_load %arg6[%get3A_475] {strides = array<i32>} : memref<8192xf32, #tpu.memory_space<vmem>>, vector<16xf32>,
      %get3A_477 = vector.shape_cast %get3A_476 : vector<16xf32> to vector<16xf32>
      %add3A_478 = arith.constant 3 : i32
      %add3A_479 = arith.addi %add3A_148, %add3A_478 : i32
      %mul3A_480 = arith.constant 8 : i32
      %mul3A_481 = arith.muli %add3A_479, %mul3A_480 : i32
      %add3A_482 = arith.constant 6 : i32
      %add3A_483 = arith.addi %mul3A_481, %add3A_482 : i32
      %mul3A_484 = arith.constant 16 : i32
      %mul3A_485 = arith.muli %add3A_483, %mul3A_484 : i32
      %get3A_486 = arith.index_cast %mul3A_485 : i32 to index
      %get3A_487 = tpu.vector_load %arg6[%get3A_486] {strides = array<i32>} : memref<8192xf32, #tpu.memory_space<vmem>>, vector<16xf32>,
      %get3A_488 = vector.shape_cast %get3A_487 : vector<16xf32> to vector<16xf32>
      %add3A_489 = arith.constant 3 : i32
      %add3A_490 = arith.addi %add3A_148, %add3A_489 : i32
      %mul3A_491 = arith.constant 8 : i32
      %mul3A_492 = arith.muli %add3A_490, %mul3A_491 : i32
      %add3A_493 = arith.constant 7 : i32
      %add3A_494 = arith.addi %mul3A_492, %add3A_493 : i32
      %mul3A_495 = arith.constant 16 : i32
      %mul3A_496 = arith.muli %add3A_494, %mul3A_495 : i32
      %get3A_497 = arith.index_cast %mul3A_496 : i32 to index
      %get3A_498 = tpu.vector_load %arg6[%get3A_497] {strides = array<i32>} : memref<8192xf32, #tpu.memory_space<vmem>>, vector<16xf32>,
      %get3A_499 = vector.shape_cast %get3A_498 : vector<16xf32> to vector<16xf32>
      %scan3A_500 = arith.constant 0 : i32
      %scan3A_501 = arith.constant 128 : i32
      %scan3A_502 = arith.addi %scan3A_500, %scan3A_501 : i32
      %scan3A_503 = arith.constant 1 : i32
      scf.for %scan3A_505 = %scan3A_500 to %scan3A_502 step %scan3A_503  : i32 {
        %mul3A_506 = arith.constant 16 : i32
        %mul3A_507 = arith.muli %scan3A_505, %mul3A_506 : i32
        %get3A_508 = arith.constant 0 : i32
        %get3A_509 = arith.index_cast %get3A_508 : i32 to index
        %get3A_510 = arith.index_cast %mul3A_507 : i32 to index
        %get3A_511 = tpu.vector_load %arg5[%get3A_509, %get3A_510] {strides = array<i32>} : memref<8x2048xf32, #tpu.memory_space<vmem>>, vector<1x16xf32>,
        %get3A_512 = vector.shape_cast %get3A_511 : vector<1x16xf32> to vector<16xf32>
        %get3A_513 = arith.constant 1 : i32
        %get3A_514 = arith.index_cast %get3A_513 : i32 to index
        %get3A_515 = arith.index_cast %mul3A_507 : i32 to index
        %get3A_516 = tpu.vector_load %arg5[%get3A_514, %get3A_515] {strides = array<i32>} : memref<8x2048xf32, #tpu.memory_space<vmem>>, vector<1x16xf32>,
        %get3A_517 = vector.shape_cast %get3A_516 : vector<1x16xf32> to vector<16xf32>
        %get3A_518 = arith.constant 2 : i32
        %get3A_519 = arith.index_cast %get3A_518 : i32 to index
        %get3A_520 = arith.index_cast %mul3A_507 : i32 to index
        %get3A_521 = tpu.vector_load %arg5[%get3A_519, %get3A_520] {strides = array<i32>} : memref<8x2048xf32, #tpu.memory_space<vmem>>, vector<1x16xf32>,
        %get3A_522 = vector.shape_cast %get3A_521 : vector<1x16xf32> to vector<16xf32>
        %get3A_523 = arith.constant 3 : i32
        %get3A_524 = arith.index_cast %get3A_523 : i32 to index
        %get3A_525 = arith.index_cast %mul3A_507 : i32 to index
        %get3A_526 = tpu.vector_load %arg5[%get3A_524, %get3A_525] {strides = array<i32>} : memref<8x2048xf32, #tpu.memory_space<vmem>>, vector<1x16xf32>,
        %get3A_527 = vector.shape_cast %get3A_526 : vector<1x16xf32> to vector<16xf32>
        %get3A_528 = arith.constant 4 : i32
        %get3A_529 = arith.index_cast %get3A_528 : i32 to index
        %get3A_530 = arith.index_cast %mul3A_507 : i32 to index
        %get3A_531 = tpu.vector_load %arg5[%get3A_529, %get3A_530] {strides = array<i32>} : memref<8x2048xf32, #tpu.memory_space<vmem>>, vector<1x16xf32>,
        %get3A_532 = vector.shape_cast %get3A_531 : vector<1x16xf32> to vector<16xf32>
        %get3A_533 = arith.constant 5 : i32
        %get3A_534 = arith.index_cast %get3A_533 : i32 to index
        %get3A_535 = arith.index_cast %mul3A_507 : i32 to index
        %get3A_536 = tpu.vector_load %arg5[%get3A_534, %get3A_535] {strides = array<i32>} : memref<8x2048xf32, #tpu.memory_space<vmem>>, vector<1x16xf32>,
        %get3A_537 = vector.shape_cast %get3A_536 : vector<1x16xf32> to vector<16xf32>
        %get3A_538 = arith.constant 6 : i32
        %get3A_539 = arith.index_cast %get3A_538 : i32 to index
        %get3A_540 = arith.index_cast %mul3A_507 : i32 to index
        %get3A_541 = tpu.vector_load %arg5[%get3A_539, %get3A_540] {strides = array<i32>} : memref<8x2048xf32, #tpu.memory_space<vmem>>, vector<1x16xf32>,
        %get3A_542 = vector.shape_cast %get3A_541 : vector<1x16xf32> to vector<16xf32>
        %get3A_543 = arith.constant 7 : i32
        %get3A_544 = arith.index_cast %get3A_543 : i32 to index
        %get3A_545 = arith.index_cast %mul3A_507 : i32 to index
        %get3A_546 = tpu.vector_load %arg5[%get3A_544, %get3A_545] {strides = array<i32>} : memref<8x2048xf32, #tpu.memory_space<vmem>>, vector<1x16xf32>,
        %get3A_547 = vector.shape_cast %get3A_546 : vector<1x16xf32> to vector<16xf32>
        %sub3A = arith.subf %get3A_512, %get3A_158 : vector<16xf32>
        %mul3A_548 = arith.mulf %sub3A, %sub3A : vector<16xf32>
        %sub3A_549 = arith.subf %get3A_517, %get3A_169 : vector<16xf32>
        %mul3A_550 = arith.mulf %sub3A_549, %sub3A_549 : vector<16xf32>
        %add3A_551 = arith.addf %mul3A_548, %mul3A_550 : vector<16xf32>
        %sub3A_552 = arith.subf %get3A_522, %get3A_180 : vector<16xf32>
        %mul3A_553 = arith.mulf %sub3A_552, %sub3A_552 : vector<16xf32>
        %add3A_554 = arith.addf %add3A_551, %mul3A_553 : vector<16xf32>
        %sub3A_555 = arith.subf %get3A_527, %get3A_191 : vector<16xf32>
        %mul3A_556 = arith.mulf %sub3A_555, %sub3A_555 : vector<16xf32>
        %add3A_557 = arith.addf %add3A_554, %mul3A_556 : vector<16xf32>
        %sub3A_558 = arith.subf %get3A_532, %get3A_202 : vector<16xf32>
        %mul3A_559 = arith.mulf %sub3A_558, %sub3A_558 : vector<16xf32>
        %add3A_560 = arith.addf %add3A_557, %mul3A_559 : vector<16xf32>
        %sub3A_561 = arith.subf %get3A_537, %get3A_213 : vector<16xf32>
        %mul3A_562 = arith.mulf %sub3A_561, %sub3A_561 : vector<16xf32>
        %add3A_563 = arith.addf %add3A_560, %mul3A_562 : vector<16xf32>
        %sub3A_564 = arith.subf %get3A_542, %get3A_224 : vector<16xf32>
        %mul3A_565 = arith.mulf %sub3A_564, %sub3A_564 : vector<16xf32>
        %add3A_566 = arith.addf %add3A_563, %mul3A_565 : vector<16xf32>
        %sub3A_567 = arith.subf %get3A_547, %get3A_235 : vector<16xf32>
        %mul3A_568 = arith.mulf %sub3A_567, %sub3A_567 : vector<16xf32>
        %add3A_569 = arith.addf %add3A_566, %mul3A_568 : vector<16xf32>
        %mul3A_570 = arith.constant -5.000000e-01 : f32
        %mul3A_571 = vector.broadcast %mul3A_570 : f32 to vector<16xf32>
        %mul3A_572 = arith.mulf %add3A_569, %mul3A_571 : vector<16xf32>
        %exp3A = math.exp %mul3A_572 : vector<16xf32>
        %add3A_573 = arith.constant 0 : i32
        %add3A_574 = arith.addi %mul3A_146, %add3A_573 : i32
        %swap3A = arith.constant 1 : i32
        %swap3A_575 = arith.index_cast %swap3A : i32 to index
        %swap3A_576 = arith.index_cast %add3A_574 : i32 to index
        %swap3A_577 = arith.index_cast %mul3A_507 : i32 to index
        %swap3A_578 = tpu.vector_load %arg7[%swap3A_575, %swap3A_576, %swap3A_577] {strides = array<i32>} : memref<2x16x2048xf32, #tpu.memory_space<vmem>>, vector<1x1x16xf32>,
        %swap3A_579 = vector.shape_cast %swap3A_578 : vector<1x1x16xf32> to vector<16xf32>
        %swap3A_580 = vector.shape_cast %exp3A : vector<16xf32> to vector<1x1x16xf32>
        tpu.vector_store %arg7[%swap3A_575, %swap3A_576, %swap3A_577], %swap3A_580 {strides = array<i32>} : memref<2x16x2048xf32, #tpu.memory_space<vmem>>, vector<1x1x16xf32>,
        %sub3A_581 = arith.subf %get3A_512, %get3A_246 : vector<16xf32>
        %mul3A_582 = arith.mulf %sub3A_581, %sub3A_581 : vector<16xf32>
        %sub3A_583 = arith.subf %get3A_517, %get3A_257 : vector<16xf32>
        %mul3A_584 = arith.mulf %sub3A_583, %sub3A_583 : vector<16xf32>
        %add3A_585 = arith.addf %mul3A_582, %mul3A_584 : vector<16xf32>
        %sub3A_586 = arith.subf %get3A_522, %get3A_268 : vector<16xf32>
        %mul3A_587 = arith.mulf %sub3A_586, %sub3A_586 : vector<16xf32>
        %add3A_588 = arith.addf %add3A_585, %mul3A_587 : vector<16xf32>
        %sub3A_589 = arith.subf %get3A_527, %get3A_279 : vector<16xf32>
        %mul3A_590 = arith.mulf %sub3A_589, %sub3A_589 : vector<16xf32>
        %add3A_591 = arith.addf %add3A_588, %mul3A_590 : vector<16xf32>
        %sub3A_592 = arith.subf %get3A_532, %get3A_290 : vector<16xf32>
        %mul3A_593 = arith.mulf %sub3A_592, %sub3A_592 : vector<16xf32>
        %add3A_594 = arith.addf %add3A_591, %mul3A_593 : vector<16xf32>
        %sub3A_595 = arith.subf %get3A_537, %get3A_301 : vector<16xf32>
        %mul3A_596 = arith.mulf %sub3A_595, %sub3A_595 : vector<16xf32>
        %add3A_597 = arith.addf %add3A_594, %mul3A_596 : vector<16xf32>
        %sub3A_598 = arith.subf %get3A_542, %get3A_312 : vector<16xf32>
        %mul3A_599 = arith.mulf %sub3A_598, %sub3A_598 : vector<16xf32>
        %add3A_600 = arith.addf %add3A_597, %mul3A_599 : vector<16xf32>
        %sub3A_601 = arith.subf %get3A_547, %get3A_323 : vector<16xf32>
        %mul3A_602 = arith.mulf %sub3A_601, %sub3A_601 : vector<16xf32>
        %add3A_603 = arith.addf %add3A_600, %mul3A_602 : vector<16xf32>
        %mul3A_604 = arith.constant -5.000000e-01 : f32
        %mul3A_605 = vector.broadcast %mul3A_604 : f32 to vector<16xf32>
        %mul3A_606 = arith.mulf %add3A_603, %mul3A_605 : vector<16xf32>
        %exp3A_607 = math.exp %mul3A_606 : vector<16xf32>
        %add3A_608 = arith.constant 1 : i32
        %add3A_609 = arith.addi %mul3A_146, %add3A_608 : i32
        %swap3A_610 = arith.constant 1 : i32
        %swap3A_611 = arith.index_cast %swap3A_610 : i32 to index
        %swap3A_612 = arith.index_cast %add3A_609 : i32 to index
        %swap3A_613 = arith.index_cast %mul3A_507 : i32 to index
        %swap3A_614 = tpu.vector_load %arg7[%swap3A_611, %swap3A_612, %swap3A_613] {strides = array<i32>} : memref<2x16x2048xf32, #tpu.memory_space<vmem>>, vector<1x1x16xf32>,
        %swap3A_615 = vector.shape_cast %swap3A_614 : vector<1x1x16xf32> to vector<16xf32>
        %swap3A_616 = vector.shape_cast %exp3A_607 : vector<16xf32> to vector<1x1x16xf32>
        tpu.vector_store %arg7[%swap3A_611, %swap3A_612, %swap3A_613], %swap3A_616 {strides = array<i32>} : memref<2x16x2048xf32, #tpu.memory_space<vmem>>, vector<1x1x16xf32>,
        %sub3A_617 = arith.subf %get3A_512, %get3A_334 : vector<16xf32>
        %mul3A_618 = arith.mulf %sub3A_617, %sub3A_617 : vector<16xf32>
        %sub3A_619 = arith.subf %get3A_517, %get3A_345 : vector<16xf32>
        %mul3A_620 = arith.mulf %sub3A_619, %sub3A_619 : vector<16xf32>
        %add3A_621 = arith.addf %mul3A_618, %mul3A_620 : vector<16xf32>
        %sub3A_622 = arith.subf %get3A_522, %get3A_356 : vector<16xf32>
        %mul3A_623 = arith.mulf %sub3A_622, %sub3A_622 : vector<16xf32>
        %add3A_624 = arith.addf %add3A_621, %mul3A_623 : vector<16xf32>
        %sub3A_625 = arith.subf %get3A_527, %get3A_367 : vector<16xf32>
        %mul3A_626 = arith.mulf %sub3A_625, %sub3A_625 : vector<16xf32>
        %add3A_627 = arith.addf %add3A_624, %mul3A_626 : vector<16xf32>
        %sub3A_628 = arith.subf %get3A_532, %get3A_378 : vector<16xf32>
        %mul3A_629 = arith.mulf %sub3A_628, %sub3A_628 : vector<16xf32>
        %add3A_630 = arith.addf %add3A_627, %mul3A_629 : vector<16xf32>
        %sub3A_631 = arith.subf %get3A_537, %get3A_389 : vector<16xf32>
        %mul3A_632 = arith.mulf %sub3A_631, %sub3A_631 : vector<16xf32>
        %add3A_633 = arith.addf %add3A_630, %mul3A_632 : vector<16xf32>
        %sub3A_634 = arith.subf %get3A_542, %get3A_400 : vector<16xf32>
        %mul3A_635 = arith.mulf %sub3A_634, %sub3A_634 : vector<16xf32>
        %add3A_636 = arith.addf %add3A_633, %mul3A_635 : vector<16xf32>
        %sub3A_637 = arith.subf %get3A_547, %get3A_411 : vector<16xf32>
        %mul3A_638 = arith.mulf %sub3A_637, %sub3A_637 : vector<16xf32>
        %add3A_639 = arith.addf %add3A_636, %mul3A_638 : vector<16xf32>
        %mul3A_640 = arith.constant -5.000000e-01 : f32
        %mul3A_641 = vector.broadcast %mul3A_640 : f32 to vector<16xf32>
        %mul3A_642 = arith.mulf %add3A_639, %mul3A_641 : vector<16xf32>
        %exp3A_643 = math.exp %mul3A_642 : vector<16xf32>
        %add3A_644 = arith.constant 2 : i32
        %add3A_645 = arith.addi %mul3A_146, %add3A_644 : i32
        %swap3A_646 = arith.constant 1 : i32
        %swap3A_647 = arith.index_cast %swap3A_646 : i32 to index
        %swap3A_648 = arith.index_cast %add3A_645 : i32 to index
        %swap3A_649 = arith.index_cast %mul3A_507 : i32 to index
        %swap3A_650 = tpu.vector_load %arg7[%swap3A_647, %swap3A_648, %swap3A_649] {strides = array<i32>} : memref<2x16x2048xf32, #tpu.memory_space<vmem>>, vector<1x1x16xf32>,
        %swap3A_651 = vector.shape_cast %swap3A_650 : vector<1x1x16xf32> to vector<16xf32>
        %swap3A_652 = vector.shape_cast %exp3A_643 : vector<16xf32> to vector<1x1x16xf32>
        tpu.vector_store %arg7[%swap3A_647, %swap3A_648, %swap3A_649], %swap3A_652 {strides = array<i32>} : memref<2x16x2048xf32, #tpu.memory_space<vmem>>, vector<1x1x16xf32>,
        %sub3A_653 = arith.subf %get3A_512, %get3A_422 : vector<16xf32>
        %mul3A_654 = arith.mulf %sub3A_653, %sub3A_653 : vector<16xf32>
        %sub3A_655 = arith.subf %get3A_517, %get3A_433 : vector<16xf32>
        %mul3A_656 = arith.mulf %sub3A_655, %sub3A_655 : vector<16xf32>
        %add3A_657 = arith.addf %mul3A_654, %mul3A_656 : vector<16xf32>
        %sub3A_658 = arith.subf %get3A_522, %get3A_444 : vector<16xf32>
        %mul3A_659 = arith.mulf %sub3A_658, %sub3A_658 : vector<16xf32>
        %add3A_660 = arith.addf %add3A_657, %mul3A_659 : vector<16xf32>
        %sub3A_661 = arith.subf %get3A_527, %get3A_455 : vector<16xf32>
        %mul3A_662 = arith.mulf %sub3A_661, %sub3A_661 : vector<16xf32>
        %add3A_663 = arith.addf %add3A_660, %mul3A_662 : vector<16xf32>
        %sub3A_664 = arith.subf %get3A_532, %get3A_466 : vector<16xf32>
        %mul3A_665 = arith.mulf %sub3A_664, %sub3A_664 : vector<16xf32>
        %add3A_666 = arith.addf %add3A_663, %mul3A_665 : vector<16xf32>
        %sub3A_667 = arith.subf %get3A_537, %get3A_477 : vector<16xf32>
        %mul3A_668 = arith.mulf %sub3A_667, %sub3A_667 : vector<16xf32>
        %add3A_669 = arith.addf %add3A_666, %mul3A_668 : vector<16xf32>
        %sub3A_670 = arith.subf %get3A_542, %get3A_488 : vector<16xf32>
        %mul3A_671 = arith.mulf %sub3A_670, %sub3A_670 : vector<16xf32>
        %add3A_672 = arith.addf %add3A_669, %mul3A_671 : vector<16xf32>
        %sub3A_673 = arith.subf %get3A_547, %get3A_499 : vector<16xf32>
        %mul3A_674 = arith.mulf %sub3A_673, %sub3A_673 : vector<16xf32>
        %add3A_675 = arith.addf %add3A_672, %mul3A_674 : vector<16xf32>
        %mul3A_676 = arith.constant -5.000000e-01 : f32
        %mul3A_677 = vector.broadcast %mul3A_676 : f32 to vector<16xf32>
        %mul3A_678 = arith.mulf %add3A_675, %mul3A_677 : vector<16xf32>
        %exp3A_679 = math.exp %mul3A_678 : vector<16xf32>
        %add3A_680 = arith.constant 3 : i32
        %add3A_681 = arith.addi %mul3A_146, %add3A_680 : i32
        %swap3A_682 = arith.constant 1 : i32
        %swap3A_683 = arith.index_cast %swap3A_682 : i32 to index
        %swap3A_684 = arith.index_cast %add3A_681 : i32 to index
        %swap3A_685 = arith.index_cast %mul3A_507 : i32 to index
        %swap3A_686 = tpu.vector_load %arg7[%swap3A_683, %swap3A_684, %swap3A_685] {strides = array<i32>} : memref<2x16x2048xf32, #tpu.memory_space<vmem>>, vector<1x1x16xf32>,
        %swap3A_687 = vector.shape_cast %swap3A_686 : vector<1x1x16xf32> to vector<16xf32>
        %swap3A_688 = vector.shape_cast %exp3A_679 : vector<16xf32> to vector<1x1x16xf32>
        tpu.vector_store %arg7[%swap3A_683, %swap3A_684, %swap3A_685], %swap3A_688 {strides = array<i32>} : memref<2x16x2048xf32, #tpu.memory_space<vmem>>, vector<1x1x16xf32>,
      }
      %scan3A_504 = arith.constant 128 : i32
    }
    %scan3A_102 = arith.constant 4 : i32
    %add3A_103 = arith.constant 48 : i32
    %add3A_104 = arith.addi %mul3A_2, %add3A_103 : i32
    %dma_start3A_105 = arith.constant 1 : i32
    %dma_start3A_106 = arith.constant 0 : i32
    %dma_start3A_107 = arith.constant 0 : i32
    %dma_start3A_108 = tpu.memref_slice %arg7[%dma_start3A_105, %dma_start3A_106, %dma_start3A_107] : memref<2x16x2048xf32, #tpu.memory_space<vmem>> -> memref<1x16x2048xf32, #tpu.memory_space<vmem>>
    %dma_start3A_109 = tpu.memref_squeeze %dma_start3A_108 : memref<1x16x2048xf32, #tpu.memory_space<vmem>> -> memref<16x2048xf32, #tpu.memory_space<vmem>>
    %dma_start3A_110 = arith.constant 0 : i32
    %dma_start3A_111 = tpu.memref_slice %arg4[%add3A_104, %dma_start3A_110] : memref<2048x2048xf32, #tpu.memory_space<hbm>> -> memref<16x2048xf32, #tpu.memory_space<hbm>>
    %dma_start3A_112 = arith.constant 0 : i32
    %dma_start3A_113 = tpu.memref_slice %arg4[%add3A_104, %dma_start3A_112] : memref<2048x2048xf32, #tpu.memory_space<hbm>> -> memref<16x2048xf32, #tpu.memory_space<hbm>>
    %dma_start3A_114 = arith.constant 0 : i32
    %dma_start3A_115 = arith.constant 0 : i32
    %dma_start3A_116 = tpu.memref_slice %arg7[%dma_start3A_105, %dma_start3A_114, %dma_start3A_115] : memref<2x16x2048xf32, #tpu.memory_space<vmem>> -> memref<1x16x2048xf32, #tpu.memory_space<vmem>>
    %dma_start3A_117 = tpu.memref_squeeze %dma_start3A_116 : memref<1x16x2048xf32, #tpu.memory_space<vmem>> -> memref<16x2048xf32, #tpu.memory_space<vmem>>
    tpu.enqueue_dma source(%dma_start3A_117 : memref<16x2048xf32, #tpu.memory_space<vmem>>) target(%dma_start3A_113 : memref<16x2048xf32, #tpu.memory_space<hbm>>) target_semaphore(%arg9 : memref<!tpu.dma_semaphore, #tpu.memory_space<semaphore_mem>>)
    %dma_wait3A_118 = arith.constant 0 : i32
    %dma_wait3A_119 = arith.constant 0 : i32
    %dma_wait3A_120 = arith.constant 0 : i32
    %dma_wait3A_121 = tpu.memref_slice %arg7[%dma_wait3A_118, %dma_wait3A_119, %dma_wait3A_120] : memref<2x16x2048xf32, #tpu.memory_space<vmem>> -> memref<1x16x2048xf32, #tpu.memory_space<vmem>>
    %dma_wait3A_122 = tpu.memref_squeeze %dma_wait3A_121 : memref<1x16x2048xf32, #tpu.memory_space<vmem>> -> memref<16x2048xf32, #tpu.memory_space<vmem>>
    %dma_wait3A_123 = arith.constant 0 : i32
    %dma_wait3A_124 = tpu.memref_slice %arg4[%add3A_70, %dma_wait3A_123] : memref<2048x2048xf32, #tpu.memory_space<hbm>> -> memref<16x2048xf32, #tpu.memory_space<hbm>>
    %dma_wait3A_125 = arith.constant 0 : i32
    %dma_wait3A_126 = tpu.memref_slice %arg4[%add3A_70, %dma_wait3A_125] : memref<2048x2048xf32, #tpu.memory_space<hbm>> -> memref<16x2048xf32, #tpu.memory_space<hbm>>
    %dma_wait3A_127 = arith.constant 0 : i32
    %dma_wait3A_128 = arith.constant 0 : i32
    %dma_wait3A_129 = tpu.memref_slice %arg7[%dma_wait3A_118, %dma_wait3A_127, %dma_wait3A_128] : memref<2x16x2048xf32, #tpu.memory_space<vmem>> -> memref<1x16x2048xf32, #tpu.memory_space<vmem>>
    %dma_wait3A_130 = tpu.memref_squeeze %dma_wait3A_129 : memref<1x16x2048xf32, #tpu.memory_space<vmem>> -> memref<16x2048xf32, #tpu.memory_space<vmem>>
    tpu.wait_dma2 semaphore(%arg8 : memref<!tpu.dma_semaphore, #tpu.memory_space<semaphore_mem>>) src(%dma_wait3A_130 : memref<16x2048xf32, #tpu.memory_space<vmem>>) dst(%dma_wait3A_126 : memref<16x2048xf32, #tpu.memory_space<hbm>>)
    %dma_wait3A_131 = arith.constant 1 : i32
    %dma_wait3A_132 = arith.constant 0 : i32
    %dma_wait3A_133 = arith.constant 0 : i32
    %dma_wait3A_134 = tpu.memref_slice %arg7[%dma_wait3A_131, %dma_wait3A_132, %dma_wait3A_133] : memref<2x16x2048xf32, #tpu.memory_space<vmem>> -> memref<1x16x2048xf32, #tpu.memory_space<vmem>>
    %dma_wait3A_135 = tpu.memref_squeeze %dma_wait3A_134 : memref<1x16x2048xf32, #tpu.memory_space<vmem>> -> memref<16x2048xf32, #tpu.memory_space<vmem>>
    %dma_wait3A_136 = arith.constant 0 : i32
    %dma_wait3A_137 = tpu.memref_slice %arg4[%add3A_104, %dma_wait3A_136] : memref<2048x2048xf32, #tpu.memory_space<hbm>> -> memref<16x2048xf32, #tpu.memory_space<hbm>>
    %dma_wait3A_138 = arith.constant 0 : i32
    %dma_wait3A_139 = tpu.memref_slice %arg4[%add3A_104, %dma_wait3A_138] : memref<2048x2048xf32, #tpu.memory_space<hbm>> -> memref<16x2048xf32, #tpu.memory_space<hbm>>
    %dma_wait3A_140 = arith.constant 0 : i32
    %dma_wait3A_141 = arith.constant 0 : i32
    %dma_wait3A_142 = tpu.memref_slice %arg7[%dma_wait3A_131, %dma_wait3A_140, %dma_wait3A_141] : memref<2x16x2048xf32, #tpu.memory_space<vmem>> -> memref<1x16x2048xf32, #tpu.memory_space<vmem>>
    %dma_wait3A_143 = tpu.memref_squeeze %dma_wait3A_142 : memref<1x16x2048xf32, #tpu.memory_space<vmem>> -> memref<16x2048xf32, #tpu.memory_space<vmem>>
    tpu.wait_dma2 semaphore(%arg9 : memref<!tpu.dma_semaphore, #tpu.memory_space<semaphore_mem>>) src(%dma_wait3A_143 : memref<16x2048xf32, #tpu.memory_space<vmem>>) dst(%dma_wait3A_139 : memref<16x2048xf32, #tpu.memory_space<hbm>>)
    return
  }
}

</mosaic_0001>

<sc_bundles>
// kernel: kernel.3.cloned.1.call-start
scs
__scs_entry_jumppad:
0x0: {  	(pc) =	sbr.rel $0x88, $3  }
0x1: {  	(tag) =	ssettag $0x0;
	lr =	simm.s32 $0x1  }
0x2: {  	[smem:$0x3F9F] =	sst lr;
	_ =	strace $0xD0000000  }
0x3: {  	_ = 	snop  }
0x4: {  	_ = 	snop  }
0x5: {  	_ = 	snop  }
0x6: {  	_ = 	snop  }
0x7: {  	_ = 	snop  }
__scs_overlays_trampoline_lowered:
0x8: {  	[smem:$0x3FAE] =	sst s0  }
0x9: {  	[smem:$0x3FAF] =	sst s1  }
0xa: {  	[smem:$0x3FB0] =	sst s2  }
0xb: {  	[smem:$0x3FB1] =	sst s3  }
0xc: {  	[smem:$0x3FB2] =	sst s4  }
0xd: {  	[smem:$0x3FB3] =	sst s5  }
0xe: {  	[smem:$0x3FB4] =	sst s6  }
0xf: {  	[smem:$0x3FB5] =	sst s7  }
0x10: {  	[smem:$0x3FB6] =	sst s8  }
0x11: {  	[smem:$0x3FB7] =	sst s9;
	s0 =	simm.s32 @!p0 $0x0  }
0x12: {  	s1 =	sld [smem:$0x3F9D];
	s0 =	simm.s32 @p0 $0x1  }
0x13: {  	[smem:$0x3FB8] =	sst s0;
	s0 =	simm.s32 @!p1 $0x0  }
0x14: {  	s2 =	sld [smem:$0x3F9C];
	s0 =	simm.s32 @p1 $0x1  }
0x15: {  	[smem:$0x3FB9] =	sst s0;
	s0 =	simm.s32 @!p2 $0x0  }
0x16: {  	s3 =	sld [smem:$0x3FDB];
	s0 =	simm.s32 @p2 $0x1  }
0x17: {  	s4 =	simm.s32 $0x1BF5;
	[smem:$0x3FBB] =	sst s0  }
0x18: {  	s0 =	sld [smem:$0x3F9E];
	_ =	swait.ge [sflag:s4], $0x0  }
0x19: {  	s7 =	sld [smem:$0x3F9F]  }
0x1a: {  	s8 =	sadd.s32 $0xFFFFE003, lr  }
0x1b: {  	s9 =	sadd.s32 $0xFFFFFEF7, lr;
	s5 =	simm.s32 $0xFFFFFFFF;
	p2 =	slt.u32 s8, $0xFFFFF086  }
0x1c: {  	p1 =	slt.u32 s9, $0xF7A;
	s5 =	simm.s32 @!p2 $0x0  }
0x1d: {  	s5 =	simm.s32 @p1 $0x1;
	p0 =	seq.s32 s7, s2  }
0x1e: {  	s7 =	smul.u32 @!p0 $0xF7A, s2;
	p2 =	seq.s32 @!p0 s5, $0x0  }
0x1f: {  	s9 =	smul.u32 $0xF7A, s1;
	s8 =	simm.s32 @!p0 $0x1BF5;
	p2 =	por !p2, p0  }
0x20: {  	[sflag:s8] =	ssyncset.s32 @!p0 $0xFFFFF086;
	s6 =	sadd.s32 @!p0 s3, s7;
	s7 =	simm.s32 @!p0 $0x108  }
0x21: {  	s3 =	sadd.s32 s3, s9;
	s6 =	sadd.s32 @!p0 $0x88, s6;
	s7 =	simm.s32 @p2 $0x1082  }
0x22: {  	[simem:s7], [sflag:s8] =	dma.local @!p0 [hbm:s6], $0xF7A  }
0x23: {  	s9 =	sor.u32 $0xD0000000, s2;
	s6 =	simm.s32 $0x108;
	_ =	swait.ge @!p0 [sflag:s8], $0x0  }
0x24: {  	s3 =	sadd.s32 $0x88, s3;
	s6 =	simm.s32 @!p1 $0x1082;
	[sflag:s4] =	ssyncset.s32 $0xFFFFF086  }
0x25: {  	[simem:s6], [sflag:s4] =	dma.local [hbm:s3], $0xF7A  }
0x26: {  	[smem:$0x3F9F] =	sst s1;
	(tag) =	ssettag s2;
	_ =	strace s9  }
0x27: {  	s1 =	sld [smem:$0x3FAF]  }
0x28: {  	s2 =	sld [smem:$0x3FB0]  }
0x29: {  	s4 =	sld [smem:$0x3FB2]  }
0x2a: {  	p0 =	seq.s32 s5, $0x0;
	s5 =	sld [smem:$0x3FB3]  }
0x2b: {  	s6 =	sld [smem:$0x3FB4]  }
0x2c: {  	s7 =	sld [smem:$0x3FB5]  }
0x2d: {  	s3 =	simm.s32 $0x108;
	s8 =	sld [smem:$0x3FB6]  }
0x2e: {  	s3 =	simm.s32 @!p0 $0x1082;
	s9 =	sld [smem:$0x3FB7]  }
0x2f: {  	lr =	sadd.s32 s0, s3;
	s0 =	sld [smem:$0x3FAE]  }
0x30: {  	s3 =	sld [smem:$0x3FB1]  }
0x31: {  	[smem:$0x3FBA] =	sst s10  }
0x32: {  	s10 =	sld [smem:$0x3FB8];
	_ =	sdelay $0x3  }
0x33: {  	p0 =	seq.s32 s10, $0x1;
	s10 =	sld [smem:$0x3FBA];
	_ =	sdelay $0x3  }
0x34: {  	[smem:$0x3FBA] =	sst s10  }
0x35: {  	s10 =	sld [smem:$0x3FB9];
	_ =	sdelay $0x3  }
0x36: {  	p1 =	seq.s32 s10, $0x1;
	s10 =	sld [smem:$0x3FBA];
	_ =	sdelay $0x3  }
0x37: {  	[smem:$0x3FBA] =	sst s10  }
0x38: {  	s10 =	sld [smem:$0x3FBB]  }
0x39: {  	_ = 	snop;
	(pc) =	sbr.ind lr, $3  }
0x3a: {  	_ = 	snop  }
0x3b: {  	_ = 	snop  }
0x3c: {  	p2 =	seq.s32 s10, $0x1;
	s10 =	sld [smem:$0x3FBA]  }
0x3d: {  	_ =	shalt  }
0x3e: {  	_ =	shalt  }
0x3f: {  	_ =	shalt  }
0x40: {  	_ =	shalt  }
0x41: {  	_ =	shalt  }
0x42: {  	_ =	shalt  }
0x43: {  	_ =	shalt  }
0x44: {  	_ =	shalt  }
0x45: {  	_ =	shalt  }
0x46: {  	_ =	shalt  }
0x47: {  	_ =	shalt  }
0x48: {  	_ =	shalt  }
0x49: {  	_ =	shalt  }
0x4a: {  	_ =	shalt  }
0x4b: {  	_ =	shalt  }
0x4c: {  	_ =	shalt  }
0x4d: {  	_ =	shalt  }
0x4e: {  	_ =	shalt  }
0x4f: {  	_ =	shalt  }
0x50: {  	_ =	shalt  }
0x51: {  	_ =	shalt  }
0x52: {  	_ =	shalt  }
0x53: {  	_ =	shalt  }
0x54: {  	_ =	shalt  }
0x55: {  	_ =	shalt  }
0x56: {  	_ =	shalt  }
0x57: {  	_ =	shalt  }
0x58: {  	_ =	shalt  }
0x59: {  	_ =	shalt  }
0x5a: {  	_ =	shalt  }
0x5b: {  	_ =	shalt  }
0x5c: {  	_ =	shalt  }
0x5d: {  	_ =	shalt  }
0x5e: {  	_ =	shalt  }
0x5f: {  	_ =	shalt  }
0x60: {  	_ =	shalt  }
0x61: {  	_ =	shalt  }
0x62: {  	_ =	shalt  }
0x63: {  	_ =	shalt  }
0x64: {  	_ =	shalt  }
0x65: {  	_ =	shalt  }
0x66: {  	_ =	shalt  }
0x67: {  	_ =	shalt  }
0x68: {  	_ =	shalt  }
0x69: {  	_ =	shalt  }
0x6a: {  	_ =	shalt  }
0x6b: {  	_ =	shalt  }
0x6c: {  	_ =	shalt  }
0x6d: {  	_ =	shalt  }
0x6e: {  	_ =	shalt  }
0x6f: {  	_ =	shalt  }
0x70: {  	_ =	shalt  }
0x71: {  	_ =	shalt  }
0x72: {  	_ =	shalt  }
0x73: {  	_ =	shalt  }
0x74: {  	_ =	shalt  }
0x75: {  	_ =	shalt  }
0x76: {  	_ =	shalt  }
0x77: {  	_ =	shalt  }
0x78: {  	_ =	shalt  }
0x79: {  	_ =	shalt  }
0x7a: {  	_ =	shalt  }
0x7b: {  	_ =	shalt  }
0x7c: {  	_ =	shalt  }
0x7d: {  	_ =	shalt  }
0x7e: {  	_ =	shalt  }
0x7f: {  	_ =	shalt  }
0x80: {  	_ =	shalt  }
0x81: {  	_ =	shalt  }
0x82: {  	_ =	shalt  }
0x83: {  	_ =	shalt  }
0x84: {  	_ =	shalt  }
0x85: {  	_ =	shalt  }
0x86: {  	_ =	shalt  }
0x87: {  	_ =	shalt  }
.Lfunc_end0:
.L_simem_size_0:
called_computation_lowered:
.L_overlay_start_0:
0x88: {  	s2 =	sld [smem:$0x3FD9]  }
0x89: {  	s3 =	sld [smem:$0x3FFE];
	_ =	sdelay $0x1  }
0x8a: {  	s1 =	srdreg.scid  }
0x8b: {  	s0 =	sand.u32 $0x1, s1  }
0x8c: {  	s17 =	sshll.u32 s0, $0xA;
	s2 =	sadd.s32 s3, s2  }
0x8d: {  	s2 =	sadd.s32 s2, s17  }
0x8e: {  	[smem:$0x3FC6] =	sst s2  }
0x8f: {  	_ = 	snop  }
0x90: {  	s2 =	sld [smem:$0x3FC8]  }
0x91: {  	s18 =	sld [smem:$0x3FD0];
	(tm) =	ssettm $0x1  }
0x92: {  	s4 =	sld [smem:$0x3FFB];
	_ =	sdelay $0x3  }
0x93: {  	_ =	strace s4  }
0x94: {  	s4 =	sld [smem:$0x3FFC];
	_ =	sdelay $0x3  }
0x95: {  	_ =	strace s4  }
0x96: {  	s4 =	sld [smem:$0x3FFD];
	_ =	sdelay $0x3  }
0x97: {  	_ =	strace s4  }
0x98: {  	_ =	strace $0x8FFFFFFF  }
0x99: {  	s19 =	sld [smem:$0x3FDB];
	_ =	sdelay $0x1  }
0x9a: {  	s5 =	simm.s32 $_scs_section_size  }
0x9b: {  	s6 =	simm.s32 $_size__tile_overlayer_lowered;
	s7 =	simm.s32 $_tile_overlayer_lowered  }
0x9c: {  	s22 =	simm.s32 $0x1BFF;
	s21 =	sshll.u32 s7, $0x1;
	s4 =	sadd.s32 s5, s19  }
0x9d: {  	s8 =	simm.s32 $0x0;
	s20 =	sshll.u32 s6, $0x1;
	s6 =	sadd.s32 s21, s4  }
0x9e: {  	[timem:s8], [sflag:s22] =	dma.local [hbm:s6], s20  }
0x9f: {  	_ =	swait.ge [sflag:s22], s20  }
0xa0: {  	s5 =	ssub.s32 $0x0, s20;
	[sflag:s22] =	ssyncset.done $0x0  }
0xa1: {  	[sflag:s22] =	ssyncadd.s32 s5;
	_ =	sdelay $0x1  }
0xa2: {  	s23 =	simm.s32 $0x1B8B  }
0xa3: {  	_ =	swait.ge [sflag:s23], $0x1  }
0xa4: {  	[sflag:s23] =	ssyncset.done $0x0  }
0xa5: {  	s25 =	simm.s32 $0x1B8E;
	s24 =	sld [smem:$0x3FFE];
	[sflag:s23] =	ssyncadd.s32 $0xFFFFFFFF  }
0xa6: {  	s26 =	simm.s32 $execute0_lowered;
	[smem:$0x3FD2] =	sst s25  }
0xa7: {  	s6 =	sshll.u32 s26, $0x1;
	_ =	strace $0x80000046;
	[dreg:$0x1] =	wrdreg $0xFFFFFFFF  }
0xa8: {  	s28 =	simm.s32 $_size_execute0_lowered;
	s4 =	sadd.s32 s4, s6;
	[dreg:$0x0] =	wrdreg $0x0  }
0xa9: {  	s6 =	sshll.u32 s28, $0x1;
	[dreg:$0x2] =	wrdreg s4  }
0xaa: {  	[dreg:$0x3] =	wrdreg s6  }
0xab: {  	[dreg:$0x4] =	wrdreg $0xC0  }
0xac: {  	_ =	task [dreg:s8], $0x5FFFF  }
0xad: {  	[dreg:$0x1] =	wrdreg $0xFFFFFFFF  }
0xae: {  	[dreg:$0x0] =	wrdreg $0x60  }
0xaf: {  	[dreg:$0x2] =	wrdreg s24  }
0xb0: {  	[dreg:$0x3] =	wrdreg s2  }
0xb1: {  	[dreg:$0x4] =	wrdreg s18  }
0xb2: {  	[dreg:$0x5] =	wrdreg $0x9  }
0xb3: {  	_ =	task.clear_ibuf [dreg:s8], $0x6FFFF;
	_ =	strace $0x90000046  }
0xb4: {  	s29 =	simm.s32 $0x9;
	_ =	strace $0x80000048  }
0xb5: {  	_ =	swait.ge [sflag:s29], $0x1  }
0xb6: {  	[sflag:s29] =	ssyncadd.s32 $0xFFFFFFFF  }
0xb7: {  	_ =	strace $0x90000048  }
0xb8: {  	_ =	sfence  }
0xb9: {  	s30 =	sld [smem:$0x0];
	_ =	sdelay $0x2  }
0xba: {  	s31 =	sshll.u32 s1, $0xD;
	s1 =	sshrl.u32 s1, $0x2  }
0xbb: {  	s3 =	sand.u32 $0x4000, s31;
	s1 =	sadd.s32 s1, s30  }
0xbc: {  	s0 =	sor.u32 s3, s0;
	s1 =	sshll.u32 s1, $0x11  }
0xbd: {  	s0 =	sor.u32 s1, s0  }
0xbe: {  	s0 =	sadd.s32 $0x8F2B, s0  }
0xbf: {  	[sflag:s0] =	ssyncadd.remote.s32 $0x1  }
0xc0: {  	_ =	sfence.sel $0xFFFF  }
0xc1: {  	[dreg:$0x0] =	wrdreg $0xFFFFFFFF;
	(pc) =	sbr.abs _section_cstart, $3  }
0xc2: {  	[dreg:$0x1] =	wrdreg $0xFFFFFFFF  }
0xc3: {  	_ =	task.clear_ibuf [dreg:s8], $0x2FFFF;
	_ =	strace $0x9FFFFFFF  }
0xc4: {  	(tm) =	ssettm $0x7FFFFFFF  }
0xc5: {  	_ =	shalt  }
tec
execute0_lowered:
.L_overlay_start_1:
0x0: {  	(tag) =	ssettag $0x1  }
0x1: {  	s4 =	rddreg [dreg:$0x0]  }
0x2: {  	s5 =	rddreg [dreg:$0x2]  }
0x3: {  	s3 =	simm.s32 $0x0;
	s6 =	srdreg.scid;
	s0 =	stileid.u32  }
0x4: {  	s10 =	simm.s32 $0x3;
	s11 =	simm.s32 $0x4000;
	s12 =	simm.s32 $0x6000  }
0x5: {  	s13 =	simm.s32 $0xE000;
	s14 =	simm.s32 $0x1;
	s15 =	simm.s32 $0x2  }
0x6: {  	[smem:$0x7FF] =	sst s3;
	s6 =	sand.u32 $0x1, s6;
	s7 =	sshll.u32 s0, $0x1  }
0x7: {  	s16 =	simm.s32 $0x0;
	_ =	strace $0x80000047;
	s7 =	sor.u32 s6, s7  }
0x8: {  	s6 =	ssub.s32 $0x2, s6;
	s8 =	sshll.u32 s7, $0xA;
	s7 =	sshll.u32 s7, $0xE  }
0x9: {  	s9 =	sshrl.u32 s6, $0x1;
	s8 =	sadd.s32 s8, s4;
	s4 =	sadd.s32 s5, s7  }
0xa: {  	s9 =	ssub.s32 s6, s9;
	s5 =	sadd.s32 $0x400, s8;
	s6 =	sadd.s32 $0x1000, s4  }
0xb: {  	s7 =	sadd.s32 $0x2000, s4;
	s8 =	sadd.s32 $0x3000, s4;
	s9 =	smax.u32 s9, $0x1  }
.LBB2_1:
0xc: {  	s0 =	rddreg [dreg:$0x1]  }
0xd: {  	[tilespmem:s3], [sflag:$0x3] =	stream.linear.gather [hbm4b:s0+s3], $0x4000, $0x38;
	[tilespmem:$0x16000] =	vst v63  }
0xe: {  	_ =	swait.ge [sflag:s10], $0x4000  }
0xf: {  	[sflag:s10] =	ssyncset.done $0x0  }
0x10: {  	[sflag:s10] =	ssyncadd.s32 $0xFFFFC000  }
0x11: {  	[tilespmem:s11], [sflag:$0x3] =	stream.linear.gather [hbm4b:s5+s3], $0x2000, $0x38;
	[tilespmem:$0x16000] =	vst v63  }
0x12: {  	_ =	swait.ge [sflag:s10], $0x2000  }
0x13: {  	[sflag:s10] =	ssyncset.done $0x0  }
0x14: {  	s17 =	simm.s32 $0x0;
	[sflag:s10] =	ssyncadd.s32 $0xFFFFE000  }
.LBB2_2:
0x15: {  	s19 =	sshll.u32 s17, $0x9  }
0x16: {  	s24 =	sand.u32 $0x3FFFFE00, s19  }
0x17: {  	v0 =	vld [tilespmem:s24+$0x4000]  }
0x18: {  	s21 =	sor.u32 $0x80, s19;
	v3 =	vld [tilespmem:s24+$0x4040]  }
0x19: {  	v4 =	vld [tilespmem:s24+$0x4050];
	s20 =	sand.u32 $0x3FFFFE80, s21  }
0x1a: {  	v5 =	vld [tilespmem:s20+$0x4000]  }
0x1b: {  	v6 =	vld [tilespmem:s20+$0x4010]  }
0x1c: {  	s22 =	sor.u32 $0x100, s19;
	v7 =	vld [tilespmem:s20+$0x4040]  }
0x1d: {  	s29 =	sand.u32 $0x3FFFFF00, s22;
	v8 =	vld [tilespmem:s20+$0x4050]  }
0x1e: {  	v9 =	vld [tilespmem:s29+$0x4000]  }
0x1f: {  	v10 =	vld [tilespmem:s29+$0x4010]  }
0x20: {  	s23 =	sor.u32 $0x180, s19;
	v11 =	vld [tilespmem:s29+$0x4030]  }
0x21: {  	s18 =	simm.s32 $0x0;
	s28 =	sand.u32 $0x3FFFFF80, s23;
	v12 =	vld [tilespmem:s29+$0x4050]  }
0x22: {  	s26 =	sand.u32 $0x70, s18;
	s25 =	sand.u32 $0x3C00, s18;
	v13 =	vld [tilespmem:s28+$0x4000]  }
0x23: {  	s30 =	sor.u32 s26, s25;
	v14 =	vld [tilespmem:s28+$0x4010]  }
0x24: {  	v22 =	vld [tilespmem:s30+$0x0]  }
0x25: {  	v25 =	vld [tilespmem:s30+$0x200]  }
0x26: {  	v24 =	vld [tilespmem:s30+$0x280]  }
0x27: {  	v15 =	vld [tilespmem:s28+$0x4030]  }
0x28: {  	v26 =	vld [tilespmem:s30+$0x80]  }
0x29: {  	v27 =	vld [tilespmem:s30+$0x180];
	v20 =	vsub.f32 v22, v9  }
0x2a: {  	v16 =	vld [tilespmem:s28+$0x4020];
	v28 =	vsub.f32 v22, v13;
	v21 =	vsub.f32 v22, v0  }
0x2b: {  	v29 =	vld [tilespmem:s30+$0x100];
	v31 =	vsub.f32 v24, v8;
	v30 =	vsub.f32 v25, v3  }
0x2c: {  	v17 =	vld [tilespmem:s20+$0x4020];
	v32 =	vsub.f32 v24, v4;
	v33 =	vsub.f32 v25, v7  }
0x2d: {  	v2 =	vld [tilespmem:s24+$0x4020];
	v34 =	vsub.f32 v24, v12;
	v23 =	vsub.f32 v26, v10  }
0x2e: {  	v18 =	vld [tilespmem:s29+$0x4020];
	v36 =	vsub.f32 v27, v15;
	v37 =	vsub.f32 v26, v6  }
0x2f: {  	v1 =	vld [tilespmem:s24+$0x4010];
	v39 =	vsub.f32 v26, v14;
	v40 =	vsub.f32 v27, v11  }
0x30: {  	v19 =	vld [tilespmem:s28+$0x4040];
	v42 =	vsub.f32 v29, v16;
	v43 =	vsub.f32 v22, v5  }
0x31: {  	v49 =	vld [tilespmem:s30+$0x300];
	v44 =	vsub.f32 v29, v17;
	v35 =	vmul.f32 v20, v20;
	v38 =	vmul.f32 v21, v21  }
0x32: {  	v22 =	vld [tilespmem:s20+$0x4030];
	v45 =	vsub.f32 v29, v2;
	v41 =	vmul.f32 v23, v23;
	v37 =	vmul.f32 v37, v37  }
0x33: {  	v29 =	vsub.f32 v29, v18;
	v20 =	vld [tilespmem:s28+$0x4050];
	v39 =	vmul.f32 v39, v39;
	v42 =	vmul.f32 v42, v42  }
0x34: {  	v26 =	vsub.f32 v26, v1;
	v21 =	vld [tilespmem:s29+$0x4040];
	v47 =	vmul.f32 v30, v30;
	v30 =	vmul.f32 v44, v44  }
0x35: {  	v46 =	vsub.f32 v25, v19;
	v23 =	vld [tilespmem:s24+$0x4030];
	v45 =	vmul.f32 v45, v45;
	v28 =	vmul.f32 v28, v28  }
0x36: {  	v29 =	vmul.f32 v29, v29;
	v56 =	vmul.f32 v26, v26;
	v26 =	vld [tilespmem:s24+$0x4060];
	v35 =	vadd.f32 v41, v35  }
0x37: {  	v33 =	vmul.f32 v33, v33;
	v28 =	vadd.f32 v39, v28;
	v48 =	vsub.f32 v27, v22  }
0x38: {  	v40 =	vmul.f32 v40, v40;
	v29 =	vadd.f32 v29, v35;
	v35 =	vadd.f32 v56, v38  }
0x39: {  	v36 =	vmul.f32 v36, v36;
	v58 =	vadd.f32 v42, v28;
	v44 =	vsub.f32 v24, v20  }
0x3a: {  	v28 =	vld [tilespmem:s29+$0x4060];
	v55 =	vsub.f32 v25, v21;
	v50 =	vsub.f32 v27, v23;
	v27 =	vmul.f32 v43, v43  }
0x3b: {  	s30 =	sand.u32 $0x7, s18;
	v57 =	vmul.f32 v46, v46;
	v24 =	vld [tilespmem:s28+$0x4060];
	v53 =	vsub.f32 v49, v26;
	v40 =	vadd.f32 v40, v29  }
0x3c: {  	s2 =	sshll.u32 s30, $0x4;
	v34 =	vmul.f32 v34, v34;
	v25 =	vld [tilespmem:s20+$0x4060];
	v36 =	vadd.f32 v36, v58;
	v37 =	vadd.f32 v37, v27  }
0x3d: {  	v35 =	vadd.f32 v45, v35;
	v41 =	vmul.f32 v55, v55;
	v27 =	vld [tilespmem:s24+$0x4070];
	v59 =	vmul.f32 v50, v50;
	s24 =	sadd.s32 $0x0, s2  }
0x3e: {  	v52 =	vmul.f32 v31, v31;
	v29 =	vld [tilespmem:s29+$0x4070];
	s24 =	sor.u32 $0x380, s24;
	v36 =	vadd.f32 v57, v36;
	v37 =	vadd.f32 v30, v37  }
0x3f: {  	v61 =	vmul.f32 v48, v48;
	v63 =	vld [tilespmem:s24+$0x0];
	v40 =	vadd.f32 v41, v40;
	v35 =	vadd.f32 v59, v35  }
0x40: {  	v55 =	vmul.f32 v44, v44;
	v56 =	vsub.f32 v49, v28;
	v60 =	vsub.f32 v49, v24  }
0x41: {  	v31 =	vld [tilespmem:s20+$0x4070];
	v32 =	vmul.f32 v32, v32;
	v62 =	vsub.f32 v49, v25;
	v37 =	vadd.f32 v61, v37  }
0x42: {  	v30 =	vld [tilespmem:s28+$0x4070];
	v41 =	vmul.f32 v53, v53;
	v36 =	vadd.f32 v55, v36;
	v35 =	vadd.f32 v47, v35  }
0x43: {  	s31 =	sshll.u32 s17, $0xD;
	v34 =	vadd.f32 v34, v40;
	v40 =	vmul.f32 v56, v56;
	v33 =	vadd.f32 v33, v37  }
0x44: {  	s20 =	sand.u32 $0x4000, s31;
	v54 =	vmul.f32 v62, v62;
	v32 =	vadd.f32 v32, v35;
	v57 =	vsub.f32 v63, v29  }
0x45: {  	s20 =	sadd.s32 $0x6000, s20;
	v43 =	vmul.f32 v60, v60;
	v34 =	vadd.f32 v40, v34;
	v58 =	vsub.f32 v63, v27  }
0x46: {  	s19 =	sand.u32 $0x200, s19;
	s21 =	sand.u32 $0x280, s21;
	s25 =	sadd.s32 s25, s20;
	v60 =	vsub.f32 v63, v31;
	v33 =	vadd.f32 v52, v33;
	v42 =	vmul.f32 v57, v57  }
0x47: {  	s22 =	sand.u32 $0x300, s22;
	s23 =	sand.u32 $0x380, s23;
	s30 =	sadd.s32 s21, s25;
	v59 =	vsub.f32 v63, v30;
	v32 =	vadd.f32 v41, v32;
	v61 =	vmul.f32 v58, v58  }
0x48: {  	s31 =	sadd.s32 s22, s25;
	s24 =	simm.s32 $0x10;
	s28 =	sadd.s32 s19, s25;
	v35 =	vmul.f32 v60, v60;
	v62 =	vadd.f32 v54, v33;
	v63 =	vadd.f32 v42, v34  }
0x49: {  	s29 =	sadd.s32 s26, s28;
	s28 =	sadd.s32 s26, s30;
	s30 =	sadd.s32 s23, s25;
	v33 =	vadd.f32 v43, v36;
	v36 =	vmul.f32 v59, v59;
	v32 =	vadd.f32 v61, v32  }
0x4a: {  	s25 =	sadd.s32 s26, s31;
	s26 =	sadd.s32 s26, s30;
	s30 =	simm.s32 $0x0;
	v34 =	vadd.f32 v35, v62;
	v35 =	vmul.f32 $-5.000000000e-01, v63  }
.LBB2_3:
0x4b: {  	p0 =	sne.s32 s24, $0x7F0;
	v32 =	vmul.f32 $-5.000000000e-01, v32;
	v33 =	vadd.f32 v36, v33;
	s18 =	sadd.s32 $0x80, s18;
	s30 =	sadd.s32 $0x1, s30  }
0x4c: {  	s31 =	smov.u32 s24;
	s24 =	sadd.s32 $0x10, s24;
	v34 =	vmul.f32 $-5.000000000e-01, v34;
	v35 =	vmul.f32 $1.442695020e+00, v35  }
0x4d: {  	v32 =	vmul.f32 $1.442695020e+00, v32;
	v33 =	vmul.f32 $-5.000000000e-01, v33  }
0x4e: {  	v34 =	vmul.f32 $1.442695020e+00, v34;
	(erf) = vpow2.f32 v35  }
0x4f: {  	v33 =	vmul.f32 $1.442695020e+00, v33;
	(erf) = vpow2.f32 v32  }
0x50: {  	(erf) = vpow2.f32 v34  }
0x51: {  	(erf) = vpow2.f32 v33;
	_ =	sdelay $0x5  }
0x52: {  	v32 =	vpop (erf)  }
0x53: {  	v33 =	vpop (erf)  }
0x54: {  	[tilespmem:s29+$0x0] =	vst v33;
	v33 =	vpop (erf)  }
0x55: {  	s0 =	sand.u32 $0x70, s31;
	s29 =	sand.u32 $0x3C00, s18;
	[tilespmem:s28+$0x0] =	vst v33;
	v33 =	vpop (erf)  }
0x56: {  	s31 =	sor.u32 s0, s29;
	s2 =	sadd.s32 s29, s20;
	[tilespmem:s25+$0x0] =	vst v32  }
0x57: {  	s25 =	sadd.s32 s19, s2;
	s28 =	sadd.s32 s21, s2;
	s1 =	sadd.s32 s22, s2;
	[tilespmem:s26+$0x0] =	vst v33  }
0x58: {  	s29 =	sadd.s32 s0, s25;
	s28 =	sadd.s32 s0, s28;
	s25 =	sadd.s32 s0, s1;
	v32 =	vld [tilespmem:s31+$0x0]  }
0x59: {  	s1 =	sadd.s32 s23, s2;
	v33 =	vld [tilespmem:s31+$0x200]  }
0x5a: {  	s26 =	sadd.s32 s0, s1;
	v34 =	vld [tilespmem:s31+$0x280]  }
0x5b: {  	v35 =	vld [tilespmem:s31+$0x80]  }
0x5c: {  	v36 =	vld [tilespmem:s31+$0x180];
	_ =	sdelay $0x1  }
0x5d: {  	v37 =	vsub.f32 v32, v9;
	v38 =	vsub.f32 v32, v13  }
0x5e: {  	v40 =	vsub.f32 v32, v0;
	v39 =	vld [tilespmem:s31+$0x100];
	v41 =	vsub.f32 v34, v8  }
0x5f: {  	v42 =	vsub.f32 v33, v3;
	v43 =	vsub.f32 v34, v4  }
0x60: {  	v44 =	vsub.f32 v33, v7;
	v45 =	vsub.f32 v34, v12  }
0x61: {  	v37 =	vmul.f32 v37, v37;
	v46 =	vsub.f32 v35, v10;
	v47 =	vsub.f32 v36, v15  }
0x62: {  	v40 =	vmul.f32 v40, v40;
	v48 =	vsub.f32 v35, v6;
	v49 =	vsub.f32 v35, v14  }
0x63: {  	v50 =	vsub.f32 v36, v11;
	v46 =	vmul.f32 v46, v46;
	v51 =	vsub.f32 v39, v16  }
0x64: {  	v32 =	vsub.f32 v32, v5;
	v48 =	vmul.f32 v48, v48;
	v52 =	vsub.f32 v39, v17  }
0x65: {  	v49 =	vmul.f32 v49, v49;
	v53 =	vsub.f32 v39, v2;
	v39 =	vsub.f32 v39, v18  }
0x66: {  	v54 =	vsub.f32 v33, v19;
	v35 =	vsub.f32 v35, v1;
	v51 =	vmul.f32 v51, v51  }
0x67: {  	v34 =	vsub.f32 v34, v20;
	v42 =	vmul.f32 v42, v42;
	v52 =	vmul.f32 v52, v52  }
0x68: {  	v33 =	vsub.f32 v33, v21;
	v37 =	vadd.f32 v46, v37;
	v53 =	vmul.f32 v53, v53  }
0x69: {  	v44 =	vmul.f32 v44, v44;
	v46 =	vsub.f32 v36, v22;
	v39 =	vmul.f32 v39, v39  }
0x6a: {  	v38 =	vmul.f32 v38, v38;
	v33 =	vmul.f32 v33, v33;
	v36 =	vsub.f32 v36, v23;
	v55 =	vld [tilespmem:s31+$0x300]  }
0x6b: {  	v32 =	vmul.f32 v32, v32;
	v37 =	vadd.f32 v39, v37;
	v39 =	vmul.f32 v54, v54  }
0x6c: {  	v35 =	vmul.f32 v35, v35;
	v47 =	vmul.f32 v47, v47;
	v38 =	vadd.f32 v49, v38  }
0x6d: {  	s0 =	sand.u32 $0x7, s30;
	v32 =	vadd.f32 v48, v32;
	v48 =	vmul.f32 v50, v50;
	v36 =	vmul.f32 v36, v36  }
0x6e: {  	s0 =	sshll.u32 s0, $0x4;
	v35 =	vadd.f32 v35, v40;
	v40 =	vmul.f32 v46, v46;
	v38 =	vadd.f32 v51, v38  }
0x6f: {  	s0 =	sadd.s32 s0, s18;
	v45 =	vmul.f32 v45, v45;
	v37 =	vadd.f32 v48, v37;
	v46 =	vsub.f32 v55, v24  }
0x70: {  	s0 =	sor.u32 $0x380, s0;
	v41 =	vmul.f32 v41, v41;
	v32 =	vadd.f32 v52, v32;
	v48 =	vsub.f32 v55, v25  }
0x71: {  	v43 =	vmul.f32 v43, v43;
	v35 =	vadd.f32 v53, v35;
	v38 =	vadd.f32 v47, v38;
	v49 =	vld [tilespmem:s0+$0x0]  }
0x72: {  	v32 =	vadd.f32 v40, v32;
	v33 =	vadd.f32 v33, v37;
	v40 =	vmul.f32 v48, v48  }
0x73: {  	v38 =	vadd.f32 v39, v38;
	v37 =	vsub.f32 v55, v26  }
0x74: {  	v34 =	vmul.f32 v34, v34;
	v35 =	vadd.f32 v36, v35;
	v32 =	vadd.f32 v44, v32  }
0x75: {  	v33 =	vadd.f32 v45, v33;
	v36 =	vmul.f32 v37, v37;
	v37 =	vsub.f32 v55, v28  }
0x76: {  	v35 =	vadd.f32 v42, v35;
	v42 =	vmul.f32 v46, v46;
	v39 =	vsub.f32 v49, v29  }
0x77: {  	v37 =	vmul.f32 v37, v37;
	v44 =	vsub.f32 v49, v27;
	v45 =	vsub.f32 v49, v30  }
0x78: {  	v35 =	vadd.f32 v43, v35;
	v43 =	vsub.f32 v49, v31;
	v39 =	vmul.f32 v39, v39  }
.Ltmp0:
0x79: {  	v32 =	vadd.f32 v41, v32;
	v33 =	vadd.f32 v37, v33;
	v44 =	vmul.f32 v44, v44;
	(pc) =	sbr.rel @p0 .LBB2_3-.Ltmp0, $4  }
0x7a: {  	v34 =	vadd.f32 v34, v38;
	v35 =	vadd.f32 v36, v35;
	v37 =	vmul.f32 v43, v43  }
0x7b: {  	v38 =	vadd.f32 v40, v32;
	v39 =	vadd.f32 v39, v33  }
0x7c: {  	v36 =	vmul.f32 v45, v45;
	v32 =	vadd.f32 v44, v35;
	v33 =	vadd.f32 v42, v34  }
0x7d: {  	v34 =	vadd.f32 v37, v38;
	v35 =	vmul.f32 $-5.000000000e-01, v39  }
0x7e: {  	v0 =	vmul.f32 $-5.000000000e-01, v32;
	v1 =	vadd.f32 v36, v33  }
0x7f: {  	v2 =	vmul.f32 $-5.000000000e-01, v34;
	v3 =	vmul.f32 $1.442695020e+00, v35  }
0x80: {  	v0 =	vmul.f32 $1.442695020e+00, v0;
	v1 =	vmul.f32 $-5.000000000e-01, v1  }
0x81: {  	v2 =	vmul.f32 $1.442695020e+00, v2;
	(erf) = vpow2.f32 v3  }
0x82: {  	(erf) = vpow2.f32 v0  }
0x83: {  	v59 =	vmul.f32 $1.442695020e+00, v1;
	(erf) = vpow2.f32 v2;
	_ =	sdelay $0x1  }
0x84: {  	(erf) = vpow2.f32 v59;
	_ =	sdelay $0x3  }
0x85: {  	s17 =	sadd.s32 $0x1, s17  }
0x86: {  	p0 =	sne.s32 s17, $0x4;
	v60 =	vpop (erf)  }
.Ltmp1:
0x87: {  	v61 =	vpop (erf);
	(pc) =	sbr.rel @p0 .LBB2_2-.Ltmp1, $4  }
0x88: {  	[tilespmem:s29+$0x0] =	vst v61;
	v62 =	vpop (erf)  }
0x89: {  	[tilespmem:s28+$0x0] =	vst v62  }
0x8a: {  	v63 =	vpop (erf);
	[tilespmem:s25+$0x0] =	vst v60  }
0x8b: {  	[tilespmem:s26+$0x0] =	vst v63  }
0x8c: {  	s17 =	simm.s32 $0x0;
	s18 =	simm.s32 $0x0  }
0x8d: {  	[hbm4b:s4+s17] =	stream.linear.scatter [tilespmem:s12], [sflag:$0x1], $0x8000, $0x38;
	[tilespmem:$0x16000] =	vst v63  }
.LBB2_6:
0x8e: {  	s21 =	sshll.u32 s18, $0x9  }
0x8f: {  	s22 =	sand.u32 $0x3FFFFE00, s21  }
0x90: {  	v0 =	vld [tilespmem:s22+$0x4800]  }
0x91: {  	v1 =	vld [tilespmem:s22+$0x4810]  }
0x92: {  	v2 =	vld [tilespmem:s22+$0x4820]  }
0x93: {  	v4 =	vld [tilespmem:s22+$0x4840]  }
0x94: {  	v5 =	vld [tilespmem:s22+$0x4850]  }
0x95: {  	v6 =	vld [tilespmem:s22+$0x4880]  }
0x96: {  	v7 =	vld [tilespmem:s22+$0x4890]  }
0x97: {  	v8 =	vld [tilespmem:s22+$0x48A0]  }
0x98: {  	s19 =	sand.u32 $0x70, s17;
	s23 =	sand.u32 $0x3C00, s17;
	v9 =	vld [tilespmem:s22+$0x4900]  }
0x99: {  	s20 =	sor.u32 s19, s23;
	v10 =	vld [tilespmem:s22+$0x4920]  }
0x9a: {  	v20 =	vld [tilespmem:s20+$0x100]  }
0x9b: {  	v18 =	vld [tilespmem:s20+$0x0]  }
0x9c: {  	v19 =	vld [tilespmem:s20+$0x80]  }
0x9d: {  	v11 =	vld [tilespmem:s22+$0x4910]  }
0x9e: {  	v12 =	vld [tilespmem:s22+$0x4980]  }
0x9f: {  	v13 =	vld [tilespmem:s22+$0x4990]  }
0xa0: {  	v15 =	vld [tilespmem:s22+$0x49A0]  }
0xa1: {  	v16 =	vld [tilespmem:s22+$0x4930];
	v21 =	vsub.f32 v20, v2;
	v17 =	vsub.f32 v20, v10  }
0xa2: {  	v27 =	vld [tilespmem:s20+$0x180];
	v22 =	vsub.f32 v18, v6;
	v23 =	vsub.f32 v18, v0  }
0xa3: {  	v34 =	vld [tilespmem:s20+$0x200];
	v24 =	vsub.f32 v19, v1;
	v25 =	vsub.f32 v18, v9  }
0xa4: {  	v36 =	vld [tilespmem:s20+$0x280];
	v28 =	vsub.f32 v19, v7;
	v29 =	vsub.f32 v19, v11  }
0xa5: {  	v30 =	vsub.f32 v18, v12;
	v31 =	vsub.f32 v19, v13  }
0xa6: {  	v14 =	vld [tilespmem:s22+$0x48B0];
	v32 =	vsub.f32 v20, v8;
	v33 =	vsub.f32 v20, v15  }
0xa7: {  	v18 =	vld [tilespmem:s22+$0x48C0];
	v35 =	vsub.f32 v27, v16;
	v22 =	vmul.f32 v22, v22;
	v24 =	vmul.f32 v24, v24  }
0xa8: {  	v19 =	vld [tilespmem:s22+$0x4940];
	v48 =	vsub.f32 v34, v4;
	v23 =	vmul.f32 v23, v23;
	v29 =	vmul.f32 v29, v29  }
0xa9: {  	s0 =	sand.u32 $0x7, s17;
	v20 =	vld [tilespmem:s22+$0x49C0];
	v50 =	vsub.f32 v36, v5;
	v25 =	vmul.f32 v25, v25;
	v28 =	vmul.f32 v28, v28  }
0xaa: {  	s0 =	sshll.u32 s0, $0x4;
	v3 =	vld [tilespmem:s22+$0x4830];
	v31 =	vmul.f32 v31, v31;
	v30 =	vmul.f32 v30, v30;
	v23 =	vadd.f32 v24, v23  }
0xab: {  	s0 =	sadd.s32 $0x0, s0;
	v26 =	vmul.f32 v17, v17;
	v17 =	vld [tilespmem:s22+$0x49B0];
	v25 =	vadd.f32 v29, v25;
	v22 =	vadd.f32 v28, v22  }
0xac: {  	v39 =	vld [tilespmem:s20+$0x300];
	s0 =	sor.u32 $0x380, s0;
	v24 =	vmul.f32 v21, v21;
	v29 =	vsub.f32 v27, v14;
	v30 =	vadd.f32 v31, v30  }
0xad: {  	v43 =	vld [tilespmem:s0+$0x0];
	v28 =	vmul.f32 v32, v32;
	v38 =	vsub.f32 v34, v18;
	v40 =	vsub.f32 v34, v19  }
0xae: {  	v33 =	vmul.f32 v33, v33;
	v21 =	vld [tilespmem:s22+$0x49D0];
	v34 =	vsub.f32 v34, v20;
	v37 =	vadd.f32 v24, v23  }
0xaf: {  	v28 =	vadd.f32 v28, v22;
	v29 =	vmul.f32 v29, v29;
	v25 =	vadd.f32 v26, v25;
	v23 =	vld [tilespmem:s22+$0x4950]  }
0xb0: {  	v26 =	vmul.f32 v35, v35;
	v24 =	vld [tilespmem:s22+$0x49E0];
	v47 =	vsub.f32 v27, v17;
	v27 =	vsub.f32 v27, v3  }
0xb1: {  	v22 =	vld [tilespmem:s22+$0x48D0];
	v33 =	vadd.f32 v33, v30;
	v38 =	vmul.f32 v38, v38;
	v28 =	vadd.f32 v29, v28  }
0xb2: {  	v30 =	vld [tilespmem:s22+$0x49F0];
	v31 =	vmul.f32 v40, v40;
	v29 =	vadd.f32 v26, v25;
	v27 =	vmul.f32 v27, v27  }
0xb3: {  	v25 =	vld [tilespmem:s22+$0x48E0];
	v41 =	vsub.f32 v36, v21;
	v38 =	vadd.f32 v38, v28  }
0xb4: {  	v26 =	vld [tilespmem:s22+$0x4860];
	v32 =	vmul.f32 v47, v47;
	v31 =	vadd.f32 v31, v29;
	v37 =	vadd.f32 v27, v37  }
0xb5: {  	v35 =	vmul.f32 v48, v48;
	v49 =	vsub.f32 v36, v23;
	v42 =	vsub.f32 v39, v24  }
0xb6: {  	v34 =	vmul.f32 v34, v34;
	v27 =	vld [tilespmem:s22+$0x4960];
	v36 =	vsub.f32 v36, v22;
	v32 =	vadd.f32 v32, v33  }
0xb7: {  	v29 =	vld [tilespmem:s22+$0x4870];
	v41 =	vmul.f32 v41, v41;
	v58 =	vsub.f32 v43, v30;
	v35 =	vadd.f32 v35, v37  }
0xb8: {  	v28 =	vld [tilespmem:s22+$0x4970];
	v40 =	vmul.f32 v49, v49;
	v37 =	vmul.f32 v50, v50;
	v44 =	vsub.f32 v39, v25  }
0xb9: {  	v52 =	vsub.f32 v39, v26;
	v36 =	vmul.f32 v36, v36;
	v32 =	vadd.f32 v34, v32  }
0xba: {  	v56 =	vmul.f32 v42, v42;
	v62 =	vmul.f32 v58, v58;
	v40 =	vadd.f32 v40, v31;
	v31 =	vld [tilespmem:s22+$0x48F0]  }
0xbb: {  	v51 =	vadd.f32 v37, v35;
	v53 =	vmul.f32 v44, v44;
	v39 =	vsub.f32 v39, v27  }
0xbc: {  	s31 =	sshll.u32 s18, $0xD;
	v32 =	vadd.f32 v41, v32;
	v35 =	vmul.f32 v52, v52;
	v57 =	vsub.f32 v43, v29  }
0xbd: {  	s1 =	sand.u32 $0x200, s21;
	s0 =	sand.u32 $0x4000, s31;
	v54 =	vadd.f32 v36, v38;
	v55 =	vsub.f32 v43, v28;
	v39 =	vmul.f32 v39, v39  }
0xbe: {  	s0 =	sor.u32 s1, s0;
	v60 =	vadd.f32 v56, v32;
	v35 =	vadd.f32 v35, v51;
	v61 =	vmul.f32 v57, v57  }
0xbf: {  	s1 =	sadd.s32 $0xE000, s0;
	v59 =	vmul.f32 v55, v55;
	v39 =	vadd.f32 v39, v40;
	v63 =	vsub.f32 v43, v31  }
0xc0: {  	s24 =	simm.s32 $0x0;
	s21 =	sadd.s32 $0x6000, s0;
	v32 =	vmov s1;
	v33 =	vadd.f32 v53, v54;
	v35 =	vadd.f32 v61, v35  }
0xc1: {  	s25 =	simm.s32 $0x0;
	s23 =	sadd.s32 s23, s21;
	s22 =	simm.s32 $0x10;
	v34 =	vadd.f32 v62, v60;
	v36 =	vmul.f32 v63, v63;
	v37 =	vadd.f32 v59, v39  }
.LBB2_7:
0xc2: {  	p0 =	sne.s32 s22, $0x7F0;
	v35 =	vmul.f32 $-5.000000000e-01, v35;
	s24 =	sadd.s32 $0x80, s24;
	s25 =	sadd.s32 $0x1, s25  }
0xc3: {  	s0 =	smov.u32 s22;
	s22 =	sadd.s32 $0x10, s22;
	v33 =	vadd.f32 v36, v33;
	v36 =	vmul.f32 $-5.000000000e-01, v37  }
0xc4: {  	v34 =	vmul.f32 $-5.000000000e-01, v34;
	v35 =	vmul.f32 $1.442695020e+00, v35  }
0xc5: {  	v33 =	vmul.f32 $-5.000000000e-01, v33;
	v36 =	vmul.f32 $1.442695020e+00, v36  }
0xc6: {  	v34 =	vmul.f32 $1.442695020e+00, v34;
	(erf) = vpow2.f32 v35  }
0xc7: {  	v33 =	vmul.f32 $1.442695020e+00, v33;
	(erf) = vpow2.f32 v36  }
0xc8: {  	(erf) = vpow2.f32 v34  }
0xc9: {  	(erf) = vpow2.f32 v33;
	_ =	sdelay $0x5  }
0xca: {  	v33 =	vpop (erf)  }
0xcb: {  	s1 =	sadd.s32 s19, s23;
	[tilespmem:v32+s20+$0x0 ss:$0x1] =	vst.idx.msk $0xffff, v33;
	v33 =	vpop (erf)  }
0xcc: {  	[tilespmem:s1+$0x8100] =	vst v33;
	v33 =	vpop (erf)  }
0xcd: {  	[tilespmem:s1+$0x8180] =	vst v33;
	v33 =	vpop (erf)  }
0xce: {  	s19 =	sand.u32 $0x70, s0;
	s0 =	sand.u32 $0x3C00, s24;
	[tilespmem:s1+$0x8080] =	vst v33  }
0xcf: {  	s23 =	sadd.s32 s0, s21;
	s20 =	sor.u32 s19, s0  }
0xd0: {  	v33 =	vld [tilespmem:s20+$0x100]  }
0xd1: {  	v34 =	vld [tilespmem:s20+$0x0]  }
0xd2: {  	v35 =	vld [tilespmem:s20+$0x80];
	_ =	sdelay $0x2  }
0xd3: {  	v36 =	vsub.f32 v33, v2;
	v37 =	vsub.f32 v33, v10  }
0xd4: {  	v38 =	vsub.f32 v34, v0;
	v39 =	vsub.f32 v34, v6  }
0xd5: {  	v41 =	vsub.f32 v34, v9;
	v40 =	vsub.f32 v35, v1;
	v37 =	vmul.f32 v37, v37  }
0xd6: {  	v43 =	vsub.f32 v35, v7;
	v44 =	vsub.f32 v35, v11;
	v42 =	vld [tilespmem:s20+$0x180];
	v39 =	vmul.f32 v39, v39  }
0xd7: {  	v34 =	vsub.f32 v34, v12;
	v35 =	vsub.f32 v35, v13;
	v40 =	vmul.f32 v40, v40  }
0xd8: {  	v45 =	vsub.f32 v33, v8;
	v38 =	vmul.f32 v38, v38;
	v44 =	vmul.f32 v44, v44  }
0xd9: {  	v33 =	vsub.f32 v33, v15;
	v41 =	vmul.f32 v41, v41;
	v35 =	vmul.f32 v35, v35;
	v46 =	vld [tilespmem:s20+$0x200]  }
0xda: {  	v34 =	vmul.f32 v34, v34;
	v38 =	vadd.f32 v40, v38;
	v40 =	vmul.f32 v43, v43  }
0xdb: {  	v36 =	vmul.f32 v36, v36;
	v41 =	vadd.f32 v44, v41;
	v43 =	vsub.f32 v42, v17  }
0xdc: {  	v39 =	vadd.f32 v40, v39;
	v40 =	vmul.f32 v45, v45;
	v44 =	vsub.f32 v42, v14  }
0xdd: {  	v33 =	vmul.f32 v33, v33;
	v36 =	vadd.f32 v36, v38;
	v38 =	vsub.f32 v42, v16;
	v45 =	vld [tilespmem:s20+$0x280]  }
0xde: {  	v39 =	vadd.f32 v40, v39;
	v40 =	vmul.f32 v44, v44;
	v47 =	vsub.f32 v46, v4  }
0xdf: {  	v42 =	vsub.f32 v42, v3;
	v37 =	vadd.f32 v37, v41;
	v38 =	vmul.f32 v38, v38  }
0xe0: {  	v41 =	vmul.f32 v43, v43;
	v39 =	vadd.f32 v40, v39;
	v40 =	vsub.f32 v46, v18  }
0xe1: {  	v42 =	vmul.f32 v42, v42;
	v37 =	vadd.f32 v38, v37;
	v38 =	vsub.f32 v46, v19;
	v43 =	vld [tilespmem:s20+$0x300]  }
0xe2: {  	v44 =	vsub.f32 v46, v20;
	v40 =	vmul.f32 v40, v40;
	v46 =	vsub.f32 v45, v21  }
0xe3: {  	s0 =	sand.u32 $0x7, s25;
	v34 =	vadd.f32 v35, v34;
	v36 =	vadd.f32 v42, v36;
	v42 =	vmul.f32 v47, v47  }
0xe4: {  	s0 =	sshll.u32 s0, $0x4;
	v38 =	vmul.f32 v38, v38;
	v35 =	vadd.f32 v40, v39;
	v39 =	vsub.f32 v45, v23  }
0xe5: {  	s0 =	sadd.s32 s0, s24;
	v36 =	vadd.f32 v42, v36;
	v42 =	vmul.f32 v44, v44;
	v40 =	vsub.f32 v45, v5  }
0xe6: {  	s0 =	sor.u32 $0x380, s0;
	v37 =	vadd.f32 v38, v37;
	v38 =	vmul.f32 v39, v39;
	v39 =	vsub.f32 v43, v24  }
0xe7: {  	v33 =	vadd.f32 v33, v34;
	v40 =	vmul.f32 v40, v40;
	v47 =	vsub.f32 v43, v25;
	v44 =	vld [tilespmem:s0+$0x0]  }
0xe8: {  	v34 =	vsub.f32 v45, v22;
	v37 =	vadd.f32 v38, v37;
	v38 =	vmul.f32 v46, v46  }
0xe9: {  	v33 =	vadd.f32 v41, v33;
	v36 =	vadd.f32 v40, v36  }
0xea: {  	v34 =	vmul.f32 v34, v34;
	v40 =	vsub.f32 v43, v26;
	v41 =	vmul.f32 v47, v47  }
0xeb: {  	v33 =	vadd.f32 v42, v33;
	v43 =	vsub.f32 v43, v27  }
0xec: {  	v34 =	vadd.f32 v34, v35;
	v39 =	vmul.f32 v39, v39;
	v35 =	vsub.f32 v44, v28  }
0xed: {  	v42 =	vmul.f32 v43, v43;
	v38 =	vadd.f32 v38, v33;
	v43 =	vsub.f32 v44, v30  }
0xee: {  	v40 =	vmul.f32 v40, v40;
	v33 =	vadd.f32 v41, v34;
	v45 =	vsub.f32 v44, v29  }
.Ltmp2:
0xef: {  	v34 =	vadd.f32 v39, v38;
	v41 =	vmul.f32 v35, v35;
	v38 =	vmul.f32 v43, v43;
	(pc) =	sbr.rel @p0 .LBB2_7-.Ltmp2, $4  }
0xf0: {  	v37 =	vadd.f32 v42, v37;
	v35 =	vadd.f32 v40, v36;
	v36 =	vmul.f32 v45, v45  }
0xf1: {  	v39 =	vsub.f32 v44, v31  }
0xf2: {  	v35 =	vadd.f32 v36, v35;
	v34 =	vadd.f32 v38, v34  }
0xf3: {  	v36 =	vmul.f32 v39, v39;
	v37 =	vadd.f32 v41, v37  }
0xf4: {  	v0 =	vmul.f32 $-5.000000000e-01, v35  }
0xf5: {  	v1 =	vadd.f32 v36, v33;
	v2 =	vmul.f32 $-5.000000000e-01, v37  }
0xf6: {  	v3 =	vmul.f32 $-5.000000000e-01, v34;
	v0 =	vmul.f32 $1.442695020e+00, v0  }
0xf7: {  	v1 =	vmul.f32 $-5.000000000e-01, v1;
	v2 =	vmul.f32 $1.442695020e+00, v2  }
0xf8: {  	v3 =	vmul.f32 $1.442695020e+00, v3;
	(erf) = vpow2.f32 v0  }
0xf9: {  	v59 =	vmul.f32 $1.442695020e+00, v1;
	(erf) = vpow2.f32 v2  }
0xfa: {  	(erf) = vpow2.f32 v3  }
0xfb: {  	(erf) = vpow2.f32 v59;
	_ =	sdelay $0x3  }
0xfc: {  	s18 =	sadd.s32 $0x1, s18  }
0xfd: {  	p0 =	sne.s32 s18, $0x4  }
.Ltmp3:
0xfe: {  	v60 =	vpop (erf);
	(pc) =	sbr.rel @p0 .LBB2_6-.Ltmp3, $4  }
0xff: {  	s0 =	sadd.s32 s19, s23;
	[tilespmem:v32+s20+$0x0 ss:$0x1] =	vst.idx.msk $0xffff, v60;
	v61 =	vpop (erf)  }
0x100: {  	[tilespmem:s0+$0x8100] =	vst v61;
	v62 =	vpop (erf)  }
0x101: {  	[tilespmem:s0+$0x8180] =	vst v62;
	v63 =	vpop (erf)  }
0x102: {  	[tilespmem:s0+$0x8080] =	vst v63  }
0x103: {  	s17 =	simm.s32 $0x0  }
0x104: {  	[hbm4b:s6+s17] =	stream.linear.scatter [tilespmem:s13], [sflag:$0x2], $0x8000, $0x38;
	[tilespmem:$0x16000] =	vst v63  }
0x105: {  	_ =	swait.ge [sflag:s14], $0x8000  }
0x106: {  	[sflag:s14] =	ssyncset.done $0x0  }
0x107: {  	s18 =	simm.s32 $0x0;
	[sflag:s14] =	ssyncadd.s32 $0xFFFF8000  }
.LBB2_10:
0x108: {  	s0 =	sshll.u32 s18, $0x9  }
0x109: {  	s20 =	sand.u32 $0x3FFFFE00, s0  }
0x10a: {  	v1 =	vld [tilespmem:s20+$0x5000]  }
0x10b: {  	v2 =	vld [tilespmem:s20+$0x5010]  }
0x10c: {  	v48 =	vld [tilespmem:s20+$0x5020]  }
0x10d: {  	v63 =	vld [tilespmem:s20+$0x5030]  }
0x10e: {  	v0 =	vld [tilespmem:s20+$0x5050]  }
0x10f: {  	v4 =	vld [tilespmem:s20+$0x5060]  }
0x110: {  	v5 =	vld [tilespmem:s20+$0x5070]  }
0x111: {  	v8 =	vld [tilespmem:s20+$0x5080]  }
0x112: {  	v7 =	vld [tilespmem:s20+$0x5090]  }
0x113: {  	v40 =	vld [tilespmem:s20+$0x50A0]  }
0x114: {  	v52 =	vld [tilespmem:s20+$0x50B0]  }
0x115: {  	v3 =	vld [tilespmem:s20+$0x50C0]  }
0x116: {  	v9 =	vld [tilespmem:s20+$0x50D0]  }
0x117: {  	v10 =	vld [tilespmem:s20+$0x50E0]  }
0x118: {  	v11 =	vld [tilespmem:s20+$0x5110]  }
0x119: {  	v12 =	vld [tilespmem:s20+$0x5160]  }
0x11a: {  	v13 =	vld [tilespmem:s20+$0x5190]  }
0x11b: {  	s1 =	sand.u32 $0x70, s17;
	s2 =	sand.u32 $0x3C00, s17;
	v15 =	vld [tilespmem:s20+$0x51C0]  }
0x11c: {  	s19 =	sor.u32 s1, s2;
	v16 =	vld [tilespmem:s20+$0x51D0]  }
0x11d: {  	v25 =	vld [tilespmem:s19+$0x280]  }
0x11e: {  	v26 =	vld [tilespmem:s19+$0x80]  }
0x11f: {  	v35 =	vld [tilespmem:s19+$0x200]  }
0x120: {  	v27 =	vld [tilespmem:s19+$0x300]  }
0x121: {  	v41 =	vld [tilespmem:s20+$0x5150]  }
0x122: {  	s30 =	sshll.u32 s18, $0xD;
	v17 =	vld [tilespmem:s20+$0x51E0]  }
0x123: {  	s1 =	sand.u32 $0x4000, s30;
	s0 =	sand.u32 $0x200, s0;
	v30 =	vld [tilespmem:s19+$0x0];
	v37 =	vsub.f32 v25, v0;
	v24 =	vsub.f32 v25, v9  }
0x124: {  	s0 =	sor.u32 s0, s1;
	v62 =	vld [tilespmem:s19+$0x100];
	v28 =	vsub.f32 v26, v13;
	v29 =	vsub.f32 v25, v16  }
0x125: {  	v45 =	vld [tilespmem:s19+$0x180];
	s0 =	sadd.s32 $0x6000, s0;
	v14 =	vmovc v9;
	v19 =	vmovc v13;
	v21 =	vmov v16;
	v31 =	vsub.f32 v35, v3;
	v38 =	vsub.f32 v35, v15  }
0x126: {  	s31 =	sand.u32 $0x7, s17;
	v54 =	vld [tilespmem:s20+$0x5100];
	[tilespmem:$0x1FFF0] =	vst v0;
	v0 =	vmov s0;
	v13 =	vmovc v3;
	v20 =	vmovc v15;
	v32 =	vsub.f32 v26, v2;
	v39 =	vsub.f32 v27, v12  }
0x127: {  	v55 =	vld [tilespmem:s20+$0x5170];
	s0 =	sshll.u32 s31, $0x4;
	v3 =	vmovc v2;
	v18 =	vmovc v12;
	v15 =	vmov v10;
	v34 =	vsub.f32 v27, v17;
	v61 =	vsub.f32 v25, v41  }
0x128: {  	v23 =	vmovc v17;
	v25 =	vld [tilespmem:s20+$0x51A0];
	v43 =	vsub.f32 v27, v4;
	v46 =	vsub.f32 v30, v8;
	s0 =	sadd.s32 $0x0, s0;
	v44 =	vmul.f32 v28, v28  }
0x129: {  	v17 =	vmovc v11;
	s0 =	sor.u32 $0x380, s0;
	v28 =	vsub.f32 v26, v7;
	v42 =	vmul.f32 v31, v31;
	v31 =	vsub.f32 v26, v11;
	v26 =	vld [tilespmem:s20+$0x5180]  }
0x12a: {  	v22 =	vmovc v41;
	v47 =	vsub.f32 v62, v40;
	v53 =	vsub.f32 v45, v52;
	v33 =	vmul.f32 v29, v29;
	v50 =	vld [tilespmem:s0+$0x0]  }
0x12b: {  	v12 =	vmovc v52;
	v36 =	vmul.f32 v24, v24;
	v29 =	vsub.f32 v27, v10;
	v24 =	vld [tilespmem:s20+$0x51F0];
	v49 =	vmul.f32 v32, v32  }
0x12c: {  	v52 =	vsub.f32 v30, v54;
	v11 =	vmovc v40;
	v40 =	vmul.f32 v39, v39;
	v27 =	vld [tilespmem:s20+$0x51B0];
	v39 =	vmul.f32 v43, v43  }
0x12d: {  	v16 =	vmovc v54;
	v57 =	vsub.f32 v62, v48;
	v54 =	vmul.f32 v46, v46;
	v41 =	vmul.f32 v29, v29;
	v29 =	vld [tilespmem:s20+$0x5120]  }
0x12e: {  	v9 =	vmovc v8;
	v56 =	vsub.f32 v30, v1;
	v46 =	vmul.f32 v61, v61;
	v60 =	vmul.f32 v31, v31;
	v31 =	vld [tilespmem:s20+$0x50F0]  }
0x12f: {  	v2 =	vmovc v1;
	v61 =	vmul.f32 v52, v52;
	v59 =	vsub.f32 v30, v26;
	v30 =	vld [tilespmem:s20+$0x5130];
	v32 =	vsub.f32 v50, v55  }
0x130: {  	v6 =	vmovc v55;
	v10 =	vmovc v7;
	v7 =	vmov v4;
	v52 =	vmul.f32 v53, v53;
	v58 =	vmul.f32 v47, v47  }
0x131: {  	v4 =	vmovc v48;
	v53 =	vsub.f32 v45, v27;
	v48 =	vsub.f32 v50, v5;
	v47 =	vmul.f32 v32, v32;
	v32 =	vld [tilespmem:s20+$0x5140]  }
0x132: {  	v8 =	vmovc v5;
	v51 =	vmul.f32 v28, v28;
	v28 =	vld [tilespmem:s20+$0x5040];
	v43 =	vsub.f32 v50, v24;
	v55 =	vsub.f32 v62, v25  }
0x133: {  	s21 =	simm.s32 $0x0;
	s22 =	simm.s32 $0x0;
	v5 =	vmovc v63;
	v63 =	vsub.f32 v45, v63;
	v62 =	vsub.f32 v62, v29;
	s20 =	simm.s32 $0x10;
	v48 =	vmul.f32 v48, v48  }
.LBB2_11:
0x134: {  	v50 =	vsub.f32 v50, v31;
	v45 =	vsub.f32 v45, v30  }
0x135: {  	v57 =	vmul.f32 v57, v57;
	v60 =	vadd.f32 v60, v61;
	v61 =	vmul.f32 v63, v63  }
0x136: {  	v63 =	vsub.f32 v35, v32;
	v51 =	vadd.f32 v51, v54;
	v54 =	vmul.f32 v59, v59  }
0x137: {  	v56 =	vmul.f32 v56, v56;
	v35 =	vsub.f32 v35, v28;
	v62 =	vmul.f32 v62, v62  }
0x138: {  	v55 =	vmul.f32 v55, v55;
	v51 =	vadd.f32 v58, v51;
	v44 =	vadd.f32 v44, v54  }
0x139: {  	v45 =	vmul.f32 v45, v45;
	v49 =	vadd.f32 v49, v56;
	v59 =	vadd.f32 v62, v60  }
0x13a: {  	v53 =	vmul.f32 v53, v53;
	v51 =	vadd.f32 v52, v51;
	v44 =	vadd.f32 v55, v44  }
0x13b: {  	v60 =	vmul.f32 v63, v63;
	v49 =	vadd.f32 v57, v49;
	v45 =	vadd.f32 v45, v59  }
0x13c: {  	v38 =	vmul.f32 v38, v38;
	v42 =	vadd.f32 v42, v51;
	v44 =	vadd.f32 v53, v44  }
0x13d: {  	v35 =	vmul.f32 v35, v35;
	v49 =	vadd.f32 v61, v49;
	v62 =	vadd.f32 v60, v45  }
0x13e: {  	v37 =	vmul.f32 v37, v37;
	v36 =	vadd.f32 v36, v42;
	v38 =	vadd.f32 v38, v44  }
0x13f: {  	v34 =	vmul.f32 v34, v34;
	v35 =	vadd.f32 v35, v49;
	v63 =	vadd.f32 v46, v62  }
0x140: {  	v50 =	vmul.f32 v50, v50;
	v36 =	vadd.f32 v41, v36;
	v33 =	vadd.f32 v33, v38  }
0x141: {  	v35 =	vadd.f32 v37, v35;
	v44 =	vadd.f32 v40, v63  }
0x142: {  	v45 =	vmul.f32 v43, v43;
	v36 =	vadd.f32 v50, v36;
	v33 =	vadd.f32 v34, v33  }
0x143: {  	v35 =	vadd.f32 v39, v35;
	v37 =	vadd.f32 v47, v44  }
0x144: {  	v36 =	vmul.f32 $-5.000000000e-01, v36;
	v33 =	vadd.f32 v45, v33  }
0x145: {  	v35 =	vadd.f32 v48, v35;
	v47 =	vmul.f32 $-5.000000000e-01, v37  }
0x146: {  	v46 =	vmul.f32 $1.442695020e+00, v36;
	v33 =	vmul.f32 $-5.000000000e-01, v33  }
0x147: {  	v35 =	vmul.f32 $-5.000000000e-01, v35;
	v36 =	vmul.f32 $1.442695020e+00, v47  }
0x148: {  	(erf) = vpow2.f32 v46;
	v33 =	vmul.f32 $1.442695020e+00, v33  }
0x149: {  	v48 =	vmul.f32 $1.442695020e+00, v35;
	(erf) = vpow2.f32 v36  }
0x14a: {  	(erf) = vpow2.f32 v33  }
0x14b: {  	(erf) = vpow2.f32 v48;
	_ =	sdelay $0x5  }
0x14c: {  	v49 =	vpop (erf)  }
0x14d: {  	s21 =	sadd.s32 $0x80, s21;
	s0 =	smov.u32 s20;
	[tilespmem:v0+s19+$0x80 ss:$0x1] =	vst.idx.msk $0xffff, v49;
	v50 =	vpop (erf)  }
0x14e: {  	s0 =	sand.u32 $0x70, s0;
	s1 =	sand.u32 $0x3C00, s21;
	[tilespmem:v0+s19+$0x100 ss:$0x1] =	vst.idx.msk $0xffff, v50;
	v51 =	vpop (erf)  }
0x14f: {  	s0 =	sor.u32 s0, s1;
	[tilespmem:v0+s19+$0x180 ss:$0x1] =	vst.idx.msk $0xffff, v51;
	v52 =	vpop (erf)  }
0x150: {  	v1 =	vld [tilespmem:$0x1FFF0];
	[tilespmem:v0+s19+$0x0 ss:$0x1] =	vst.idx.msk $0xffff, v52;
	s19 =	smov.u32 s0  }
0x151: {  	v39 =	vld [tilespmem:s19+$0x280]  }
0x152: {  	v40 =	vld [tilespmem:s19+$0x80]  }
0x153: {  	v35 =	vld [tilespmem:s19+$0x200]  }
0x154: {  	v41 =	vld [tilespmem:s19+$0x300];
	_ =	sdelay $0x1  }
0x155: {  	v37 =	vsub.f32 v39, v1;
	v53 =	vsub.f32 v39, v14  }
0x156: {  	v54 =	vsub.f32 v40, v19;
	v55 =	vsub.f32 v39, v21  }
0x157: {  	s22 =	sadd.s32 $0x1, s22;
	v47 =	vld [tilespmem:s19+$0x0];
	v56 =	vsub.f32 v35, v13;
	v38 =	vsub.f32 v35, v20  }
0x158: {  	s31 =	sand.u32 $0x7, s22;
	v57 =	vsub.f32 v40, v3;
	v48 =	vsub.f32 v41, v18  }
0x159: {  	s0 =	sshll.u32 s31, $0x4;
	v62 =	vld [tilespmem:s19+$0x100];
	v58 =	vsub.f32 v41, v15;
	v59 =	vsub.f32 v40, v10  }
0x15a: {  	s0 =	sadd.s32 s0, s21;
	v45 =	vld [tilespmem:s19+$0x180];
	v34 =	vsub.f32 v41, v23;
	v43 =	vsub.f32 v40, v17  }
0x15b: {  	s0 =	sor.u32 $0x380, s0;
	v63 =	vsub.f32 v39, v22;
	v60 =	vsub.f32 v41, v7;
	v33 =	vmul.f32 v55, v55  }
0x15c: {  	v50 =	vld [tilespmem:s0+$0x0];
	v61 =	vsub.f32 v47, v9;
	v36 =	vmul.f32 v53, v53;
	v44 =	vmul.f32 v54, v54  }
0x15d: {  	v52 =	vsub.f32 v47, v16;
	v42 =	vmul.f32 v56, v56;
	v49 =	vmul.f32 v57, v57  }
0x15e: {  	v41 =	vmul.f32 v58, v58;
	v51 =	vmul.f32 v59, v59;
	v58 =	vsub.f32 v62, v11  }
0x15f: {  	v40 =	vmul.f32 v48, v48;
	v39 =	vmul.f32 v60, v60;
	v48 =	vsub.f32 v45, v12  }
0x160: {  	p0 =	sne.s32 s20, $0x7F0;
	v57 =	vsub.f32 v62, v4;
	v46 =	vmul.f32 v63, v63;
	v56 =	vsub.f32 v47, v2  }
.Ltmp4:
0x161: {  	v60 =	vmul.f32 v43, v43;
	v43 =	vsub.f32 v50, v24;
	v63 =	vsub.f32 v50, v6;
	(pc) =	sbr.rel @p0 .LBB2_11-.Ltmp4, $4  }
0x162: {  	v54 =	vmul.f32 v61, v61;
	v55 =	vsub.f32 v62, v25;
	v1 =	vsub.f32 v50, v8  }
0x163: {  	v61 =	vmul.f32 v52, v52;
	v59 =	vsub.f32 v47, v26;
	v53 =	vsub.f32 v45, v27  }
0x164: {  	v62 =	vsub.f32 v62, v29;
	v52 =	vmul.f32 v48, v48;
	v58 =	vmul.f32 v58, v58  }
0x165: {  	s20 =	sadd.s32 $0x10, s20;
	v47 =	vmul.f32 v63, v63;
	v63 =	vsub.f32 v45, v5;
	v48 =	vmul.f32 v1, v1  }
0x166: {  	v1 =	vmul.f32 v57, v57;
	v2 =	vsub.f32 v50, v31  }
0x167: {  	v3 =	vadd.f32 v60, v61;
	v5 =	vsub.f32 v35, v32;
	v6 =	vmul.f32 v56, v56  }
0x168: {  	v7 =	vadd.f32 v51, v54;
	v8 =	vmul.f32 v59, v59;
	v9 =	vsub.f32 v35, v28  }
0x169: {  	v10 =	vsub.f32 v45, v30;
	v11 =	vmul.f32 v62, v62;
	v12 =	vmul.f32 v55, v55  }
0x16a: {  	v51 =	vmul.f32 v53, v53;
	v7 =	vadd.f32 v58, v7;
	v8 =	vadd.f32 v44, v8  }
0x16b: {  	v6 =	vadd.f32 v49, v6;
	v10 =	vmul.f32 v10, v10;
	v3 =	vadd.f32 v11, v3  }
0x16c: {  	v4 =	vmul.f32 v63, v63;
	v7 =	vadd.f32 v52, v7;
	v8 =	vadd.f32 v12, v8  }
0x16d: {  	v5 =	vmul.f32 v5, v5;
	v1 =	vadd.f32 v1, v6;
	v3 =	vadd.f32 v10, v3  }
0x16e: {  	v52 =	vmul.f32 v38, v38;
	v7 =	vadd.f32 v42, v7;
	v8 =	vadd.f32 v51, v8  }
0x16f: {  	v53 =	vmul.f32 v9, v9;
	v1 =	vadd.f32 v4, v1;
	v3 =	vadd.f32 v5, v3  }
0x170: {  	v54 =	vmul.f32 v37, v37;
	v7 =	vadd.f32 v36, v7;
	v6 =	vadd.f32 v52, v8  }
0x171: {  	v56 =	vmul.f32 v34, v34;
	v1 =	vadd.f32 v53, v1;
	v3 =	vadd.f32 v46, v3  }
0x172: {  	v2 =	vmul.f32 v2, v2;
	v55 =	vadd.f32 v41, v7;
	v6 =	vadd.f32 v33, v6  }
0x173: {  	v1 =	vadd.f32 v54, v1;
	v3 =	vadd.f32 v40, v3  }
0x174: {  	v58 =	vmul.f32 v43, v43;
	v2 =	vadd.f32 v2, v55;
	v57 =	vadd.f32 v56, v6  }
0x175: {  	v1 =	vadd.f32 v39, v1;
	v3 =	vadd.f32 v47, v3  }
0x176: {  	v2 =	vmul.f32 $-5.000000000e-01, v2;
	v4 =	vadd.f32 v58, v57  }
0x177: {  	v1 =	vadd.f32 v48, v1;
	v3 =	vmul.f32 $-5.000000000e-01, v3  }
0x178: {  	v2 =	vmul.f32 $1.442695020e+00, v2;
	v4 =	vmul.f32 $-5.000000000e-01, v4  }
0x179: {  	v1 =	vmul.f32 $-5.000000000e-01, v1;
	v3 =	vmul.f32 $1.442695020e+00, v3  }
0x17a: {  	(erf) = vpow2.f32 v2;
	v59 =	vmul.f32 $1.442695020e+00, v4  }
0x17b: {  	v1 =	vmul.f32 $1.442695020e+00, v1;
	(erf) = vpow2.f32 v3  }
0x17c: {  	(erf) = vpow2.f32 v59  }
0x17d: {  	(erf) = vpow2.f32 v1;
	_ =	sdelay $0x3  }
0x17e: {  	s18 =	sadd.s32 $0x1, s18  }
0x17f: {  	p0 =	sne.s32 s18, $0x4  }
.Ltmp5:
0x180: {  	v60 =	vpop (erf);
	(pc) =	sbr.rel @p0 .LBB2_10-.Ltmp5, $4  }
0x181: {  	[tilespmem:v0+s19+$0x80 ss:$0x1] =	vst.idx.msk $0xffff, v60;
	v61 =	vpop (erf)  }
0x182: {  	[tilespmem:v0+s19+$0x100 ss:$0x1] =	vst.idx.msk $0xffff, v61;
	v62 =	vpop (erf)  }
0x183: {  	[tilespmem:v0+s19+$0x180 ss:$0x1] =	vst.idx.msk $0xffff, v62;
	v63 =	vpop (erf)  }
0x184: {  	[tilespmem:v0+s19+$0x0 ss:$0x1] =	vst.idx.msk $0xffff, v63  }
0x185: {  	s17 =	simm.s32 $0x0  }
0x186: {  	[hbm4b:s7+s17] =	stream.linear.scatter [tilespmem:s12], [sflag:$0x1], $0x8000, $0x38;
	[tilespmem:$0x16000] =	vst v63  }
0x187: {  	_ =	swait.ge [sflag:s15], $0x8000  }
0x188: {  	[sflag:s15] =	ssyncset.done $0x0  }
0x189: {  	s18 =	simm.s32 $0x0;
	[sflag:s15] =	ssyncadd.s32 $0xFFFF8000  }
.LBB2_14:
0x18a: {  	s21 =	sshll.u32 s18, $0x9  }
0x18b: {  	s22 =	sand.u32 $0x3FFFFE00, s21  }
0x18c: {  	v0 =	vld [tilespmem:s22+$0x5800]  }
0x18d: {  	v1 =	vld [tilespmem:s22+$0x5810]  }
0x18e: {  	v2 =	vld [tilespmem:s22+$0x5820]  }
0x18f: {  	v4 =	vld [tilespmem:s22+$0x5840]  }
0x190: {  	v5 =	vld [tilespmem:s22+$0x5850]  }
0x191: {  	v6 =	vld [tilespmem:s22+$0x5880]  }
0x192: {  	v7 =	vld [tilespmem:s22+$0x5890]  }
0x193: {  	v8 =	vld [tilespmem:s22+$0x58A0]  }
0x194: {  	s19 =	sand.u32 $0x70, s17;
	s23 =	sand.u32 $0x3C00, s17;
	v9 =	vld [tilespmem:s22+$0x5900]  }
0x195: {  	s20 =	sor.u32 s19, s23;
	v10 =	vld [tilespmem:s22+$0x5920]  }
0x196: {  	v20 =	vld [tilespmem:s20+$0x100]  }
0x197: {  	v18 =	vld [tilespmem:s20+$0x0]  }
0x198: {  	v19 =	vld [tilespmem:s20+$0x80]  }
0x199: {  	v11 =	vld [tilespmem:s22+$0x5910]  }
0x19a: {  	v12 =	vld [tilespmem:s22+$0x5980]  }
0x19b: {  	v13 =	vld [tilespmem:s22+$0x5990]  }
0x19c: {  	v15 =	vld [tilespmem:s22+$0x59A0]  }
0x19d: {  	v16 =	vld [tilespmem:s22+$0x5930];
	v21 =	vsub.f32 v20, v2;
	v17 =	vsub.f32 v20, v10  }
0x19e: {  	v27 =	vld [tilespmem:s20+$0x180];
	v22 =	vsub.f32 v18, v6;
	v23 =	vsub.f32 v18, v0  }
0x19f: {  	v34 =	vld [tilespmem:s20+$0x200];
	v24 =	vsub.f32 v19, v1;
	v25 =	vsub.f32 v18, v9  }
0x1a0: {  	v36 =	vld [tilespmem:s20+$0x280];
	v28 =	vsub.f32 v19, v7;
	v29 =	vsub.f32 v19, v11  }
0x1a1: {  	v30 =	vsub.f32 v18, v12;
	v31 =	vsub.f32 v19, v13  }
0x1a2: {  	v14 =	vld [tilespmem:s22+$0x58B0];
	v32 =	vsub.f32 v20, v8;
	v33 =	vsub.f32 v20, v15  }
0x1a3: {  	v18 =	vld [tilespmem:s22+$0x58C0];
	v35 =	vsub.f32 v27, v16;
	v22 =	vmul.f32 v22, v22;
	v24 =	vmul.f32 v24, v24  }
0x1a4: {  	v19 =	vld [tilespmem:s22+$0x5940];
	v48 =	vsub.f32 v34, v4;
	v23 =	vmul.f32 v23, v23;
	v29 =	vmul.f32 v29, v29  }
0x1a5: {  	s0 =	sand.u32 $0x7, s17;
	v20 =	vld [tilespmem:s22+$0x59C0];
	v50 =	vsub.f32 v36, v5;
	v25 =	vmul.f32 v25, v25;
	v28 =	vmul.f32 v28, v28  }
0x1a6: {  	s0 =	sshll.u32 s0, $0x4;
	v3 =	vld [tilespmem:s22+$0x5830];
	v31 =	vmul.f32 v31, v31;
	v30 =	vmul.f32 v30, v30;
	v23 =	vadd.f32 v24, v23  }
0x1a7: {  	s0 =	sadd.s32 $0x0, s0;
	v26 =	vmul.f32 v17, v17;
	v17 =	vld [tilespmem:s22+$0x59B0];
	v25 =	vadd.f32 v29, v25;
	v22 =	vadd.f32 v28, v22  }
0x1a8: {  	v39 =	vld [tilespmem:s20+$0x300];
	s0 =	sor.u32 $0x380, s0;
	v24 =	vmul.f32 v21, v21;
	v29 =	vsub.f32 v27, v14;
	v30 =	vadd.f32 v31, v30  }
0x1a9: {  	v43 =	vld [tilespmem:s0+$0x0];
	v28 =	vmul.f32 v32, v32;
	v38 =	vsub.f32 v34, v18;
	v40 =	vsub.f32 v34, v19  }
0x1aa: {  	v33 =	vmul.f32 v33, v33;
	v21 =	vld [tilespmem:s22+$0x59D0];
	v34 =	vsub.f32 v34, v20;
	v37 =	vadd.f32 v24, v23  }
0x1ab: {  	v28 =	vadd.f32 v28, v22;
	v29 =	vmul.f32 v29, v29;
	v25 =	vadd.f32 v26, v25;
	v23 =	vld [tilespmem:s22+$0x5950]  }
0x1ac: {  	v26 =	vmul.f32 v35, v35;
	v24 =	vld [tilespmem:s22+$0x59E0];
	v47 =	vsub.f32 v27, v17;
	v27 =	vsub.f32 v27, v3  }
0x1ad: {  	v22 =	vld [tilespmem:s22+$0x58D0];
	v33 =	vadd.f32 v33, v30;
	v38 =	vmul.f32 v38, v38;
	v28 =	vadd.f32 v29, v28  }
0x1ae: {  	v30 =	vld [tilespmem:s22+$0x59F0];
	v31 =	vmul.f32 v40, v40;
	v29 =	vadd.f32 v26, v25;
	v27 =	vmul.f32 v27, v27  }
0x1af: {  	v25 =	vld [tilespmem:s22+$0x58E0];
	v41 =	vsub.f32 v36, v21;
	v38 =	vadd.f32 v38, v28  }
0x1b0: {  	v26 =	vld [tilespmem:s22+$0x5860];
	v32 =	vmul.f32 v47, v47;
	v31 =	vadd.f32 v31, v29;
	v37 =	vadd.f32 v27, v37  }
0x1b1: {  	v35 =	vmul.f32 v48, v48;
	v49 =	vsub.f32 v36, v23;
	v42 =	vsub.f32 v39, v24  }
0x1b2: {  	v34 =	vmul.f32 v34, v34;
	v27 =	vld [tilespmem:s22+$0x5960];
	v36 =	vsub.f32 v36, v22;
	v32 =	vadd.f32 v32, v33  }
0x1b3: {  	v29 =	vld [tilespmem:s22+$0x5870];
	v41 =	vmul.f32 v41, v41;
	v58 =	vsub.f32 v43, v30;
	v35 =	vadd.f32 v35, v37  }
0x1b4: {  	v28 =	vld [tilespmem:s22+$0x5970];
	v40 =	vmul.f32 v49, v49;
	v37 =	vmul.f32 v50, v50;
	v44 =	vsub.f32 v39, v25  }
0x1b5: {  	v52 =	vsub.f32 v39, v26;
	v36 =	vmul.f32 v36, v36;
	v32 =	vadd.f32 v34, v32  }
0x1b6: {  	v56 =	vmul.f32 v42, v42;
	v62 =	vmul.f32 v58, v58;
	v40 =	vadd.f32 v40, v31;
	v31 =	vld [tilespmem:s22+$0x58F0]  }
0x1b7: {  	v51 =	vadd.f32 v37, v35;
	v53 =	vmul.f32 v44, v44;
	v39 =	vsub.f32 v39, v27  }
0x1b8: {  	s31 =	sshll.u32 s18, $0xD;
	v32 =	vadd.f32 v41, v32;
	v35 =	vmul.f32 v52, v52;
	v57 =	vsub.f32 v43, v29  }
0x1b9: {  	s1 =	sand.u32 $0x200, s21;
	s0 =	sand.u32 $0x4000, s31;
	v54 =	vadd.f32 v36, v38;
	v55 =	vsub.f32 v43, v28;
	v39 =	vmul.f32 v39, v39  }
0x1ba: {  	s0 =	sor.u32 s1, s0;
	v60 =	vadd.f32 v56, v32;
	v35 =	vadd.f32 v35, v51;
	v61 =	vmul.f32 v57, v57  }
0x1bb: {  	s1 =	sadd.s32 $0xE000, s0;
	v59 =	vmul.f32 v55, v55;
	v39 =	vadd.f32 v39, v40;
	v63 =	vsub.f32 v43, v31  }
0x1bc: {  	s24 =	simm.s32 $0x0;
	s21 =	sadd.s32 $0x6000, s0;
	v32 =	vmov s1;
	v33 =	vadd.f32 v53, v54;
	v35 =	vadd.f32 v61, v35  }
0x1bd: {  	s25 =	simm.s32 $0x0;
	s23 =	sadd.s32 s23, s21;
	s22 =	simm.s32 $0x10;
	v34 =	vadd.f32 v62, v60;
	v36 =	vmul.f32 v63, v63;
	v37 =	vadd.f32 v59, v39  }
.LBB2_15:
0x1be: {  	p0 =	sne.s32 s22, $0x7F0;
	v35 =	vmul.f32 $-5.000000000e-01, v35;
	s24 =	sadd.s32 $0x80, s24;
	s25 =	sadd.s32 $0x1, s25  }
0x1bf: {  	s0 =	smov.u32 s22;
	s22 =	sadd.s32 $0x10, s22;
	v33 =	vadd.f32 v36, v33;
	v36 =	vmul.f32 $-5.000000000e-01, v37  }
0x1c0: {  	v34 =	vmul.f32 $-5.000000000e-01, v34;
	v35 =	vmul.f32 $1.442695020e+00, v35  }
0x1c1: {  	v33 =	vmul.f32 $-5.000000000e-01, v33;
	v36 =	vmul.f32 $1.442695020e+00, v36  }
0x1c2: {  	v34 =	vmul.f32 $1.442695020e+00, v34;
	(erf) = vpow2.f32 v35  }
0x1c3: {  	v33 =	vmul.f32 $1.442695020e+00, v33;
	(erf) = vpow2.f32 v36  }
0x1c4: {  	(erf) = vpow2.f32 v34  }
0x1c5: {  	(erf) = vpow2.f32 v33;
	_ =	sdelay $0x5  }
0x1c6: {  	v33 =	vpop (erf)  }
0x1c7: {  	s1 =	sadd.s32 s19, s23;
	[tilespmem:v32+s20+$0x0 ss:$0x1] =	vst.idx.msk $0xffff, v33;
	v33 =	vpop (erf)  }
0x1c8: {  	[tilespmem:s1+$0x8100] =	vst v33;
	v33 =	vpop (erf)  }
0x1c9: {  	[tilespmem:s1+$0x8180] =	vst v33;
	v33 =	vpop (erf)  }
0x1ca: {  	s19 =	sand.u32 $0x70, s0;
	s0 =	sand.u32 $0x3C00, s24;
	[tilespmem:s1+$0x8080] =	vst v33  }
0x1cb: {  	s23 =	sadd.s32 s0, s21;
	s20 =	sor.u32 s19, s0  }
0x1cc: {  	v33 =	vld [tilespmem:s20+$0x100]  }
0x1cd: {  	v34 =	vld [tilespmem:s20+$0x0]  }
0x1ce: {  	v35 =	vld [tilespmem:s20+$0x80];
	_ =	sdelay $0x2  }
0x1cf: {  	v36 =	vsub.f32 v33, v2;
	v37 =	vsub.f32 v33, v10  }
0x1d0: {  	v38 =	vsub.f32 v34, v0;
	v39 =	vsub.f32 v34, v6  }
0x1d1: {  	v41 =	vsub.f32 v34, v9;
	v40 =	vsub.f32 v35, v1;
	v37 =	vmul.f32 v37, v37  }
0x1d2: {  	v43 =	vsub.f32 v35, v7;
	v44 =	vsub.f32 v35, v11;
	v42 =	vld [tilespmem:s20+$0x180];
	v39 =	vmul.f32 v39, v39  }
0x1d3: {  	v34 =	vsub.f32 v34, v12;
	v35 =	vsub.f32 v35, v13;
	v40 =	vmul.f32 v40, v40  }
0x1d4: {  	v45 =	vsub.f32 v33, v8;
	v38 =	vmul.f32 v38, v38;
	v44 =	vmul.f32 v44, v44  }
0x1d5: {  	v33 =	vsub.f32 v33, v15;
	v41 =	vmul.f32 v41, v41;
	v35 =	vmul.f32 v35, v35;
	v46 =	vld [tilespmem:s20+$0x200]  }
0x1d6: {  	v34 =	vmul.f32 v34, v34;
	v38 =	vadd.f32 v40, v38;
	v40 =	vmul.f32 v43, v43  }
0x1d7: {  	v36 =	vmul.f32 v36, v36;
	v41 =	vadd.f32 v44, v41;
	v43 =	vsub.f32 v42, v17  }
0x1d8: {  	v39 =	vadd.f32 v40, v39;
	v40 =	vmul.f32 v45, v45;
	v44 =	vsub.f32 v42, v14  }
0x1d9: {  	v33 =	vmul.f32 v33, v33;
	v36 =	vadd.f32 v36, v38;
	v38 =	vsub.f32 v42, v16;
	v45 =	vld [tilespmem:s20+$0x280]  }
0x1da: {  	v39 =	vadd.f32 v40, v39;
	v40 =	vmul.f32 v44, v44;
	v47 =	vsub.f32 v46, v4  }
0x1db: {  	v42 =	vsub.f32 v42, v3;
	v37 =	vadd.f32 v37, v41;
	v38 =	vmul.f32 v38, v38  }
0x1dc: {  	v41 =	vmul.f32 v43, v43;
	v39 =	vadd.f32 v40, v39;
	v40 =	vsub.f32 v46, v18  }
0x1dd: {  	v42 =	vmul.f32 v42, v42;
	v37 =	vadd.f32 v38, v37;
	v38 =	vsub.f32 v46, v19;
	v43 =	vld [tilespmem:s20+$0x300]  }
0x1de: {  	v44 =	vsub.f32 v46, v20;
	v40 =	vmul.f32 v40, v40;
	v46 =	vsub.f32 v45, v21  }
0x1df: {  	s0 =	sand.u32 $0x7, s25;
	v34 =	vadd.f32 v35, v34;
	v36 =	vadd.f32 v42, v36;
	v42 =	vmul.f32 v47, v47  }
0x1e0: {  	s0 =	sshll.u32 s0, $0x4;
	v38 =	vmul.f32 v38, v38;
	v35 =	vadd.f32 v40, v39;
	v39 =	vsub.f32 v45, v23  }
0x1e1: {  	s0 =	sadd.s32 s0, s24;
	v36 =	vadd.f32 v42, v36;
	v42 =	vmul.f32 v44, v44;
	v40 =	vsub.f32 v45, v5  }
0x1e2: {  	s0 =	sor.u32 $0x380, s0;
	v37 =	vadd.f32 v38, v37;
	v38 =	vmul.f32 v39, v39;
	v39 =	vsub.f32 v43, v24  }
0x1e3: {  	v33 =	vadd.f32 v33, v34;
	v40 =	vmul.f32 v40, v40;
	v47 =	vsub.f32 v43, v25;
	v44 =	vld [tilespmem:s0+$0x0]  }
0x1e4: {  	v34 =	vsub.f32 v45, v22;
	v37 =	vadd.f32 v38, v37;
	v38 =	vmul.f32 v46, v46  }
0x1e5: {  	v33 =	vadd.f32 v41, v33;
	v36 =	vadd.f32 v40, v36  }
0x1e6: {  	v34 =	vmul.f32 v34, v34;
	v40 =	vsub.f32 v43, v26;
	v41 =	vmul.f32 v47, v47  }
0x1e7: {  	v33 =	vadd.f32 v42, v33;
	v43 =	vsub.f32 v43, v27  }
0x1e8: {  	v34 =	vadd.f32 v34, v35;
	v39 =	vmul.f32 v39, v39;
	v35 =	vsub.f32 v44, v28  }
0x1e9: {  	v42 =	vmul.f32 v43, v43;
	v38 =	vadd.f32 v38, v33;
	v43 =	vsub.f32 v44, v30  }
0x1ea: {  	v40 =	vmul.f32 v40, v40;
	v33 =	vadd.f32 v41, v34;
	v45 =	vsub.f32 v44, v29  }
.Ltmp6:
0x1eb: {  	v34 =	vadd.f32 v39, v38;
	v41 =	vmul.f32 v35, v35;
	v38 =	vmul.f32 v43, v43;
	(pc) =	sbr.rel @p0 .LBB2_15-.Ltmp6, $4  }
0x1ec: {  	v37 =	vadd.f32 v42, v37;
	v35 =	vadd.f32 v40, v36;
	v36 =	vmul.f32 v45, v45  }
0x1ed: {  	v39 =	vsub.f32 v44, v31  }
0x1ee: {  	v35 =	vadd.f32 v36, v35;
	v34 =	vadd.f32 v38, v34  }
0x1ef: {  	v36 =	vmul.f32 v39, v39;
	v37 =	vadd.f32 v41, v37  }
0x1f0: {  	v0 =	vmul.f32 $-5.000000000e-01, v35  }
0x1f1: {  	v1 =	vadd.f32 v36, v33;
	v2 =	vmul.f32 $-5.000000000e-01, v37  }
0x1f2: {  	v3 =	vmul.f32 $-5.000000000e-01, v34;
	v0 =	vmul.f32 $1.442695020e+00, v0  }
0x1f3: {  	v1 =	vmul.f32 $-5.000000000e-01, v1;
	v2 =	vmul.f32 $1.442695020e+00, v2  }
0x1f4: {  	v3 =	vmul.f32 $1.442695020e+00, v3;
	(erf) = vpow2.f32 v0  }
0x1f5: {  	v59 =	vmul.f32 $1.442695020e+00, v1;
	(erf) = vpow2.f32 v2  }
0x1f6: {  	(erf) = vpow2.f32 v3  }
0x1f7: {  	(erf) = vpow2.f32 v59;
	_ =	sdelay $0x3  }
0x1f8: {  	s18 =	sadd.s32 $0x1, s18  }
0x1f9: {  	p0 =	sne.s32 s18, $0x4  }
.Ltmp7:
0x1fa: {  	v60 =	vpop (erf);
	(pc) =	sbr.rel @p0 .LBB2_14-.Ltmp7, $4  }
0x1fb: {  	s0 =	sadd.s32 s19, s23;
	[tilespmem:v32+s20+$0x0 ss:$0x1] =	vst.idx.msk $0xffff, v60;
	v61 =	vpop (erf)  }
0x1fc: {  	[tilespmem:s0+$0x8100] =	vst v61;
	v62 =	vpop (erf)  }
0x1fd: {  	[tilespmem:s0+$0x8180] =	vst v62;
	v63 =	vpop (erf)  }
0x1fe: {  	[tilespmem:s0+$0x8080] =	vst v63  }
0x1ff: {  	[hbm4b:s8+s3] =	stream.linear.scatter [tilespmem:s13], [sflag:$0x2], $0x8000, $0x38;
	[tilespmem:$0x16000] =	vst v63  }
0x200: {  	s16 =	sadd.s32 $0x1, s16  }
0x201: {  	_ =	swait.ge [sflag:s14], $0x8000;
	p0 =	sne.s32 s16, s9  }
.Ltmp8:
0x202: {  	[sflag:s14] =	ssyncset.done $0x0;
	(pc) =	sbr.rel @p0 .LBB2_1-.Ltmp8, $4  }
0x203: {  	[sflag:s14] =	ssyncadd.s32 $0xFFFF8000  }
0x204: {  	_ =	swait.ge [sflag:s15], $0x8000  }
0x205: {  	[sflag:s15] =	ssyncset.done $0x0  }
0x206: {  	[sflag:s15] =	ssyncadd.s32 $0xFFFF8000  }
0x207: {  	_ =	sfence.sel $0x180000  }
0x208: {  	[bflag:$0x0] =	sbarrier.arrive $0xFFFF  }
0x209: {  	_ =	strace $0x90000047  }
0x20a: {  	s0 =	stileid.u32;
	[bflag:$0x2] =	sbarrier.arrive $0xFFFF  }
0x20b: {  	p0 =	sne.s32 s0, $0x0;
	s0 =	rddreg [dreg:$0x3]  }
0x20c: {  	s0 =	sadd.s32 @!p0 $0x100000, s0  }
0x20d: {  	[sflag:s0] =	ssyncadd.tile.s32 @!p0 $0x1;
	_ =	shalt  }
.Lfunc_end2:
_tile_overlayer_lowered:
.L_overlay_start_2:
0x20e: {  	(tag) =	ssettag $0x2  }
0x20f: {  	s0 =	rddreg [dreg:$0x0];
	s2 =	stileid.u32  }
0x210: {  	s1 =	rddreg [dreg:$0x1];
	p0 =	sne.s32 s2, $0x0  }
0x211: {  	s3 =	rddreg [dreg:$0x2];
	[bflag:$0x3] =	sbarrier.arrive $0xFFFF;
	s2 =	simm.s32 @!p0 $0x1C04  }
0x212: {  	[timem:s3], [sflag:s2] =	dma.local @!p0 [hbm:s0], s1  }
0x213: {  	s0 =	simm.s32 @!p0 $0x4  }
0x214: {  	_ =	swait.ge @!p0 [sflag:s0], s1  }
0x215: {  	s1 =	ssub.s32 @!p0 $0x0, s1;
	[sflag:s0] =	ssyncset.done @!p0 $0x0  }
0x216: {  	[sflag:s0] =	ssyncadd.s32 @!p0 s1  }
0x217: {  	[bflag:$0x3] =	sbarrier.arrive $0xFFFF  }
0x218: {  	_ =	shalt  }

</sc_bundles>
